<compile_context>
chip_gen: v7x
topology: tpu7x:2x2x1
jax: 0.10.2.dev20260603
libtpu: 0.0.44.dev20260713+nightly
codegen_flags: <defaults>
</compile_context>

<pallas_src>
import jax
import jax.numpy as jnp
from jax import lax
from jax.experimental import pallas as pl
from jax.experimental.pallas import tpu as pltpu
from jax.experimental.pallas import tpu_sc as plsc

N = 10000
E = 320000
D = 128
NUM_LAYERS = 3

NP = 10240
NC = 2
NS = 16
NTILES = NC * NS
CH = 128
NCH = (E // NTILES + CH - 1) // CH
ET = NCH * CH
EP = NTILES * ET
RPT = NP // NS

_f32 = jnp.float32



_BR = 2560


def _prep0_body(x_ref, w_ref, a2_ref, h_ref, p_ref):
    h = jnp.dot(x_ref[...], w_ref[...], preferred_element_type=_f32)
    h_ref[...] = h
    p_ref[...] = jnp.dot(h, a2_ref[...], preferred_element_type=_f32)


def _prep0(x, W, A2):
    return pl.pallas_call(
        _prep0_body,
        grid=(NP // _BR,),
        in_specs=[
            pl.BlockSpec((_BR, D), lambda i: (i, 0)),
            pl.BlockSpec((D, D), lambda i: (0, 0)),
            pl.BlockSpec((D, D), lambda i: (0, 0)),
        ],
        out_specs=[
            pl.BlockSpec((_BR, D), lambda i: (i, 0)),
            pl.BlockSpec((_BR, D), lambda i: (i, 0)),
        ],
        out_shape=[
            jax.ShapeDtypeStruct((NP, D), _f32),
            jax.ShapeDtypeStruct((NP, D), _f32),
        ],
    )(x, W, A2)


def _prepl_body(acc_ref, d_ref, b_ref, w_ref, a2_ref, x_ref, h_ref, p_ref):
    x = (acc_ref[0] + acc_ref[1]) / (d_ref[...] + 1e-16) + b_ref[...]
    x_ref[...] = x
    h = jnp.dot(x, w_ref[...], preferred_element_type=_f32)
    h_ref[...] = h
    p_ref[...] = jnp.dot(h, a2_ref[...], preferred_element_type=_f32)


def _prepl(acc, dsum, b1, W, A2):
    return pl.pallas_call(
        _prepl_body,
        grid=(NP // _BR,),
        in_specs=[
            pl.BlockSpec((NC, _BR, D), lambda i: (0, i, 0)),
            pl.BlockSpec((_BR, 1), lambda i: (i, 0)),
            pl.BlockSpec((1, D), lambda i: (0, 0)),
            pl.BlockSpec((D, D), lambda i: (0, 0)),
            pl.BlockSpec((D, D), lambda i: (0, 0)),
        ],
        out_specs=[
            pl.BlockSpec((_BR, D), lambda i: (i, 0)),
            pl.BlockSpec((_BR, D), lambda i: (i, 0)),
            pl.BlockSpec((_BR, D), lambda i: (i, 0)),
        ],
        out_shape=[
            jax.ShapeDtypeStruct((NP, D), _f32),
            jax.ShapeDtypeStruct((NP, D), _f32),
            jax.ShapeDtypeStruct((NP, D), _f32),
        ],
    )(acc, dsum, b1, W, A2)


def _maxs_body(p_ref, o_ref):
    o_ref[...] = jnp.full((1, 16), jnp.max(p_ref[...][:, 0:1]), _f32)


def _maxs(P):
    return pl.pallas_call(
        _maxs_body,
        out_shape=jax.ShapeDtypeStruct((1, 16), _f32),
    )(P)


def _denmerge_body(d_ref, o_ref):
    o_ref[...] = jnp.sum(d_ref[...], axis=0)


def _denmerge(den):
    return pl.pallas_call(
        _denmerge_body,
        out_shape=jax.ShapeDtypeStruct((NP // 128, 128), _f32),
    )(den)


def _final_body(x0_ref, x1_ref, x2_ref, acc_ref, d_ref, b_ref, wo_ref,
                bo_ref, y_ref):
    x3 = (acc_ref[0] + acc_ref[1]) / (d_ref[...] + 1e-16) + b_ref[...]
    y = jnp.dot(x0_ref[...], wo_ref[0], preferred_element_type=_f32)
    y += jnp.dot(x1_ref[...], wo_ref[1], preferred_element_type=_f32)
    y += jnp.dot(x2_ref[...], wo_ref[2], preferred_element_type=_f32)
    y += jnp.dot(x3, wo_ref[3], preferred_element_type=_f32)
    y_ref[...] = y + bo_ref[...]


def _final(x0, x1, x2, acc, dsum, b1, Wo, bo1):
    return pl.pallas_call(
        _final_body,
        grid=(NP // _BR,),
        in_specs=[
            pl.BlockSpec((_BR, D), lambda i: (i, 0)),
            pl.BlockSpec((_BR, D), lambda i: (i, 0)),
            pl.BlockSpec((_BR, D), lambda i: (i, 0)),
            pl.BlockSpec((NC, _BR, D), lambda i: (0, i, 0)),
            pl.BlockSpec((_BR, 1), lambda i: (i, 0)),
            pl.BlockSpec((1, D), lambda i: (0, 0)),
            pl.BlockSpec((4, D, D), lambda i: (0, 0, 0)),
            pl.BlockSpec((1, D), lambda i: (0, 0)),
        ],
        out_specs=pl.BlockSpec((_BR, D), lambda i: (i, 0)),
        out_shape=jax.ShapeDtypeStruct((NP, D), _f32),
    )(x0, x1, x2, acc, dsum, b1, Wo, bo1)




def _sc_edge_body(h_hbm, sa_hbm, ad_hbm, mx_hbm, src_hbm, dst_hbm,
                  acc_hbm, den_hbm,
                  acc_s, den_s, sa_t, ad_t, mx_t, src_t, dst_t, exs, rows,
                  zbuf, gsem, ssem, isem):
    c = lax.axis_index("c")
    s = lax.axis_index("s")
    tile = c * NS + s

    pltpu.sync_copy(sa_hbm, sa_t)
    pltpu.sync_copy(ad_hbm, ad_t)
    pltpu.sync_copy(mx_hbm, mx_t)

    zv = jnp.zeros((16,), _f32)

    def _zero_rows(i, _):
        for j in range(D // 16):
            rows[i, pl.ds(j * 16, 16)] = zv
        return 0

    lax.fori_loop(0, CH, _zero_rows, 0)

    def _zero_zbuf(i, _):
        zbuf[pl.ds(i * 16, 16)] = zv
        return 0

    lax.fori_loop(0, RPT // 16, _zero_zbuf, 0)

    for k in range(RPT // CH):
        pltpu.sync_copy(rows, acc_s.at[pl.ds(s * RPT + k * CH, CH)])
    pltpu.sync_copy(zbuf, den_s.at[pl.ds(s * RPT, RPT)])

    max_s = mx_t[...]

    plsc.subcore_barrier()

    def _chunk(ch, _):
        pltpu.sync_copy(src_hbm.at[tile, ch], src_t)
        pltpu.sync_copy(dst_hbm.at[tile, ch], dst_t)
        gcp = pltpu.async_copy(h_hbm.at[src_t], rows, gsem)

        for g in range(CH // 16):
            si = src_t[pl.ds(g * 16, 16)]
            di = dst_t[pl.ds(g * 16, 16)]
            a1 = plsc.load_gather(sa_t, [si])
            a2 = plsc.load_gather(ad_t, [di])
            z = a1 + a2
            e = jnp.where(z >= 0.0, z, 0.2 * z)
            m = jnp.maximum(a2 + max_s, 0.0)
            exs[pl.ds(g * 16, 16)] = jnp.exp(e - m)

        dcp = pltpu.async_copy(exs, den_s.at[dst_t], isem, add=True)

        gcp.wait()

        def _scale(i, _):
            ev = plsc.load_gather(exs, [jnp.full((16,), i, jnp.int32)])
            for j in range(D // 16):
                rows[i, pl.ds(j * 16, 16)] = rows[i, pl.ds(j * 16, 16)] * ev
            return 0

        lax.fori_loop(0, CH, _scale, 0)

        pltpu.async_copy(rows, acc_s.at[dst_t], ssem, add=True).wait()
        dcp.wait()
        return 0

    lax.fori_loop(0, NCH, _chunk, 0)

    plsc.subcore_barrier()

    pltpu.sync_copy(acc_s.at[pl.ds(s * RPT, RPT)],
                    acc_hbm.at[c, pl.ds(s * RPT, RPT)])
    pltpu.sync_copy(den_s.at[pl.ds(s * RPT, RPT)],
                    den_hbm.at[c, pl.ds(s * RPT, RPT)])


_sc_edge = pl.kernel(
    _sc_edge_body,
    out_type=[
        jax.ShapeDtypeStruct((NC, NP, D), _f32),
        jax.ShapeDtypeStruct((NC, NP), _f32),
    ],
    mesh=plsc.VectorSubcoreMesh(core_axis_name="c", subcore_axis_name="s"),
    compiler_params=pltpu.CompilerParams(needs_layout_passes=False),
    scratch_types=[
        pltpu.VMEM_SHARED((NP, D), _f32),
        pltpu.VMEM_SHARED((NP,), _f32),
        pltpu.VMEM((NP,), _f32),
        pltpu.VMEM((NP,), _f32),
        pltpu.VMEM((16,), _f32),
        pltpu.VMEM((CH,), jnp.int32),
        pltpu.VMEM((CH,), jnp.int32),
        pltpu.VMEM((CH,), _f32),
        pltpu.VMEM((CH, D), _f32),
        pltpu.VMEM((RPT,), _f32),
        pltpu.SemaphoreType.DMA,
        pltpu.SemaphoreType.DMA,
        pltpu.SemaphoreType.DMA,
    ],
)




def kernel(features, edge_index, W, a_src, a_dst, b, W_out, b_out):
    xp = jnp.pad(features, ((0, NP - N), (0, 0)))
    src = edge_index[0]
    dst = edge_index[1]
    srcp = jnp.concatenate(
        [src, jnp.zeros((EP - E,), jnp.int32)]).reshape(NTILES, NCH, CH)
    dstp = jnp.concatenate(
        [dst, jnp.full((EP - E,), N, jnp.int32)]).reshape(NTILES, NCH, CH)
    A2 = jnp.zeros((D, D), _f32).at[:, 0].set(a_src).at[:, 1].set(a_dst)
    b1 = b.reshape(1, D)
    bo1 = b_out.reshape(1, D)
    Wo = W_out.reshape(4, D, D)

    h, P = _prep0(xp, W, A2)
    xs = [xp]
    y = None
    for layer in range(NUM_LAYERS):
        sa = P[:, 0]
        ad = P[:, 1]
        mx16 = _maxs(P).reshape(16)
        acc, den = _sc_edge(h, sa, ad, mx16, srcp, dstp)
        dsum = _denmerge(den.reshape(NC, NP // 128, 128)).reshape(NP, 1)
        if layer < NUM_LAYERS - 1:
            x, h, P = _prepl(acc, dsum, b1, W, A2)
            xs.append(x)
        else:
            y = _final(xs[0], xs[1], xs[2], acc, dsum, b1, Wo, bo1)
    return y[:N]

# --- scband reference (transcript-rebuilt; emitter-appended) ---
"""Pipeline reference for scband-improved-gat-9423158247919 (READ-ONLY COPY).

The authoritative reference and input builder live on the scoring server;
editing this copy changes nothing except your own understanding.
"""

import jax, jax.numpy as jnp
import numpy as np

N = 10000
E = 320000
D = 128
NUM_LAYERS = 3


def setup_inputs(seed: int = 0) -> dict:
    key = jax.random.key(seed)
    ks = jax.random.split(key, 8)
    features = jax.random.normal(ks[0], (N, D), dtype=jnp.float32)
    edge_index = jax.random.randint(ks[1], (2, E), 0, N, dtype=jnp.int32)
    W = jax.random.normal(ks[2], (D, D), dtype=jnp.float32) * 0.1
    a_src = jax.random.normal(ks[3], (D,), dtype=jnp.float32) * 0.1
    a_dst = jax.random.normal(ks[4], (D,), dtype=jnp.float32) * 0.1
    b = jnp.zeros((D,), dtype=jnp.float32)
    W_out = jax.random.normal(ks[5], ((NUM_LAYERS + 1) * D, D), dtype=jnp.float32) * 0.05
    b_out = jnp.zeros((D,), dtype=jnp.float32)
    return {"features": features, "edge_index": edge_index, "W": W,
            "a_src": a_src, "a_dst": a_dst, "b": b, "W_out": W_out, "b_out": b_out}


def _gat_layer(x, edge_index, W, a_src, a_dst, b):
    # Single-head GATConv-style layer (weights SHARED across layers, since the
    # original torch code appends the same encoder_layer object num_layers times).
    src = edge_index[0]
    dst = edge_index[1]
    h = x @ W                              # [N, D] dense transform
    alpha_s = h @ a_src                    # [N]
    alpha_d = h @ a_dst                    # [N]
    e = alpha_s[src] + alpha_d[dst]        # gather per edge [E]
    e = jax.nn.leaky_relu(e, 0.2)
    e_max = jax.ops.segment_max(e, dst, num_segments=N)
    e_max = jnp.where(jnp.isfinite(e_max), e_max, 0.0)
    ex = jnp.exp(e - e_max[dst])
    denom = jax.ops.segment_sum(ex, dst, num_segments=N)
    alpha = ex / (denom[dst] + 1e-16)      # softmax over incoming edges of dst
    msg = alpha[:, None] * h[src]          # gather + scale [E, D]
    out = jax.ops.segment_sum(msg, dst, num_segments=N)  # scatter-add [N, D]
    return out + b


def reference(features, edge_index, W, a_src, a_dst, b, W_out, b_out):
    out = features
    outputs = [out]
    for _ in range(NUM_LAYERS):
        out = _gat_layer(out, edge_index, W, a_src, a_dst, b)
        outputs.append(out)
    cat = jnp.concatenate(outputs, axis=-1)  # [N, (NUM_LAYERS+1)*D]
    return cat @ W_out + b_out               # [N, D]

if __name__ == "__main__":
    import jax
    _d = setup_inputs()
    print(jax.jit(kernel)(*tuple(_d.values())))

</pallas_src>

<mosaic_0001>
#map = affine_map<(d0, d1) -> (0, 0)>
#map1 = affine_map<(d0, d1) -> (0)>
#map2 = affine_map<(d0, d1) -> (0, 0, 0)>
module attributes {stable_mosaic.version = 14 : i64} {
  func.func @_sc_edge_body(%arg0: i32, %arg1: i32, %arg2: memref<10240x128xf32, #tpu.memory_space<hbm>>, %arg3: memref<10240xf32, #tpu.memory_space<hbm>>, %arg4: memref<10240xf32, #tpu.memory_space<hbm>>, %arg5: memref<16xf32, #tpu.memory_space<hbm>>, %arg6: memref<32x79x128xi32, #tpu.memory_space<hbm>>, %arg7: memref<32x79x128xi32, #tpu.memory_space<hbm>>, %arg8: memref<2x10240x128xf32, #tpu.memory_space<hbm>>, %arg9: memref<2x10240xf32, #tpu.memory_space<hbm>>, %arg10: memref<10240x128xf32, #tpu.memory_space<vmem_shared>>, %arg11: memref<10240xf32, #tpu.memory_space<vmem_shared>>, %arg12: memref<10240xf32, #tpu.memory_space<vmem>>, %arg13: memref<10240xf32, #tpu.memory_space<vmem>>, %arg14: memref<16xf32, #tpu.memory_space<vmem>>, %arg15: memref<128xi32, #tpu.memory_space<vmem>>, %arg16: memref<128xi32, #tpu.memory_space<vmem>>, %arg17: memref<128xf32, #tpu.memory_space<vmem>>, %arg18: memref<128x128xf32, #tpu.memory_space<vmem>>, %arg19: memref<640xf32, #tpu.memory_space<vmem>>, %arg20: memref<!tpu.dma_semaphore, #tpu.memory_space<semaphore_mem>>, %arg21: memref<!tpu.dma_semaphore, #tpu.memory_space<semaphore_mem>>, %arg22: memref<!tpu.dma_semaphore, #tpu.memory_space<semaphore_mem>>) attributes {dimension_semantics = [#tpu.dimension_semantics<core_parallel>, #tpu.dimension_semantics<subcore_parallel>], iteration_bounds = array<i64: 2, 16>, scalar_prefetch = 0 : i64, scratch_operands = 13 : i64, tpu.core_type = #tpu.core_type<sc_vector_subcore>, window_params = [{transform_indices = #map}, {transform_indices = #map1}, {transform_indices = #map1}, {transform_indices = #map1}, {transform_indices = #map2}, {transform_indices = #map2}, {transform_indices = #map2}, {transform_indices = #map}]} {
    %mul3A = arith.constant 16 : i32
    %mul3A_0 = arith.muli %arg0, %mul3A : i32
    %add3A = arith.addi %mul3A_0, %arg1 : i32
    "tpu.region"() ({
      %run_scoped3A = tpu.sem_alloc : memref<!tpu.dma_semaphore, #tpu.memory_space<semaphore_mem>>
      tpu.enqueue_dma source(%arg3 : memref<10240xf32, #tpu.memory_space<hbm>>) target(%arg12 : memref<10240xf32, #tpu.memory_space<vmem>>) target_semaphore(%run_scoped3A : memref<!tpu.dma_semaphore, #tpu.memory_space<semaphore_mem>>)
      tpu.wait_dma2 semaphore(%run_scoped3A : memref<!tpu.dma_semaphore, #tpu.memory_space<semaphore_mem>>) src(%arg3 : memref<10240xf32, #tpu.memory_space<hbm>>) dst(%arg12 : memref<10240xf32, #tpu.memory_space<vmem>>)
      tpu.yield
    }) : () -> ()
    "tpu.region"() ({
      %run_scoped3A = tpu.sem_alloc : memref<!tpu.dma_semaphore, #tpu.memory_space<semaphore_mem>>
      tpu.enqueue_dma source(%arg4 : memref<10240xf32, #tpu.memory_space<hbm>>) target(%arg13 : memref<10240xf32, #tpu.memory_space<vmem>>) target_semaphore(%run_scoped3A : memref<!tpu.dma_semaphore, #tpu.memory_space<semaphore_mem>>)
      tpu.wait_dma2 semaphore(%run_scoped3A : memref<!tpu.dma_semaphore, #tpu.memory_space<semaphore_mem>>) src(%arg4 : memref<10240xf32, #tpu.memory_space<hbm>>) dst(%arg13 : memref<10240xf32, #tpu.memory_space<vmem>>)
      tpu.yield
    }) : () -> ()
    "tpu.region"() ({
      %run_scoped3A = tpu.sem_alloc : memref<!tpu.dma_semaphore, #tpu.memory_space<semaphore_mem>>
      tpu.enqueue_dma source(%arg5 : memref<16xf32, #tpu.memory_space<hbm>>) target(%arg14 : memref<16xf32, #tpu.memory_space<vmem>>) target_semaphore(%run_scoped3A : memref<!tpu.dma_semaphore, #tpu.memory_space<semaphore_mem>>)
      tpu.wait_dma2 semaphore(%run_scoped3A : memref<!tpu.dma_semaphore, #tpu.memory_space<semaphore_mem>>) src(%arg5 : memref<16xf32, #tpu.memory_space<hbm>>) dst(%arg14 : memref<16xf32, #tpu.memory_space<vmem>>)
      tpu.yield
    }) : () -> ()
    %broadcast_in_dim3A = arith.constant 0.000000e+00 : f32
    %broadcast_in_dim3A_1 = vector.broadcast %broadcast_in_dim3A : f32 to vector<16xf32>
    %scan3A = arith.constant 0 : i32
    %scan3A_2 = arith.constant 0 : i32
    %scan3A_3 = arith.constant 128 : i32
    %scan3A_4 = arith.addi %scan3A_2, %scan3A_3 : i32
    %scan3A_5 = arith.constant 1 : i32
    %scan3A_6 = scf.for %scan3A_54 = %scan3A_2 to %scan3A_4 step %scan3A_5 iter_args(%scan3A_55 = %scan3A) -> (i32)  : i32 {
      %swap3A = arith.index_cast %scan3A_54 : i32 to index
      %swap3A_56 = arith.constant 0 : index
      %swap3A_57 = tpu.vector_load %arg18[%swap3A, %swap3A_56] {strides = array<i32>} : memref<128x128xf32, #tpu.memory_space<vmem>>, vector<16xf32>,
      tpu.vector_store %arg18[%swap3A, %swap3A_56], %broadcast_in_dim3A_1 {strides = array<i32>} : memref<128x128xf32, #tpu.memory_space<vmem>>, vector<16xf32>,
      %swap3A_58 = arith.index_cast %scan3A_54 : i32 to index
      %swap3A_59 = arith.constant 16 : index
      %swap3A_60 = tpu.vector_load %arg18[%swap3A_58, %swap3A_59] {strides = array<i32>} : memref<128x128xf32, #tpu.memory_space<vmem>>, vector<16xf32>,
      tpu.vector_store %arg18[%swap3A_58, %swap3A_59], %broadcast_in_dim3A_1 {strides = array<i32>} : memref<128x128xf32, #tpu.memory_space<vmem>>, vector<16xf32>,
      %swap3A_61 = arith.index_cast %scan3A_54 : i32 to index
      %swap3A_62 = arith.constant 32 : index
      %swap3A_63 = tpu.vector_load %arg18[%swap3A_61, %swap3A_62] {strides = array<i32>} : memref<128x128xf32, #tpu.memory_space<vmem>>, vector<16xf32>,
      tpu.vector_store %arg18[%swap3A_61, %swap3A_62], %broadcast_in_dim3A_1 {strides = array<i32>} : memref<128x128xf32, #tpu.memory_space<vmem>>, vector<16xf32>,
      %swap3A_64 = arith.index_cast %scan3A_54 : i32 to index
      %swap3A_65 = arith.constant 48 : index
      %swap3A_66 = tpu.vector_load %arg18[%swap3A_64, %swap3A_65] {strides = array<i32>} : memref<128x128xf32, #tpu.memory_space<vmem>>, vector<16xf32>,
      tpu.vector_store %arg18[%swap3A_64, %swap3A_65], %broadcast_in_dim3A_1 {strides = array<i32>} : memref<128x128xf32, #tpu.memory_space<vmem>>, vector<16xf32>,
      %swap3A_67 = arith.index_cast %scan3A_54 : i32 to index
      %swap3A_68 = arith.constant 64 : index
      %swap3A_69 = tpu.vector_load %arg18[%swap3A_67, %swap3A_68] {strides = array<i32>} : memref<128x128xf32, #tpu.memory_space<vmem>>, vector<16xf32>,
      tpu.vector_store %arg18[%swap3A_67, %swap3A_68], %broadcast_in_dim3A_1 {strides = array<i32>} : memref<128x128xf32, #tpu.memory_space<vmem>>, vector<16xf32>,
      %swap3A_70 = arith.index_cast %scan3A_54 : i32 to index
      %swap3A_71 = arith.constant 80 : index
      %swap3A_72 = tpu.vector_load %arg18[%swap3A_70, %swap3A_71] {strides = array<i32>} : memref<128x128xf32, #tpu.memory_space<vmem>>, vector<16xf32>,
      tpu.vector_store %arg18[%swap3A_70, %swap3A_71], %broadcast_in_dim3A_1 {strides = array<i32>} : memref<128x128xf32, #tpu.memory_space<vmem>>, vector<16xf32>,
      %swap3A_73 = arith.index_cast %scan3A_54 : i32 to index
      %swap3A_74 = arith.constant 96 : index
      %swap3A_75 = tpu.vector_load %arg18[%swap3A_73, %swap3A_74] {strides = array<i32>} : memref<128x128xf32, #tpu.memory_space<vmem>>, vector<16xf32>,
      tpu.vector_store %arg18[%swap3A_73, %swap3A_74], %broadcast_in_dim3A_1 {strides = array<i32>} : memref<128x128xf32, #tpu.memory_space<vmem>>, vector<16xf32>,
      %swap3A_76 = arith.index_cast %scan3A_54 : i32 to index
      %swap3A_77 = arith.constant 112 : index
      %swap3A_78 = tpu.vector_load %arg18[%swap3A_76, %swap3A_77] {strides = array<i32>} : memref<128x128xf32, #tpu.memory_space<vmem>>, vector<16xf32>,
      tpu.vector_store %arg18[%swap3A_76, %swap3A_77], %broadcast_in_dim3A_1 {strides = array<i32>} : memref<128x128xf32, #tpu.memory_space<vmem>>, vector<16xf32>,
      %scan3A_79 = arith.constant 0 : i32
      scf.yield %scan3A_79 : i32
    }
    %scan3A_7 = arith.constant 128 : i32
    %scan3A_8 = arith.constant 0 : i32
    %scan3A_9 = arith.constant 0 : i32
    %scan3A_10 = arith.constant 40 : i32
    %scan3A_11 = arith.addi %scan3A_9, %scan3A_10 : i32
    %scan3A_12 = arith.constant 1 : i32
    %scan3A_13 = scf.for %scan3A_54 = %scan3A_9 to %scan3A_11 step %scan3A_12 iter_args(%scan3A_55 = %scan3A_8) -> (i32)  : i32 {
      %mul3A_56 = arith.constant 16 : i32
      %mul3A_57 = arith.muli %scan3A_54, %mul3A_56 : i32
      %swap3A = arith.index_cast %mul3A_57 : i32 to index
      %swap3A_58 = tpu.vector_load %arg19[%swap3A] {strides = array<i32>} : memref<640xf32, #tpu.memory_space<vmem>>, vector<16xf32>,
      tpu.vector_store %arg19[%swap3A], %broadcast_in_dim3A_1 {strides = array<i32>} : memref<640xf32, #tpu.memory_space<vmem>>, vector<16xf32>,
      %scan3A_59 = arith.constant 0 : i32
      scf.yield %scan3A_59 : i32
    }
    %scan3A_14 = arith.constant 40 : i32
    %mul3A_15 = arith.constant 640 : i32
    %mul3A_16 = arith.muli %arg1, %mul3A_15 : i32
    %add3A_17 = arith.constant 0 : i32
    %add3A_18 = arith.addi %mul3A_16, %add3A_17 : i32
    "tpu.region"() ({
      %run_scoped3A = tpu.sem_alloc : memref<!tpu.dma_semaphore, #tpu.memory_space<semaphore_mem>>
      %dma_start3A = arith.constant 0 : i32
      %dma_start3A_54 = tpu.memref_slice %arg10[%add3A_18, %dma_start3A] : memref<10240x128xf32, #tpu.memory_space<vmem_shared>> -> memref<128x128xf32, #tpu.memory_space<vmem_shared>>
      %dma_start3A_55 = arith.constant 0 : i32
      %dma_start3A_56 = tpu.memref_slice %arg10[%add3A_18, %dma_start3A_55] : memref<10240x128xf32, #tpu.memory_space<vmem_shared>> -> memref<128x128xf32, #tpu.memory_space<vmem_shared>>
      tpu.enqueue_dma source(%arg18 : memref<128x128xf32, #tpu.memory_space<vmem>>) target(%dma_start3A_56 : memref<128x128xf32, #tpu.memory_space<vmem_shared>>) target_semaphore(%run_scoped3A : memref<!tpu.dma_semaphore, #tpu.memory_space<semaphore_mem>>)
      %dma_wait3A = arith.constant 0 : i32
      %dma_wait3A_57 = tpu.memref_slice %arg10[%add3A_18, %dma_wait3A] : memref<10240x128xf32, #tpu.memory_space<vmem_shared>> -> memref<128x128xf32, #tpu.memory_space<vmem_shared>>
      %dma_wait3A_58 = arith.constant 0 : i32
      %dma_wait3A_59 = tpu.memref_slice %arg10[%add3A_18, %dma_wait3A_58] : memref<10240x128xf32, #tpu.memory_space<vmem_shared>> -> memref<128x128xf32, #tpu.memory_space<vmem_shared>>
      tpu.wait_dma2 semaphore(%run_scoped3A : memref<!tpu.dma_semaphore, #tpu.memory_space<semaphore_mem>>) src(%arg18 : memref<128x128xf32, #tpu.memory_space<vmem>>) dst(%dma_wait3A_59 : memref<128x128xf32, #tpu.memory_space<vmem_shared>>)
      tpu.yield
    }) : () -> ()
    %mul3A_19 = arith.constant 640 : i32
    %mul3A_20 = arith.muli %arg1, %mul3A_19 : i32
    %add3A_21 = arith.constant 128 : i32
    %add3A_22 = arith.addi %mul3A_20, %add3A_21 : i32
    "tpu.region"() ({
      %run_scoped3A = tpu.sem_alloc : memref<!tpu.dma_semaphore, #tpu.memory_space<semaphore_mem>>
      %dma_start3A = arith.constant 0 : i32
      %dma_start3A_54 = tpu.memref_slice %arg10[%add3A_22, %dma_start3A] : memref<10240x128xf32, #tpu.memory_space<vmem_shared>> -> memref<128x128xf32, #tpu.memory_space<vmem_shared>>
      %dma_start3A_55 = arith.constant 0 : i32
      %dma_start3A_56 = tpu.memref_slice %arg10[%add3A_22, %dma_start3A_55] : memref<10240x128xf32, #tpu.memory_space<vmem_shared>> -> memref<128x128xf32, #tpu.memory_space<vmem_shared>>
      tpu.enqueue_dma source(%arg18 : memref<128x128xf32, #tpu.memory_space<vmem>>) target(%dma_start3A_56 : memref<128x128xf32, #tpu.memory_space<vmem_shared>>) target_semaphore(%run_scoped3A : memref<!tpu.dma_semaphore, #tpu.memory_space<semaphore_mem>>)
      %dma_wait3A = arith.constant 0 : i32
      %dma_wait3A_57 = tpu.memref_slice %arg10[%add3A_22, %dma_wait3A] : memref<10240x128xf32, #tpu.memory_space<vmem_shared>> -> memref<128x128xf32, #tpu.memory_space<vmem_shared>>
      %dma_wait3A_58 = arith.constant 0 : i32
      %dma_wait3A_59 = tpu.memref_slice %arg10[%add3A_22, %dma_wait3A_58] : memref<10240x128xf32, #tpu.memory_space<vmem_shared>> -> memref<128x128xf32, #tpu.memory_space<vmem_shared>>
      tpu.wait_dma2 semaphore(%run_scoped3A : memref<!tpu.dma_semaphore, #tpu.memory_space<semaphore_mem>>) src(%arg18 : memref<128x128xf32, #tpu.memory_space<vmem>>) dst(%dma_wait3A_59 : memref<128x128xf32, #tpu.memory_space<vmem_shared>>)
      tpu.yield
    }) : () -> ()
    %mul3A_23 = arith.constant 640 : i32
    %mul3A_24 = arith.muli %arg1, %mul3A_23 : i32
    %add3A_25 = arith.constant 256 : i32
    %add3A_26 = arith.addi %mul3A_24, %add3A_25 : i32
    "tpu.region"() ({
      %run_scoped3A = tpu.sem_alloc : memref<!tpu.dma_semaphore, #tpu.memory_space<semaphore_mem>>
      %dma_start3A = arith.constant 0 : i32
      %dma_start3A_54 = tpu.memref_slice %arg10[%add3A_26, %dma_start3A] : memref<10240x128xf32, #tpu.memory_space<vmem_shared>> -> memref<128x128xf32, #tpu.memory_space<vmem_shared>>
      %dma_start3A_55 = arith.constant 0 : i32
      %dma_start3A_56 = tpu.memref_slice %arg10[%add3A_26, %dma_start3A_55] : memref<10240x128xf32, #tpu.memory_space<vmem_shared>> -> memref<128x128xf32, #tpu.memory_space<vmem_shared>>
      tpu.enqueue_dma source(%arg18 : memref<128x128xf32, #tpu.memory_space<vmem>>) target(%dma_start3A_56 : memref<128x128xf32, #tpu.memory_space<vmem_shared>>) target_semaphore(%run_scoped3A : memref<!tpu.dma_semaphore, #tpu.memory_space<semaphore_mem>>)
      %dma_wait3A = arith.constant 0 : i32
      %dma_wait3A_57 = tpu.memref_slice %arg10[%add3A_26, %dma_wait3A] : memref<10240x128xf32, #tpu.memory_space<vmem_shared>> -> memref<128x128xf32, #tpu.memory_space<vmem_shared>>
      %dma_wait3A_58 = arith.constant 0 : i32
      %dma_wait3A_59 = tpu.memref_slice %arg10[%add3A_26, %dma_wait3A_58] : memref<10240x128xf32, #tpu.memory_space<vmem_shared>> -> memref<128x128xf32, #tpu.memory_space<vmem_shared>>
      tpu.wait_dma2 semaphore(%run_scoped3A : memref<!tpu.dma_semaphore, #tpu.memory_space<semaphore_mem>>) src(%arg18 : memref<128x128xf32, #tpu.memory_space<vmem>>) dst(%dma_wait3A_59 : memref<128x128xf32, #tpu.memory_space<vmem_shared>>)
      tpu.yield
    }) : () -> ()
    %mul3A_27 = arith.constant 640 : i32
    %mul3A_28 = arith.muli %arg1, %mul3A_27 : i32
    %add3A_29 = arith.constant 384 : i32
    %add3A_30 = arith.addi %mul3A_28, %add3A_29 : i32
    "tpu.region"() ({
      %run_scoped3A = tpu.sem_alloc : memref<!tpu.dma_semaphore, #tpu.memory_space<semaphore_mem>>
      %dma_start3A = arith.constant 0 : i32
      %dma_start3A_54 = tpu.memref_slice %arg10[%add3A_30, %dma_start3A] : memref<10240x128xf32, #tpu.memory_space<vmem_shared>> -> memref<128x128xf32, #tpu.memory_space<vmem_shared>>
      %dma_start3A_55 = arith.constant 0 : i32
      %dma_start3A_56 = tpu.memref_slice %arg10[%add3A_30, %dma_start3A_55] : memref<10240x128xf32, #tpu.memory_space<vmem_shared>> -> memref<128x128xf32, #tpu.memory_space<vmem_shared>>
      tpu.enqueue_dma source(%arg18 : memref<128x128xf32, #tpu.memory_space<vmem>>) target(%dma_start3A_56 : memref<128x128xf32, #tpu.memory_space<vmem_shared>>) target_semaphore(%run_scoped3A : memref<!tpu.dma_semaphore, #tpu.memory_space<semaphore_mem>>)
      %dma_wait3A = arith.constant 0 : i32
      %dma_wait3A_57 = tpu.memref_slice %arg10[%add3A_30, %dma_wait3A] : memref<10240x128xf32, #tpu.memory_space<vmem_shared>> -> memref<128x128xf32, #tpu.memory_space<vmem_shared>>
      %dma_wait3A_58 = arith.constant 0 : i32
      %dma_wait3A_59 = tpu.memref_slice %arg10[%add3A_30, %dma_wait3A_58] : memref<10240x128xf32, #tpu.memory_space<vmem_shared>> -> memref<128x128xf32, #tpu.memory_space<vmem_shared>>
      tpu.wait_dma2 semaphore(%run_scoped3A : memref<!tpu.dma_semaphore, #tpu.memory_space<semaphore_mem>>) src(%arg18 : memref<128x128xf32, #tpu.memory_space<vmem>>) dst(%dma_wait3A_59 : memref<128x128xf32, #tpu.memory_space<vmem_shared>>)
      tpu.yield
    }) : () -> ()
    %mul3A_31 = arith.constant 640 : i32
    %mul3A_32 = arith.muli %arg1, %mul3A_31 : i32
    %add3A_33 = arith.constant 512 : i32
    %add3A_34 = arith.addi %mul3A_32, %add3A_33 : i32
    "tpu.region"() ({
      %run_scoped3A = tpu.sem_alloc : memref<!tpu.dma_semaphore, #tpu.memory_space<semaphore_mem>>
      %dma_start3A = arith.constant 0 : i32
      %dma_start3A_54 = tpu.memref_slice %arg10[%add3A_34, %dma_start3A] : memref<10240x128xf32, #tpu.memory_space<vmem_shared>> -> memref<128x128xf32, #tpu.memory_space<vmem_shared>>
      %dma_start3A_55 = arith.constant 0 : i32
      %dma_start3A_56 = tpu.memref_slice %arg10[%add3A_34, %dma_start3A_55] : memref<10240x128xf32, #tpu.memory_space<vmem_shared>> -> memref<128x128xf32, #tpu.memory_space<vmem_shared>>
      tpu.enqueue_dma source(%arg18 : memref<128x128xf32, #tpu.memory_space<vmem>>) target(%dma_start3A_56 : memref<128x128xf32, #tpu.memory_space<vmem_shared>>) target_semaphore(%run_scoped3A : memref<!tpu.dma_semaphore, #tpu.memory_space<semaphore_mem>>)
      %dma_wait3A = arith.constant 0 : i32
      %dma_wait3A_57 = tpu.memref_slice %arg10[%add3A_34, %dma_wait3A] : memref<10240x128xf32, #tpu.memory_space<vmem_shared>> -> memref<128x128xf32, #tpu.memory_space<vmem_shared>>
      %dma_wait3A_58 = arith.constant 0 : i32
      %dma_wait3A_59 = tpu.memref_slice %arg10[%add3A_34, %dma_wait3A_58] : memref<10240x128xf32, #tpu.memory_space<vmem_shared>> -> memref<128x128xf32, #tpu.memory_space<vmem_shared>>
      tpu.wait_dma2 semaphore(%run_scoped3A : memref<!tpu.dma_semaphore, #tpu.memory_space<semaphore_mem>>) src(%arg18 : memref<128x128xf32, #tpu.memory_space<vmem>>) dst(%dma_wait3A_59 : memref<128x128xf32, #tpu.memory_space<vmem_shared>>)
      tpu.yield
    }) : () -> ()
    %mul3A_35 = arith.constant 640 : i32
    %mul3A_36 = arith.muli %arg1, %mul3A_35 : i32
    "tpu.region"() ({
      %run_scoped3A = tpu.sem_alloc : memref<!tpu.dma_semaphore, #tpu.memory_space<semaphore_mem>>
      %dma_start3A = tpu.memref_slice %arg11[%mul3A_36] : memref<10240xf32, #tpu.memory_space<vmem_shared>> -> memref<640xf32, #tpu.memory_space<vmem_shared>>
      %dma_start3A_54 = tpu.memref_slice %arg11[%mul3A_36] : memref<10240xf32, #tpu.memory_space<vmem_shared>> -> memref<640xf32, #tpu.memory_space<vmem_shared>>
      tpu.enqueue_dma source(%arg19 : memref<640xf32, #tpu.memory_space<vmem>>) target(%dma_start3A_54 : memref<640xf32, #tpu.memory_space<vmem_shared>>) target_semaphore(%run_scoped3A : memref<!tpu.dma_semaphore, #tpu.memory_space<semaphore_mem>>)
      %dma_wait3A = tpu.memref_slice %arg11[%mul3A_36] : memref<10240xf32, #tpu.memory_space<vmem_shared>> -> memref<640xf32, #tpu.memory_space<vmem_shared>>
      %dma_wait3A_55 = tpu.memref_slice %arg11[%mul3A_36] : memref<10240xf32, #tpu.memory_space<vmem_shared>> -> memref<640xf32, #tpu.memory_space<vmem_shared>>
      tpu.wait_dma2 semaphore(%run_scoped3A : memref<!tpu.dma_semaphore, #tpu.memory_space<semaphore_mem>>) src(%arg19 : memref<640xf32, #tpu.memory_space<vmem>>) dst(%dma_wait3A_55 : memref<640xf32, #tpu.memory_space<vmem_shared>>)
      tpu.yield
    }) : () -> ()
    %get3A = arith.constant 0 : index
    %get3A_37 = tpu.vector_load %arg14[%get3A] {strides = array<i32>} : memref<16xf32, #tpu.memory_space<vmem>>, vector<16xf32>,
    %barrier3A = arith.constant 0 : index
    tpu.barrier barrier_id(%barrier3A)
    %scan3A_38 = arith.constant 0 : i32
    %scan3A_39 = arith.constant 0 : i32
    %scan3A_40 = arith.constant 79 : i32
    %scan3A_41 = arith.addi %scan3A_39, %scan3A_40 : i32
    %scan3A_42 = arith.constant 1 : i32
    %scan3A_43 = scf.for %scan3A_54 = %scan3A_39 to %scan3A_41 step %scan3A_42 iter_args(%scan3A_55 = %scan3A_38) -> (i32)  : i32 {
      "tpu.region"() ({
        %run_scoped3A = tpu.sem_alloc : memref<!tpu.dma_semaphore, #tpu.memory_space<semaphore_mem>>
        %dma_start3A_247 = arith.constant 0 : i32
        %dma_start3A_248 = tpu.memref_slice %arg6[%add3A, %scan3A_54, %dma_start3A_247] : memref<32x79x128xi32, #tpu.memory_space<hbm>> -> memref<1x1x128xi32, #tpu.memory_space<hbm>>
        %dma_start3A_249 = tpu.memref_squeeze %dma_start3A_248 : memref<1x1x128xi32, #tpu.memory_space<hbm>> -> memref<128xi32, #tpu.memory_space<hbm>>
        %dma_start3A_250 = arith.constant 0 : i32
        %dma_start3A_251 = tpu.memref_slice %arg6[%add3A, %scan3A_54, %dma_start3A_250] : memref<32x79x128xi32, #tpu.memory_space<hbm>> -> memref<1x1x128xi32, #tpu.memory_space<hbm>>
        %dma_start3A_252 = tpu.memref_squeeze %dma_start3A_251 : memref<1x1x128xi32, #tpu.memory_space<hbm>> -> memref<128xi32, #tpu.memory_space<hbm>>
        tpu.enqueue_dma source(%dma_start3A_252 : memref<128xi32, #tpu.memory_space<hbm>>) target(%arg15 : memref<128xi32, #tpu.memory_space<vmem>>) target_semaphore(%run_scoped3A : memref<!tpu.dma_semaphore, #tpu.memory_space<semaphore_mem>>)
        %dma_wait3A_253 = arith.constant 0 : i32
        %dma_wait3A_254 = tpu.memref_slice %arg6[%add3A, %scan3A_54, %dma_wait3A_253] : memref<32x79x128xi32, #tpu.memory_space<hbm>> -> memref<1x1x128xi32, #tpu.memory_space<hbm>>
        %dma_wait3A_255 = tpu.memref_squeeze %dma_wait3A_254 : memref<1x1x128xi32, #tpu.memory_space<hbm>> -> memref<128xi32, #tpu.memory_space<hbm>>
        %dma_wait3A_256 = arith.constant 0 : i32
        %dma_wait3A_257 = tpu.memref_slice %arg6[%add3A, %scan3A_54, %dma_wait3A_256] : memref<32x79x128xi32, #tpu.memory_space<hbm>> -> memref<1x1x128xi32, #tpu.memory_space<hbm>>
        %dma_wait3A_258 = tpu.memref_squeeze %dma_wait3A_257 : memref<1x1x128xi32, #tpu.memory_space<hbm>> -> memref<128xi32, #tpu.memory_space<hbm>>
        tpu.wait_dma2 semaphore(%run_scoped3A : memref<!tpu.dma_semaphore, #tpu.memory_space<semaphore_mem>>) src(%dma_wait3A_258 : memref<128xi32, #tpu.memory_space<hbm>>) dst(%arg15 : memref<128xi32, #tpu.memory_space<vmem>>)
        tpu.yield
      }) : () -> ()
      "tpu.region"() ({
        %run_scoped3A = tpu.sem_alloc : memref<!tpu.dma_semaphore, #tpu.memory_space<semaphore_mem>>
        %dma_start3A_247 = arith.constant 0 : i32
        %dma_start3A_248 = tpu.memref_slice %arg7[%add3A, %scan3A_54, %dma_start3A_247] : memref<32x79x128xi32, #tpu.memory_space<hbm>> -> memref<1x1x128xi32, #tpu.memory_space<hbm>>
        %dma_start3A_249 = tpu.memref_squeeze %dma_start3A_248 : memref<1x1x128xi32, #tpu.memory_space<hbm>> -> memref<128xi32, #tpu.memory_space<hbm>>
        %dma_start3A_250 = arith.constant 0 : i32
        %dma_start3A_251 = tpu.memref_slice %arg7[%add3A, %scan3A_54, %dma_start3A_250] : memref<32x79x128xi32, #tpu.memory_space<hbm>> -> memref<1x1x128xi32, #tpu.memory_space<hbm>>
        %dma_start3A_252 = tpu.memref_squeeze %dma_start3A_251 : memref<1x1x128xi32, #tpu.memory_space<hbm>> -> memref<128xi32, #tpu.memory_space<hbm>>
        tpu.enqueue_dma source(%dma_start3A_252 : memref<128xi32, #tpu.memory_space<hbm>>) target(%arg16 : memref<128xi32, #tpu.memory_space<vmem>>) target_semaphore(%run_scoped3A : memref<!tpu.dma_semaphore, #tpu.memory_space<semaphore_mem>>)
        %dma_wait3A_253 = arith.constant 0 : i32
        %dma_wait3A_254 = tpu.memref_slice %arg7[%add3A, %scan3A_54, %dma_wait3A_253] : memref<32x79x128xi32, #tpu.memory_space<hbm>> -> memref<1x1x128xi32, #tpu.memory_space<hbm>>
        %dma_wait3A_255 = tpu.memref_squeeze %dma_wait3A_254 : memref<1x1x128xi32, #tpu.memory_space<hbm>> -> memref<128xi32, #tpu.memory_space<hbm>>
        %dma_wait3A_256 = arith.constant 0 : i32
        %dma_wait3A_257 = tpu.memref_slice %arg7[%add3A, %scan3A_54, %dma_wait3A_256] : memref<32x79x128xi32, #tpu.memory_space<hbm>> -> memref<1x1x128xi32, #tpu.memory_space<hbm>>
        %dma_wait3A_258 = tpu.memref_squeeze %dma_wait3A_257 : memref<1x1x128xi32, #tpu.memory_space<hbm>> -> memref<128xi32, #tpu.memory_space<hbm>>
        tpu.wait_dma2 semaphore(%run_scoped3A : memref<!tpu.dma_semaphore, #tpu.memory_space<semaphore_mem>>) src(%dma_wait3A_258 : memref<128xi32, #tpu.memory_space<hbm>>) dst(%arg16 : memref<128xi32, #tpu.memory_space<vmem>>)
        tpu.yield
      }) : () -> ()
      %dma_start3A = arith.constant 0 : i32
      %dma_start3A_56 = arith.constant 0 : i32
      %dma_start3A_57 = tpu.memref_slice %arg2[%dma_start3A, %dma_start3A_56] : memref<10240x128xf32, #tpu.memory_space<hbm>> -> memref<10240x128xf32, #tpu.memory_space<hbm>>
      tpu.enqueue_indirect_dma source(%dma_start3A_57 : memref<10240x128xf32, #tpu.memory_space<hbm>>) target(%arg18 : memref<128x128xf32, #tpu.memory_space<vmem>>) offsets(%arg15 : memref<128xi32, #tpu.memory_space<vmem>>) semaphore(%arg20 : memref<!tpu.dma_semaphore, #tpu.memory_space<semaphore_mem>>)
      %get3A_58 = arith.constant 0 : index
      %get3A_59 = tpu.vector_load %arg15[%get3A_58] {strides = array<i32>} : memref<128xi32, #tpu.memory_space<vmem>>, vector<16xi32>,
      %get3A_60 = arith.constant 0 : index
      %get3A_61 = tpu.vector_load %arg16[%get3A_60] {strides = array<i32>} : memref<128xi32, #tpu.memory_space<vmem>>, vector<16xi32>,
      %gather3A = tpu.vector_load_idx %arg12[%get3A_59] : memref<10240xf32, #tpu.memory_space<vmem>>[vector<16xi32>], vector<16xf32>,
      %gather3A_62 = tpu.vector_load_idx %arg13[%get3A_61] : memref<10240xf32, #tpu.memory_space<vmem>>[vector<16xi32>], vector<16xf32>,
      %add3A_63 = arith.addf %gather3A, %gather3A_62 : vector<16xf32>
      %ge3A = arith.constant 0.000000e+00 : f32
      %ge3A_64 = vector.broadcast %ge3A : f32 to vector<16xf32>
      %ge3A_65 = arith.cmpf oge, %add3A_63, %ge3A_64 : vector<16xf32>
      %mul3A_66 = arith.constant 2.000000e-01 : f32
      %mul3A_67 = vector.broadcast %mul3A_66 : f32 to vector<16xf32>
      %mul3A_68 = arith.mulf %mul3A_67, %add3A_63 : vector<16xf32>
      %select_n3A = arith.select %ge3A_65, %add3A_63, %mul3A_68 : vector<16xi1>, vector<16xf32>
      %add3A_69 = arith.addf %gather3A_62, %get3A_37 : vector<16xf32>
      %max3A = arith.constant 0.000000e+00 : f32
      %max3A_70 = vector.broadcast %max3A : f32 to vector<16xf32>
      %max3A_71 = arith.maximumf %add3A_69, %max3A_70 : vector<16xf32>
      %sub3A = arith.subf %select_n3A, %max3A_71 : vector<16xf32>
      %exp3A = math.exp %sub3A : vector<16xf32>
      %swap3A = arith.constant 0 : index
      %swap3A_72 = tpu.vector_load %arg17[%swap3A] {strides = array<i32>} : memref<128xf32, #tpu.memory_space<vmem>>, vector<16xf32>,
      tpu.vector_store %arg17[%swap3A], %exp3A {strides = array<i32>} : memref<128xf32, #tpu.memory_space<vmem>>, vector<16xf32>,
      %get3A_73 = arith.constant 16 : index
      %get3A_74 = tpu.vector_load %arg15[%get3A_73] {strides = array<i32>} : memref<128xi32, #tpu.memory_space<vmem>>, vector<16xi32>,
      %get3A_75 = arith.constant 16 : index
      %get3A_76 = tpu.vector_load %arg16[%get3A_75] {strides = array<i32>} : memref<128xi32, #tpu.memory_space<vmem>>, vector<16xi32>,
      %gather3A_77 = tpu.vector_load_idx %arg12[%get3A_74] : memref<10240xf32, #tpu.memory_space<vmem>>[vector<16xi32>], vector<16xf32>,
      %gather3A_78 = tpu.vector_load_idx %arg13[%get3A_76] : memref<10240xf32, #tpu.memory_space<vmem>>[vector<16xi32>], vector<16xf32>,
      %add3A_79 = arith.addf %gather3A_77, %gather3A_78 : vector<16xf32>
      %ge3A_80 = arith.constant 0.000000e+00 : f32
      %ge3A_81 = vector.broadcast %ge3A_80 : f32 to vector<16xf32>
      %ge3A_82 = arith.cmpf oge, %add3A_79, %ge3A_81 : vector<16xf32>
      %mul3A_83 = arith.constant 2.000000e-01 : f32
      %mul3A_84 = vector.broadcast %mul3A_83 : f32 to vector<16xf32>
      %mul3A_85 = arith.mulf %mul3A_84, %add3A_79 : vector<16xf32>
      %select_n3A_86 = arith.select %ge3A_82, %add3A_79, %mul3A_85 : vector<16xi1>, vector<16xf32>
      %add3A_87 = arith.addf %gather3A_78, %get3A_37 : vector<16xf32>
      %max3A_88 = arith.constant 0.000000e+00 : f32
      %max3A_89 = vector.broadcast %max3A_88 : f32 to vector<16xf32>
      %max3A_90 = arith.maximumf %add3A_87, %max3A_89 : vector<16xf32>
      %sub3A_91 = arith.subf %select_n3A_86, %max3A_90 : vector<16xf32>
      %exp3A_92 = math.exp %sub3A_91 : vector<16xf32>
      %swap3A_93 = arith.constant 16 : index
      %swap3A_94 = tpu.vector_load %arg17[%swap3A_93] {strides = array<i32>} : memref<128xf32, #tpu.memory_space<vmem>>, vector<16xf32>,
      tpu.vector_store %arg17[%swap3A_93], %exp3A_92 {strides = array<i32>} : memref<128xf32, #tpu.memory_space<vmem>>, vector<16xf32>,
      %get3A_95 = arith.constant 32 : index
      %get3A_96 = tpu.vector_load %arg15[%get3A_95] {strides = array<i32>} : memref<128xi32, #tpu.memory_space<vmem>>, vector<16xi32>,
      %get3A_97 = arith.constant 32 : index
      %get3A_98 = tpu.vector_load %arg16[%get3A_97] {strides = array<i32>} : memref<128xi32, #tpu.memory_space<vmem>>, vector<16xi32>,
      %gather3A_99 = tpu.vector_load_idx %arg12[%get3A_96] : memref<10240xf32, #tpu.memory_space<vmem>>[vector<16xi32>], vector<16xf32>,
      %gather3A_100 = tpu.vector_load_idx %arg13[%get3A_98] : memref<10240xf32, #tpu.memory_space<vmem>>[vector<16xi32>], vector<16xf32>,
      %add3A_101 = arith.addf %gather3A_99, %gather3A_100 : vector<16xf32>
      %ge3A_102 = arith.constant 0.000000e+00 : f32
      %ge3A_103 = vector.broadcast %ge3A_102 : f32 to vector<16xf32>
      %ge3A_104 = arith.cmpf oge, %add3A_101, %ge3A_103 : vector<16xf32>
      %mul3A_105 = arith.constant 2.000000e-01 : f32
      %mul3A_106 = vector.broadcast %mul3A_105 : f32 to vector<16xf32>
      %mul3A_107 = arith.mulf %mul3A_106, %add3A_101 : vector<16xf32>
      %select_n3A_108 = arith.select %ge3A_104, %add3A_101, %mul3A_107 : vector<16xi1>, vector<16xf32>
      %add3A_109 = arith.addf %gather3A_100, %get3A_37 : vector<16xf32>
      %max3A_110 = arith.constant 0.000000e+00 : f32
      %max3A_111 = vector.broadcast %max3A_110 : f32 to vector<16xf32>
      %max3A_112 = arith.maximumf %add3A_109, %max3A_111 : vector<16xf32>
      %sub3A_113 = arith.subf %select_n3A_108, %max3A_112 : vector<16xf32>
      %exp3A_114 = math.exp %sub3A_113 : vector<16xf32>
      %swap3A_115 = arith.constant 32 : index
      %swap3A_116 = tpu.vector_load %arg17[%swap3A_115] {strides = array<i32>} : memref<128xf32, #tpu.memory_space<vmem>>, vector<16xf32>,
      tpu.vector_store %arg17[%swap3A_115], %exp3A_114 {strides = array<i32>} : memref<128xf32, #tpu.memory_space<vmem>>, vector<16xf32>,
      %get3A_117 = arith.constant 48 : index
      %get3A_118 = tpu.vector_load %arg15[%get3A_117] {strides = array<i32>} : memref<128xi32, #tpu.memory_space<vmem>>, vector<16xi32>,
      %get3A_119 = arith.constant 48 : index
      %get3A_120 = tpu.vector_load %arg16[%get3A_119] {strides = array<i32>} : memref<128xi32, #tpu.memory_space<vmem>>, vector<16xi32>,
      %gather3A_121 = tpu.vector_load_idx %arg12[%get3A_118] : memref<10240xf32, #tpu.memory_space<vmem>>[vector<16xi32>], vector<16xf32>,
      %gather3A_122 = tpu.vector_load_idx %arg13[%get3A_120] : memref<10240xf32, #tpu.memory_space<vmem>>[vector<16xi32>], vector<16xf32>,
      %add3A_123 = arith.addf %gather3A_121, %gather3A_122 : vector<16xf32>
      %ge3A_124 = arith.constant 0.000000e+00 : f32
      %ge3A_125 = vector.broadcast %ge3A_124 : f32 to vector<16xf32>
      %ge3A_126 = arith.cmpf oge, %add3A_123, %ge3A_125 : vector<16xf32>
      %mul3A_127 = arith.constant 2.000000e-01 : f32
      %mul3A_128 = vector.broadcast %mul3A_127 : f32 to vector<16xf32>
      %mul3A_129 = arith.mulf %mul3A_128, %add3A_123 : vector<16xf32>
      %select_n3A_130 = arith.select %ge3A_126, %add3A_123, %mul3A_129 : vector<16xi1>, vector<16xf32>
      %add3A_131 = arith.addf %gather3A_122, %get3A_37 : vector<16xf32>
      %max3A_132 = arith.constant 0.000000e+00 : f32
      %max3A_133 = vector.broadcast %max3A_132 : f32 to vector<16xf32>
      %max3A_134 = arith.maximumf %add3A_131, %max3A_133 : vector<16xf32>
      %sub3A_135 = arith.subf %select_n3A_130, %max3A_134 : vector<16xf32>
      %exp3A_136 = math.exp %sub3A_135 : vector<16xf32>
      %swap3A_137 = arith.constant 48 : index
      %swap3A_138 = tpu.vector_load %arg17[%swap3A_137] {strides = array<i32>} : memref<128xf32, #tpu.memory_space<vmem>>, vector<16xf32>,
      tpu.vector_store %arg17[%swap3A_137], %exp3A_136 {strides = array<i32>} : memref<128xf32, #tpu.memory_space<vmem>>, vector<16xf32>,
      %get3A_139 = arith.constant 64 : index
      %get3A_140 = tpu.vector_load %arg15[%get3A_139] {strides = array<i32>} : memref<128xi32, #tpu.memory_space<vmem>>, vector<16xi32>,
      %get3A_141 = arith.constant 64 : index
      %get3A_142 = tpu.vector_load %arg16[%get3A_141] {strides = array<i32>} : memref<128xi32, #tpu.memory_space<vmem>>, vector<16xi32>,
      %gather3A_143 = tpu.vector_load_idx %arg12[%get3A_140] : memref<10240xf32, #tpu.memory_space<vmem>>[vector<16xi32>], vector<16xf32>,
      %gather3A_144 = tpu.vector_load_idx %arg13[%get3A_142] : memref<10240xf32, #tpu.memory_space<vmem>>[vector<16xi32>], vector<16xf32>,
      %add3A_145 = arith.addf %gather3A_143, %gather3A_144 : vector<16xf32>
      %ge3A_146 = arith.constant 0.000000e+00 : f32
      %ge3A_147 = vector.broadcast %ge3A_146 : f32 to vector<16xf32>
      %ge3A_148 = arith.cmpf oge, %add3A_145, %ge3A_147 : vector<16xf32>
      %mul3A_149 = arith.constant 2.000000e-01 : f32
      %mul3A_150 = vector.broadcast %mul3A_149 : f32 to vector<16xf32>
      %mul3A_151 = arith.mulf %mul3A_150, %add3A_145 : vector<16xf32>
      %select_n3A_152 = arith.select %ge3A_148, %add3A_145, %mul3A_151 : vector<16xi1>, vector<16xf32>
      %add3A_153 = arith.addf %gather3A_144, %get3A_37 : vector<16xf32>
      %max3A_154 = arith.constant 0.000000e+00 : f32
      %max3A_155 = vector.broadcast %max3A_154 : f32 to vector<16xf32>
      %max3A_156 = arith.maximumf %add3A_153, %max3A_155 : vector<16xf32>
      %sub3A_157 = arith.subf %select_n3A_152, %max3A_156 : vector<16xf32>
      %exp3A_158 = math.exp %sub3A_157 : vector<16xf32>
      %swap3A_159 = arith.constant 64 : index
      %swap3A_160 = tpu.vector_load %arg17[%swap3A_159] {strides = array<i32>} : memref<128xf32, #tpu.memory_space<vmem>>, vector<16xf32>,
      tpu.vector_store %arg17[%swap3A_159], %exp3A_158 {strides = array<i32>} : memref<128xf32, #tpu.memory_space<vmem>>, vector<16xf32>,
      %get3A_161 = arith.constant 80 : index
      %get3A_162 = tpu.vector_load %arg15[%get3A_161] {strides = array<i32>} : memref<128xi32, #tpu.memory_space<vmem>>, vector<16xi32>,
      %get3A_163 = arith.constant 80 : index
      %get3A_164 = tpu.vector_load %arg16[%get3A_163] {strides = array<i32>} : memref<128xi32, #tpu.memory_space<vmem>>, vector<16xi32>,
      %gather3A_165 = tpu.vector_load_idx %arg12[%get3A_162] : memref<10240xf32, #tpu.memory_space<vmem>>[vector<16xi32>], vector<16xf32>,
      %gather3A_166 = tpu.vector_load_idx %arg13[%get3A_164] : memref<10240xf32, #tpu.memory_space<vmem>>[vector<16xi32>], vector<16xf32>,
      %add3A_167 = arith.addf %gather3A_165, %gather3A_166 : vector<16xf32>
      %ge3A_168 = arith.constant 0.000000e+00 : f32
      %ge3A_169 = vector.broadcast %ge3A_168 : f32 to vector<16xf32>
      %ge3A_170 = arith.cmpf oge, %add3A_167, %ge3A_169 : vector<16xf32>
      %mul3A_171 = arith.constant 2.000000e-01 : f32
      %mul3A_172 = vector.broadcast %mul3A_171 : f32 to vector<16xf32>
      %mul3A_173 = arith.mulf %mul3A_172, %add3A_167 : vector<16xf32>
      %select_n3A_174 = arith.select %ge3A_170, %add3A_167, %mul3A_173 : vector<16xi1>, vector<16xf32>
      %add3A_175 = arith.addf %gather3A_166, %get3A_37 : vector<16xf32>
      %max3A_176 = arith.constant 0.000000e+00 : f32
      %max3A_177 = vector.broadcast %max3A_176 : f32 to vector<16xf32>
      %max3A_178 = arith.maximumf %add3A_175, %max3A_177 : vector<16xf32>
      %sub3A_179 = arith.subf %select_n3A_174, %max3A_178 : vector<16xf32>
      %exp3A_180 = math.exp %sub3A_179 : vector<16xf32>
      %swap3A_181 = arith.constant 80 : index
      %swap3A_182 = tpu.vector_load %arg17[%swap3A_181] {strides = array<i32>} : memref<128xf32, #tpu.memory_space<vmem>>, vector<16xf32>,
      tpu.vector_store %arg17[%swap3A_181], %exp3A_180 {strides = array<i32>} : memref<128xf32, #tpu.memory_space<vmem>>, vector<16xf32>,
      %get3A_183 = arith.constant 96 : index
      %get3A_184 = tpu.vector_load %arg15[%get3A_183] {strides = array<i32>} : memref<128xi32, #tpu.memory_space<vmem>>, vector<16xi32>,
      %get3A_185 = arith.constant 96 : index
      %get3A_186 = tpu.vector_load %arg16[%get3A_185] {strides = array<i32>} : memref<128xi32, #tpu.memory_space<vmem>>, vector<16xi32>,
      %gather3A_187 = tpu.vector_load_idx %arg12[%get3A_184] : memref<10240xf32, #tpu.memory_space<vmem>>[vector<16xi32>], vector<16xf32>,
      %gather3A_188 = tpu.vector_load_idx %arg13[%get3A_186] : memref<10240xf32, #tpu.memory_space<vmem>>[vector<16xi32>], vector<16xf32>,
      %add3A_189 = arith.addf %gather3A_187, %gather3A_188 : vector<16xf32>
      %ge3A_190 = arith.constant 0.000000e+00 : f32
      %ge3A_191 = vector.broadcast %ge3A_190 : f32 to vector<16xf32>
      %ge3A_192 = arith.cmpf oge, %add3A_189, %ge3A_191 : vector<16xf32>
      %mul3A_193 = arith.constant 2.000000e-01 : f32
      %mul3A_194 = vector.broadcast %mul3A_193 : f32 to vector<16xf32>
      %mul3A_195 = arith.mulf %mul3A_194, %add3A_189 : vector<16xf32>
      %select_n3A_196 = arith.select %ge3A_192, %add3A_189, %mul3A_195 : vector<16xi1>, vector<16xf32>
      %add3A_197 = arith.addf %gather3A_188, %get3A_37 : vector<16xf32>
      %max3A_198 = arith.constant 0.000000e+00 : f32
      %max3A_199 = vector.broadcast %max3A_198 : f32 to vector<16xf32>
      %max3A_200 = arith.maximumf %add3A_197, %max3A_199 : vector<16xf32>
      %sub3A_201 = arith.subf %select_n3A_196, %max3A_200 : vector<16xf32>
      %exp3A_202 = math.exp %sub3A_201 : vector<16xf32>
      %swap3A_203 = arith.constant 96 : index
      %swap3A_204 = tpu.vector_load %arg17[%swap3A_203] {strides = array<i32>} : memref<128xf32, #tpu.memory_space<vmem>>, vector<16xf32>,
      tpu.vector_store %arg17[%swap3A_203], %exp3A_202 {strides = array<i32>} : memref<128xf32, #tpu.memory_space<vmem>>, vector<16xf32>,
      %get3A_205 = arith.constant 112 : index
      %get3A_206 = tpu.vector_load %arg15[%get3A_205] {strides = array<i32>} : memref<128xi32, #tpu.memory_space<vmem>>, vector<16xi32>,
      %get3A_207 = arith.constant 112 : index
      %get3A_208 = tpu.vector_load %arg16[%get3A_207] {strides = array<i32>} : memref<128xi32, #tpu.memory_space<vmem>>, vector<16xi32>,
      %gather3A_209 = tpu.vector_load_idx %arg12[%get3A_206] : memref<10240xf32, #tpu.memory_space<vmem>>[vector<16xi32>], vector<16xf32>,
      %gather3A_210 = tpu.vector_load_idx %arg13[%get3A_208] : memref<10240xf32, #tpu.memory_space<vmem>>[vector<16xi32>], vector<16xf32>,
      %add3A_211 = arith.addf %gather3A_209, %gather3A_210 : vector<16xf32>
      %ge3A_212 = arith.constant 0.000000e+00 : f32
      %ge3A_213 = vector.broadcast %ge3A_212 : f32 to vector<16xf32>
      %ge3A_214 = arith.cmpf oge, %add3A_211, %ge3A_213 : vector<16xf32>
      %mul3A_215 = arith.constant 2.000000e-01 : f32
      %mul3A_216 = vector.broadcast %mul3A_215 : f32 to vector<16xf32>
      %mul3A_217 = arith.mulf %mul3A_216, %add3A_211 : vector<16xf32>
      %select_n3A_218 = arith.select %ge3A_214, %add3A_211, %mul3A_217 : vector<16xi1>, vector<16xf32>
      %add3A_219 = arith.addf %gather3A_210, %get3A_37 : vector<16xf32>
      %max3A_220 = arith.constant 0.000000e+00 : f32
      %max3A_221 = vector.broadcast %max3A_220 : f32 to vector<16xf32>
      %max3A_222 = arith.maximumf %add3A_219, %max3A_221 : vector<16xf32>
      %sub3A_223 = arith.subf %select_n3A_218, %max3A_222 : vector<16xf32>
      %exp3A_224 = math.exp %sub3A_223 : vector<16xf32>
      %swap3A_225 = arith.constant 112 : index
      %swap3A_226 = tpu.vector_load %arg17[%swap3A_225] {strides = array<i32>} : memref<128xf32, #tpu.memory_space<vmem>>, vector<16xf32>,
      tpu.vector_store %arg17[%swap3A_225], %exp3A_224 {strides = array<i32>} : memref<128xf32, #tpu.memory_space<vmem>>, vector<16xf32>,
      %dma_start3A_227 = arith.constant 0 : i32
      %dma_start3A_228 = tpu.memref_slice %arg11[%dma_start3A_227] : memref<10240xf32, #tpu.memory_space<vmem_shared>> -> memref<10240xf32, #tpu.memory_space<vmem_shared>>
      tpu.enqueue_indirect_dma source(%arg17 : memref<128xf32, #tpu.memory_space<vmem>>) target(%dma_start3A_228 : memref<10240xf32, #tpu.memory_space<vmem_shared>>) offsets(%arg16 : memref<128xi32, #tpu.memory_space<vmem>>) semaphore(%arg22 : memref<!tpu.dma_semaphore, #tpu.memory_space<semaphore_mem>>) {add = true}
      %dma_wait3A = arith.constant 0 : i32
      %dma_wait3A_229 = arith.constant 0 : i32
      %dma_wait3A_230 = tpu.memref_slice %arg2[%dma_wait3A, %dma_wait3A_229] : memref<10240x128xf32, #tpu.memory_space<hbm>> -> memref<10240x128xf32, #tpu.memory_space<hbm>>
      tpu.wait_indirect_dma semaphore(%arg20 : memref<!tpu.dma_semaphore, #tpu.memory_space<semaphore_mem>>) src(%dma_wait3A_230 : memref<10240x128xf32, #tpu.memory_space<hbm>>) dst(%arg18 : memref<128x128xf32, #tpu.memory_space<vmem>>)
      %scan3A_231 = arith.constant 0 : i32
      %scan3A_232 = arith.constant 0 : i32
      %scan3A_233 = arith.constant 128 : i32
      %scan3A_234 = arith.addi %scan3A_232, %scan3A_233 : i32
      %scan3A_235 = arith.constant 1 : i32
      %scan3A_236 = scf.for %scan3A_247 = %scan3A_232 to %scan3A_234 step %scan3A_235 iter_args(%scan3A_248 = %scan3A_231) -> (i32)  : i32 {
        %broadcast_in_dim3A_249 = vector.broadcast %scan3A_247 : i32 to vector<16xi32>
        %gather3A_250 = tpu.vector_load_idx %arg17[%broadcast_in_dim3A_249] : memref<128xf32, #tpu.memory_space<vmem>>[vector<16xi32>], vector<16xf32>,
        %get3A_251 = arith.index_cast %scan3A_247 : i32 to index
        %get3A_252 = arith.constant 0 : index
        %get3A_253 = tpu.vector_load %arg18[%get3A_251, %get3A_252] {strides = array<i32>} : memref<128x128xf32, #tpu.memory_space<vmem>>, vector<16xf32>,
        %mul3A_254 = arith.mulf %get3A_253, %gather3A_250 : vector<16xf32>
        %swap3A_255 = arith.index_cast %scan3A_247 : i32 to index
        %swap3A_256 = arith.constant 0 : index
        %swap3A_257 = tpu.vector_load %arg18[%swap3A_255, %swap3A_256] {strides = array<i32>} : memref<128x128xf32, #tpu.memory_space<vmem>>, vector<16xf32>,
        tpu.vector_store %arg18[%swap3A_255, %swap3A_256], %mul3A_254 {strides = array<i32>} : memref<128x128xf32, #tpu.memory_space<vmem>>, vector<16xf32>,
        %get3A_258 = arith.index_cast %scan3A_247 : i32 to index
        %get3A_259 = arith.constant 16 : index
        %get3A_260 = tpu.vector_load %arg18[%get3A_258, %get3A_259] {strides = array<i32>} : memref<128x128xf32, #tpu.memory_space<vmem>>, vector<16xf32>,
        %mul3A_261 = arith.mulf %get3A_260, %gather3A_250 : vector<16xf32>
        %swap3A_262 = arith.index_cast %scan3A_247 : i32 to index
        %swap3A_263 = arith.constant 16 : index
        %swap3A_264 = tpu.vector_load %arg18[%swap3A_262, %swap3A_263] {strides = array<i32>} : memref<128x128xf32, #tpu.memory_space<vmem>>, vector<16xf32>,
        tpu.vector_store %arg18[%swap3A_262, %swap3A_263], %mul3A_261 {strides = array<i32>} : memref<128x128xf32, #tpu.memory_space<vmem>>, vector<16xf32>,
        %get3A_265 = arith.index_cast %scan3A_247 : i32 to index
        %get3A_266 = arith.constant 32 : index
        %get3A_267 = tpu.vector_load %arg18[%get3A_265, %get3A_266] {strides = array<i32>} : memref<128x128xf32, #tpu.memory_space<vmem>>, vector<16xf32>,
        %mul3A_268 = arith.mulf %get3A_267, %gather3A_250 : vector<16xf32>
        %swap3A_269 = arith.index_cast %scan3A_247 : i32 to index
        %swap3A_270 = arith.constant 32 : index
        %swap3A_271 = tpu.vector_load %arg18[%swap3A_269, %swap3A_270] {strides = array<i32>} : memref<128x128xf32, #tpu.memory_space<vmem>>, vector<16xf32>,
        tpu.vector_store %arg18[%swap3A_269, %swap3A_270], %mul3A_268 {strides = array<i32>} : memref<128x128xf32, #tpu.memory_space<vmem>>, vector<16xf32>,
        %get3A_272 = arith.index_cast %scan3A_247 : i32 to index
        %get3A_273 = arith.constant 48 : index
        %get3A_274 = tpu.vector_load %arg18[%get3A_272, %get3A_273] {strides = array<i32>} : memref<128x128xf32, #tpu.memory_space<vmem>>, vector<16xf32>,
        %mul3A_275 = arith.mulf %get3A_274, %gather3A_250 : vector<16xf32>
        %swap3A_276 = arith.index_cast %scan3A_247 : i32 to index
        %swap3A_277 = arith.constant 48 : index
        %swap3A_278 = tpu.vector_load %arg18[%swap3A_276, %swap3A_277] {strides = array<i32>} : memref<128x128xf32, #tpu.memory_space<vmem>>, vector<16xf32>,
        tpu.vector_store %arg18[%swap3A_276, %swap3A_277], %mul3A_275 {strides = array<i32>} : memref<128x128xf32, #tpu.memory_space<vmem>>, vector<16xf32>,
        %get3A_279 = arith.index_cast %scan3A_247 : i32 to index
        %get3A_280 = arith.constant 64 : index
        %get3A_281 = tpu.vector_load %arg18[%get3A_279, %get3A_280] {strides = array<i32>} : memref<128x128xf32, #tpu.memory_space<vmem>>, vector<16xf32>,
        %mul3A_282 = arith.mulf %get3A_281, %gather3A_250 : vector<16xf32>
        %swap3A_283 = arith.index_cast %scan3A_247 : i32 to index
        %swap3A_284 = arith.constant 64 : index
        %swap3A_285 = tpu.vector_load %arg18[%swap3A_283, %swap3A_284] {strides = array<i32>} : memref<128x128xf32, #tpu.memory_space<vmem>>, vector<16xf32>,
        tpu.vector_store %arg18[%swap3A_283, %swap3A_284], %mul3A_282 {strides = array<i32>} : memref<128x128xf32, #tpu.memory_space<vmem>>, vector<16xf32>,
        %get3A_286 = arith.index_cast %scan3A_247 : i32 to index
        %get3A_287 = arith.constant 80 : index
        %get3A_288 = tpu.vector_load %arg18[%get3A_286, %get3A_287] {strides = array<i32>} : memref<128x128xf32, #tpu.memory_space<vmem>>, vector<16xf32>,
        %mul3A_289 = arith.mulf %get3A_288, %gather3A_250 : vector<16xf32>
        %swap3A_290 = arith.index_cast %scan3A_247 : i32 to index
        %swap3A_291 = arith.constant 80 : index
        %swap3A_292 = tpu.vector_load %arg18[%swap3A_290, %swap3A_291] {strides = array<i32>} : memref<128x128xf32, #tpu.memory_space<vmem>>, vector<16xf32>,
        tpu.vector_store %arg18[%swap3A_290, %swap3A_291], %mul3A_289 {strides = array<i32>} : memref<128x128xf32, #tpu.memory_space<vmem>>, vector<16xf32>,
        %get3A_293 = arith.index_cast %scan3A_247 : i32 to index
        %get3A_294 = arith.constant 96 : index
        %get3A_295 = tpu.vector_load %arg18[%get3A_293, %get3A_294] {strides = array<i32>} : memref<128x128xf32, #tpu.memory_space<vmem>>, vector<16xf32>,
        %mul3A_296 = arith.mulf %get3A_295, %gather3A_250 : vector<16xf32>
        %swap3A_297 = arith.index_cast %scan3A_247 : i32 to index
        %swap3A_298 = arith.constant 96 : index
        %swap3A_299 = tpu.vector_load %arg18[%swap3A_297, %swap3A_298] {strides = array<i32>} : memref<128x128xf32, #tpu.memory_space<vmem>>, vector<16xf32>,
        tpu.vector_store %arg18[%swap3A_297, %swap3A_298], %mul3A_296 {strides = array<i32>} : memref<128x128xf32, #tpu.memory_space<vmem>>, vector<16xf32>,
        %get3A_300 = arith.index_cast %scan3A_247 : i32 to index
        %get3A_301 = arith.constant 112 : index
        %get3A_302 = tpu.vector_load %arg18[%get3A_300, %get3A_301] {strides = array<i32>} : memref<128x128xf32, #tpu.memory_space<vmem>>, vector<16xf32>,
        %mul3A_303 = arith.mulf %get3A_302, %gather3A_250 : vector<16xf32>
        %swap3A_304 = arith.index_cast %scan3A_247 : i32 to index
        %swap3A_305 = arith.constant 112 : index
        %swap3A_306 = tpu.vector_load %arg18[%swap3A_304, %swap3A_305] {strides = array<i32>} : memref<128x128xf32, #tpu.memory_space<vmem>>, vector<16xf32>,
        tpu.vector_store %arg18[%swap3A_304, %swap3A_305], %mul3A_303 {strides = array<i32>} : memref<128x128xf32, #tpu.memory_space<vmem>>, vector<16xf32>,
        %scan3A_307 = arith.constant 0 : i32
        scf.yield %scan3A_307 : i32
      }
      %scan3A_237 = arith.constant 128 : i32
      %dma_start3A_238 = arith.constant 0 : i32
      %dma_start3A_239 = arith.constant 0 : i32
      %dma_start3A_240 = tpu.memref_slice %arg10[%dma_start3A_238, %dma_start3A_239] : memref<10240x128xf32, #tpu.memory_space<vmem_shared>> -> memref<10240x128xf32, #tpu.memory_space<vmem_shared>>
      tpu.enqueue_indirect_dma source(%arg18 : memref<128x128xf32, #tpu.memory_space<vmem>>) target(%dma_start3A_240 : memref<10240x128xf32, #tpu.memory_space<vmem_shared>>) offsets(%arg16 : memref<128xi32, #tpu.memory_space<vmem>>) semaphore(%arg21 : memref<!tpu.dma_semaphore, #tpu.memory_space<semaphore_mem>>) {add = true}
      %dma_wait3A_241 = arith.constant 0 : i32
      %dma_wait3A_242 = arith.constant 0 : i32
      %dma_wait3A_243 = tpu.memref_slice %arg10[%dma_wait3A_241, %dma_wait3A_242] : memref<10240x128xf32, #tpu.memory_space<vmem_shared>> -> memref<10240x128xf32, #tpu.memory_space<vmem_shared>>
      tpu.wait_indirect_dma semaphore(%arg21 : memref<!tpu.dma_semaphore, #tpu.memory_space<semaphore_mem>>) src(%arg18 : memref<128x128xf32, #tpu.memory_space<vmem>>) dst(%dma_wait3A_243 : memref<10240x128xf32, #tpu.memory_space<vmem_shared>>)
      %dma_wait3A_244 = arith.constant 0 : i32
      %dma_wait3A_245 = tpu.memref_slice %arg11[%dma_wait3A_244] : memref<10240xf32, #tpu.memory_space<vmem_shared>> -> memref<10240xf32, #tpu.memory_space<vmem_shared>>
      tpu.wait_indirect_dma semaphore(%arg22 : memref<!tpu.dma_semaphore, #tpu.memory_space<semaphore_mem>>) src(%arg17 : memref<128xf32, #tpu.memory_space<vmem>>) dst(%dma_wait3A_245 : memref<10240xf32, #tpu.memory_space<vmem_shared>>)
      %scan3A_246 = arith.constant 0 : i32
      scf.yield %scan3A_246 : i32
    }
    %scan3A_44 = arith.constant 79 : i32
    %barrier3A_45 = arith.constant 0 : index
    tpu.barrier barrier_id(%barrier3A_45)
    %mul3A_46 = arith.constant 640 : i32
    %mul3A_47 = arith.muli %arg1, %mul3A_46 : i32
    %mul3A_48 = arith.constant 640 : i32
    %mul3A_49 = arith.muli %arg1, %mul3A_48 : i32
    "tpu.region"() ({
      %run_scoped3A = tpu.sem_alloc : memref<!tpu.dma_semaphore, #tpu.memory_space<semaphore_mem>>
      %dma_start3A = arith.constant 0 : i32
      %dma_start3A_54 = tpu.memref_slice %arg8[%arg0, %mul3A_49, %dma_start3A] : memref<2x10240x128xf32, #tpu.memory_space<hbm>> -> memref<1x640x128xf32, #tpu.memory_space<hbm>>
      %dma_start3A_55 = tpu.memref_squeeze %dma_start3A_54 : memref<1x640x128xf32, #tpu.memory_space<hbm>> -> memref<640x128xf32, #tpu.memory_space<hbm>>
      %dma_start3A_56 = arith.constant 0 : i32
      %dma_start3A_57 = tpu.memref_slice %arg10[%mul3A_47, %dma_start3A_56] : memref<10240x128xf32, #tpu.memory_space<vmem_shared>> -> memref<640x128xf32, #tpu.memory_space<vmem_shared>>
      tpu.enqueue_dma source(%dma_start3A_57 : memref<640x128xf32, #tpu.memory_space<vmem_shared>>) target(%dma_start3A_55 : memref<640x128xf32, #tpu.memory_space<hbm>>) target_semaphore(%run_scoped3A : memref<!tpu.dma_semaphore, #tpu.memory_space<semaphore_mem>>)
      %dma_wait3A = arith.constant 0 : i32
      %dma_wait3A_58 = tpu.memref_slice %arg8[%arg0, %mul3A_49, %dma_wait3A] : memref<2x10240x128xf32, #tpu.memory_space<hbm>> -> memref<1x640x128xf32, #tpu.memory_space<hbm>>
      %dma_wait3A_59 = tpu.memref_squeeze %dma_wait3A_58 : memref<1x640x128xf32, #tpu.memory_space<hbm>> -> memref<640x128xf32, #tpu.memory_space<hbm>>
      %dma_wait3A_60 = arith.constant 0 : i32
      %dma_wait3A_61 = tpu.memref_slice %arg10[%mul3A_47, %dma_wait3A_60] : memref<10240x128xf32, #tpu.memory_space<vmem_shared>> -> memref<640x128xf32, #tpu.memory_space<vmem_shared>>
      tpu.wait_dma2 semaphore(%run_scoped3A : memref<!tpu.dma_semaphore, #tpu.memory_space<semaphore_mem>>) src(%dma_wait3A_61 : memref<640x128xf32, #tpu.memory_space<vmem_shared>>) dst(%dma_wait3A_59 : memref<640x128xf32, #tpu.memory_space<hbm>>)
      tpu.yield
    }) : () -> ()
    %mul3A_50 = arith.constant 640 : i32
    %mul3A_51 = arith.muli %arg1, %mul3A_50 : i32
    %mul3A_52 = arith.constant 640 : i32
    %mul3A_53 = arith.muli %arg1, %mul3A_52 : i32
    "tpu.region"() ({
      %run_scoped3A = tpu.sem_alloc : memref<!tpu.dma_semaphore, #tpu.memory_space<semaphore_mem>>
      %dma_start3A = tpu.memref_slice %arg9[%arg0, %mul3A_53] : memref<2x10240xf32, #tpu.memory_space<hbm>> -> memref<1x640xf32, #tpu.memory_space<hbm>>
      %dma_start3A_54 = tpu.memref_squeeze %dma_start3A : memref<1x640xf32, #tpu.memory_space<hbm>> -> memref<640xf32, #tpu.memory_space<hbm>>
      %dma_start3A_55 = tpu.memref_slice %arg11[%mul3A_51] : memref<10240xf32, #tpu.memory_space<vmem_shared>> -> memref<640xf32, #tpu.memory_space<vmem_shared>>
      tpu.enqueue_dma source(%dma_start3A_55 : memref<640xf32, #tpu.memory_space<vmem_shared>>) target(%dma_start3A_54 : memref<640xf32, #tpu.memory_space<hbm>>) target_semaphore(%run_scoped3A : memref<!tpu.dma_semaphore, #tpu.memory_space<semaphore_mem>>)
      %dma_wait3A = tpu.memref_slice %arg9[%arg0, %mul3A_53] : memref<2x10240xf32, #tpu.memory_space<hbm>> -> memref<1x640xf32, #tpu.memory_space<hbm>>
      %dma_wait3A_56 = tpu.memref_squeeze %dma_wait3A : memref<1x640xf32, #tpu.memory_space<hbm>> -> memref<640xf32, #tpu.memory_space<hbm>>
      %dma_wait3A_57 = tpu.memref_slice %arg11[%mul3A_51] : memref<10240xf32, #tpu.memory_space<vmem_shared>> -> memref<640xf32, #tpu.memory_space<vmem_shared>>
      tpu.wait_dma2 semaphore(%run_scoped3A : memref<!tpu.dma_semaphore, #tpu.memory_space<semaphore_mem>>) src(%dma_wait3A_57 : memref<640xf32, #tpu.memory_space<vmem_shared>>) dst(%dma_wait3A_56 : memref<640xf32, #tpu.memory_space<hbm>>)
      tpu.yield
    }) : () -> ()
    return
  }
}

#map = affine_map<(d0, d1) -> (0, 0)>
#map1 = affine_map<(d0, d1) -> (0)>
#map2 = affine_map<(d0, d1) -> (0, 0, 0)>
module attributes {stable_mosaic.version = 14 : i64} {
  func.func @_sc_edge_body(%arg0: i32, %arg1: i32, %arg2: memref<10240x128xf32, #tpu.memory_space<hbm>>, %arg3: memref<10240xf32, #tpu.memory_space<hbm>>, %arg4: memref<10240xf32, #tpu.memory_space<hbm>>, %arg5: memref<16xf32, #tpu.memory_space<hbm>>, %arg6: memref<32x79x128xi32, #tpu.memory_space<hbm>>, %arg7: memref<32x79x128xi32, #tpu.memory_space<hbm>>, %arg8: memref<2x10240x128xf32, #tpu.memory_space<hbm>>, %arg9: memref<2x10240xf32, #tpu.memory_space<hbm>>, %arg10: memref<10240x128xf32, #tpu.memory_space<vmem_shared>>, %arg11: memref<10240xf32, #tpu.memory_space<vmem_shared>>, %arg12: memref<10240xf32, #tpu.memory_space<vmem>>, %arg13: memref<10240xf32, #tpu.memory_space<vmem>>, %arg14: memref<16xf32, #tpu.memory_space<vmem>>, %arg15: memref<128xi32, #tpu.memory_space<vmem>>, %arg16: memref<128xi32, #tpu.memory_space<vmem>>, %arg17: memref<128xf32, #tpu.memory_space<vmem>>, %arg18: memref<128x128xf32, #tpu.memory_space<vmem>>, %arg19: memref<640xf32, #tpu.memory_space<vmem>>, %arg20: memref<!tpu.dma_semaphore, #tpu.memory_space<semaphore_mem>>, %arg21: memref<!tpu.dma_semaphore, #tpu.memory_space<semaphore_mem>>, %arg22: memref<!tpu.dma_semaphore, #tpu.memory_space<semaphore_mem>>) attributes {dimension_semantics = [#tpu.dimension_semantics<core_parallel>, #tpu.dimension_semantics<subcore_parallel>], iteration_bounds = array<i64: 2, 16>, scalar_prefetch = 0 : i64, scratch_operands = 13 : i64, tpu.core_type = #tpu.core_type<sc_vector_subcore>, window_params = [{transform_indices = #map}, {transform_indices = #map1}, {transform_indices = #map1}, {transform_indices = #map1}, {transform_indices = #map2}, {transform_indices = #map2}, {transform_indices = #map2}, {transform_indices = #map}]} {
    %mul3A = arith.constant 16 : i32
    %mul3A_0 = arith.muli %arg0, %mul3A : i32
    %add3A = arith.addi %mul3A_0, %arg1 : i32
    "tpu.region"() ({
      %run_scoped3A = tpu.sem_alloc : memref<!tpu.dma_semaphore, #tpu.memory_space<semaphore_mem>>
      tpu.enqueue_dma source(%arg3 : memref<10240xf32, #tpu.memory_space<hbm>>) target(%arg12 : memref<10240xf32, #tpu.memory_space<vmem>>) target_semaphore(%run_scoped3A : memref<!tpu.dma_semaphore, #tpu.memory_space<semaphore_mem>>)
      tpu.wait_dma2 semaphore(%run_scoped3A : memref<!tpu.dma_semaphore, #tpu.memory_space<semaphore_mem>>) src(%arg3 : memref<10240xf32, #tpu.memory_space<hbm>>) dst(%arg12 : memref<10240xf32, #tpu.memory_space<vmem>>)
      tpu.yield
    }) : () -> ()
    "tpu.region"() ({
      %run_scoped3A = tpu.sem_alloc : memref<!tpu.dma_semaphore, #tpu.memory_space<semaphore_mem>>
      tpu.enqueue_dma source(%arg4 : memref<10240xf32, #tpu.memory_space<hbm>>) target(%arg13 : memref<10240xf32, #tpu.memory_space<vmem>>) target_semaphore(%run_scoped3A : memref<!tpu.dma_semaphore, #tpu.memory_space<semaphore_mem>>)
      tpu.wait_dma2 semaphore(%run_scoped3A : memref<!tpu.dma_semaphore, #tpu.memory_space<semaphore_mem>>) src(%arg4 : memref<10240xf32, #tpu.memory_space<hbm>>) dst(%arg13 : memref<10240xf32, #tpu.memory_space<vmem>>)
      tpu.yield
    }) : () -> ()
    "tpu.region"() ({
      %run_scoped3A = tpu.sem_alloc : memref<!tpu.dma_semaphore, #tpu.memory_space<semaphore_mem>>
      tpu.enqueue_dma source(%arg5 : memref<16xf32, #tpu.memory_space<hbm>>) target(%arg14 : memref<16xf32, #tpu.memory_space<vmem>>) target_semaphore(%run_scoped3A : memref<!tpu.dma_semaphore, #tpu.memory_space<semaphore_mem>>)
      tpu.wait_dma2 semaphore(%run_scoped3A : memref<!tpu.dma_semaphore, #tpu.memory_space<semaphore_mem>>) src(%arg5 : memref<16xf32, #tpu.memory_space<hbm>>) dst(%arg14 : memref<16xf32, #tpu.memory_space<vmem>>)
      tpu.yield
    }) : () -> ()
    %broadcast_in_dim3A = arith.constant 0.000000e+00 : f32
    %broadcast_in_dim3A_1 = vector.broadcast %broadcast_in_dim3A : f32 to vector<16xf32>
    %scan3A = arith.constant 0 : i32
    %scan3A_2 = arith.constant 0 : i32
    %scan3A_3 = arith.constant 128 : i32
    %scan3A_4 = arith.addi %scan3A_2, %scan3A_3 : i32
    %scan3A_5 = arith.constant 1 : i32
    %scan3A_6 = scf.for %scan3A_54 = %scan3A_2 to %scan3A_4 step %scan3A_5 iter_args(%scan3A_55 = %scan3A) -> (i32)  : i32 {
      %swap3A = arith.index_cast %scan3A_54 : i32 to index
      %swap3A_56 = arith.constant 0 : index
      %swap3A_57 = tpu.vector_load %arg18[%swap3A, %swap3A_56] {strides = array<i32>} : memref<128x128xf32, #tpu.memory_space<vmem>>, vector<16xf32>,
      tpu.vector_store %arg18[%swap3A, %swap3A_56], %broadcast_in_dim3A_1 {strides = array<i32>} : memref<128x128xf32, #tpu.memory_space<vmem>>, vector<16xf32>,
      %swap3A_58 = arith.index_cast %scan3A_54 : i32 to index
      %swap3A_59 = arith.constant 16 : index
      %swap3A_60 = tpu.vector_load %arg18[%swap3A_58, %swap3A_59] {strides = array<i32>} : memref<128x128xf32, #tpu.memory_space<vmem>>, vector<16xf32>,
      tpu.vector_store %arg18[%swap3A_58, %swap3A_59], %broadcast_in_dim3A_1 {strides = array<i32>} : memref<128x128xf32, #tpu.memory_space<vmem>>, vector<16xf32>,
      %swap3A_61 = arith.index_cast %scan3A_54 : i32 to index
      %swap3A_62 = arith.constant 32 : index
      %swap3A_63 = tpu.vector_load %arg18[%swap3A_61, %swap3A_62] {strides = array<i32>} : memref<128x128xf32, #tpu.memory_space<vmem>>, vector<16xf32>,
      tpu.vector_store %arg18[%swap3A_61, %swap3A_62], %broadcast_in_dim3A_1 {strides = array<i32>} : memref<128x128xf32, #tpu.memory_space<vmem>>, vector<16xf32>,
      %swap3A_64 = arith.index_cast %scan3A_54 : i32 to index
      %swap3A_65 = arith.constant 48 : index
      %swap3A_66 = tpu.vector_load %arg18[%swap3A_64, %swap3A_65] {strides = array<i32>} : memref<128x128xf32, #tpu.memory_space<vmem>>, vector<16xf32>,
      tpu.vector_store %arg18[%swap3A_64, %swap3A_65], %broadcast_in_dim3A_1 {strides = array<i32>} : memref<128x128xf32, #tpu.memory_space<vmem>>, vector<16xf32>,
      %swap3A_67 = arith.index_cast %scan3A_54 : i32 to index
      %swap3A_68 = arith.constant 64 : index
      %swap3A_69 = tpu.vector_load %arg18[%swap3A_67, %swap3A_68] {strides = array<i32>} : memref<128x128xf32, #tpu.memory_space<vmem>>, vector<16xf32>,
      tpu.vector_store %arg18[%swap3A_67, %swap3A_68], %broadcast_in_dim3A_1 {strides = array<i32>} : memref<128x128xf32, #tpu.memory_space<vmem>>, vector<16xf32>,
      %swap3A_70 = arith.index_cast %scan3A_54 : i32 to index
      %swap3A_71 = arith.constant 80 : index
      %swap3A_72 = tpu.vector_load %arg18[%swap3A_70, %swap3A_71] {strides = array<i32>} : memref<128x128xf32, #tpu.memory_space<vmem>>, vector<16xf32>,
      tpu.vector_store %arg18[%swap3A_70, %swap3A_71], %broadcast_in_dim3A_1 {strides = array<i32>} : memref<128x128xf32, #tpu.memory_space<vmem>>, vector<16xf32>,
      %swap3A_73 = arith.index_cast %scan3A_54 : i32 to index
      %swap3A_74 = arith.constant 96 : index
      %swap3A_75 = tpu.vector_load %arg18[%swap3A_73, %swap3A_74] {strides = array<i32>} : memref<128x128xf32, #tpu.memory_space<vmem>>, vector<16xf32>,
      tpu.vector_store %arg18[%swap3A_73, %swap3A_74], %broadcast_in_dim3A_1 {strides = array<i32>} : memref<128x128xf32, #tpu.memory_space<vmem>>, vector<16xf32>,
      %swap3A_76 = arith.index_cast %scan3A_54 : i32 to index
      %swap3A_77 = arith.constant 112 : index
      %swap3A_78 = tpu.vector_load %arg18[%swap3A_76, %swap3A_77] {strides = array<i32>} : memref<128x128xf32, #tpu.memory_space<vmem>>, vector<16xf32>,
      tpu.vector_store %arg18[%swap3A_76, %swap3A_77], %broadcast_in_dim3A_1 {strides = array<i32>} : memref<128x128xf32, #tpu.memory_space<vmem>>, vector<16xf32>,
      %scan3A_79 = arith.constant 0 : i32
      scf.yield %scan3A_79 : i32
    }
    %scan3A_7 = arith.constant 128 : i32
    %scan3A_8 = arith.constant 0 : i32
    %scan3A_9 = arith.constant 0 : i32
    %scan3A_10 = arith.constant 40 : i32
    %scan3A_11 = arith.addi %scan3A_9, %scan3A_10 : i32
    %scan3A_12 = arith.constant 1 : i32
    %scan3A_13 = scf.for %scan3A_54 = %scan3A_9 to %scan3A_11 step %scan3A_12 iter_args(%scan3A_55 = %scan3A_8) -> (i32)  : i32 {
      %mul3A_56 = arith.constant 16 : i32
      %mul3A_57 = arith.muli %scan3A_54, %mul3A_56 : i32
      %swap3A = arith.index_cast %mul3A_57 : i32 to index
      %swap3A_58 = tpu.vector_load %arg19[%swap3A] {strides = array<i32>} : memref<640xf32, #tpu.memory_space<vmem>>, vector<16xf32>,
      tpu.vector_store %arg19[%swap3A], %broadcast_in_dim3A_1 {strides = array<i32>} : memref<640xf32, #tpu.memory_space<vmem>>, vector<16xf32>,
      %scan3A_59 = arith.constant 0 : i32
      scf.yield %scan3A_59 : i32
    }
    %scan3A_14 = arith.constant 40 : i32
    %mul3A_15 = arith.constant 640 : i32
    %mul3A_16 = arith.muli %arg1, %mul3A_15 : i32
    %add3A_17 = arith.constant 0 : i32
    %add3A_18 = arith.addi %mul3A_16, %add3A_17 : i32
    "tpu.region"() ({
      %run_scoped3A = tpu.sem_alloc : memref<!tpu.dma_semaphore, #tpu.memory_space<semaphore_mem>>
      %dma_start3A = arith.constant 0 : i32
      %dma_start3A_54 = tpu.memref_slice %arg10[%add3A_18, %dma_start3A] : memref<10240x128xf32, #tpu.memory_space<vmem_shared>> -> memref<128x128xf32, #tpu.memory_space<vmem_shared>>
      %dma_start3A_55 = arith.constant 0 : i32
      %dma_start3A_56 = tpu.memref_slice %arg10[%add3A_18, %dma_start3A_55] : memref<10240x128xf32, #tpu.memory_space<vmem_shared>> -> memref<128x128xf32, #tpu.memory_space<vmem_shared>>
      tpu.enqueue_dma source(%arg18 : memref<128x128xf32, #tpu.memory_space<vmem>>) target(%dma_start3A_56 : memref<128x128xf32, #tpu.memory_space<vmem_shared>>) target_semaphore(%run_scoped3A : memref<!tpu.dma_semaphore, #tpu.memory_space<semaphore_mem>>)
      %dma_wait3A = arith.constant 0 : i32
      %dma_wait3A_57 = tpu.memref_slice %arg10[%add3A_18, %dma_wait3A] : memref<10240x128xf32, #tpu.memory_space<vmem_shared>> -> memref<128x128xf32, #tpu.memory_space<vmem_shared>>
      %dma_wait3A_58 = arith.constant 0 : i32
      %dma_wait3A_59 = tpu.memref_slice %arg10[%add3A_18, %dma_wait3A_58] : memref<10240x128xf32, #tpu.memory_space<vmem_shared>> -> memref<128x128xf32, #tpu.memory_space<vmem_shared>>
      tpu.wait_dma2 semaphore(%run_scoped3A : memref<!tpu.dma_semaphore, #tpu.memory_space<semaphore_mem>>) src(%arg18 : memref<128x128xf32, #tpu.memory_space<vmem>>) dst(%dma_wait3A_59 : memref<128x128xf32, #tpu.memory_space<vmem_shared>>)
      tpu.yield
    }) : () -> ()
    %mul3A_19 = arith.constant 640 : i32
    %mul3A_20 = arith.muli %arg1, %mul3A_19 : i32
    %add3A_21 = arith.constant 128 : i32
    %add3A_22 = arith.addi %mul3A_20, %add3A_21 : i32
    "tpu.region"() ({
      %run_scoped3A = tpu.sem_alloc : memref<!tpu.dma_semaphore, #tpu.memory_space<semaphore_mem>>
      %dma_start3A = arith.constant 0 : i32
      %dma_start3A_54 = tpu.memref_slice %arg10[%add3A_22, %dma_start3A] : memref<10240x128xf32, #tpu.memory_space<vmem_shared>> -> memref<128x128xf32, #tpu.memory_space<vmem_shared>>
      %dma_start3A_55 = arith.constant 0 : i32
      %dma_start3A_56 = tpu.memref_slice %arg10[%add3A_22, %dma_start3A_55] : memref<10240x128xf32, #tpu.memory_space<vmem_shared>> -> memref<128x128xf32, #tpu.memory_space<vmem_shared>>
      tpu.enqueue_dma source(%arg18 : memref<128x128xf32, #tpu.memory_space<vmem>>) target(%dma_start3A_56 : memref<128x128xf32, #tpu.memory_space<vmem_shared>>) target_semaphore(%run_scoped3A : memref<!tpu.dma_semaphore, #tpu.memory_space<semaphore_mem>>)
      %dma_wait3A = arith.constant 0 : i32
      %dma_wait3A_57 = tpu.memref_slice %arg10[%add3A_22, %dma_wait3A] : memref<10240x128xf32, #tpu.memory_space<vmem_shared>> -> memref<128x128xf32, #tpu.memory_space<vmem_shared>>
      %dma_wait3A_58 = arith.constant 0 : i32
      %dma_wait3A_59 = tpu.memref_slice %arg10[%add3A_22, %dma_wait3A_58] : memref<10240x128xf32, #tpu.memory_space<vmem_shared>> -> memref<128x128xf32, #tpu.memory_space<vmem_shared>>
      tpu.wait_dma2 semaphore(%run_scoped3A : memref<!tpu.dma_semaphore, #tpu.memory_space<semaphore_mem>>) src(%arg18 : memref<128x128xf32, #tpu.memory_space<vmem>>) dst(%dma_wait3A_59 : memref<128x128xf32, #tpu.memory_space<vmem_shared>>)
      tpu.yield
    }) : () -> ()
    %mul3A_23 = arith.constant 640 : i32
    %mul3A_24 = arith.muli %arg1, %mul3A_23 : i32
    %add3A_25 = arith.constant 256 : i32
    %add3A_26 = arith.addi %mul3A_24, %add3A_25 : i32
    "tpu.region"() ({
      %run_scoped3A = tpu.sem_alloc : memref<!tpu.dma_semaphore, #tpu.memory_space<semaphore_mem>>
      %dma_start3A = arith.constant 0 : i32
      %dma_start3A_54 = tpu.memref_slice %arg10[%add3A_26, %dma_start3A] : memref<10240x128xf32, #tpu.memory_space<vmem_shared>> -> memref<128x128xf32, #tpu.memory_space<vmem_shared>>
      %dma_start3A_55 = arith.constant 0 : i32
      %dma_start3A_56 = tpu.memref_slice %arg10[%add3A_26, %dma_start3A_55] : memref<10240x128xf32, #tpu.memory_space<vmem_shared>> -> memref<128x128xf32, #tpu.memory_space<vmem_shared>>
      tpu.enqueue_dma source(%arg18 : memref<128x128xf32, #tpu.memory_space<vmem>>) target(%dma_start3A_56 : memref<128x128xf32, #tpu.memory_space<vmem_shared>>) target_semaphore(%run_scoped3A : memref<!tpu.dma_semaphore, #tpu.memory_space<semaphore_mem>>)
      %dma_wait3A = arith.constant 0 : i32
      %dma_wait3A_57 = tpu.memref_slice %arg10[%add3A_26, %dma_wait3A] : memref<10240x128xf32, #tpu.memory_space<vmem_shared>> -> memref<128x128xf32, #tpu.memory_space<vmem_shared>>
      %dma_wait3A_58 = arith.constant 0 : i32
      %dma_wait3A_59 = tpu.memref_slice %arg10[%add3A_26, %dma_wait3A_58] : memref<10240x128xf32, #tpu.memory_space<vmem_shared>> -> memref<128x128xf32, #tpu.memory_space<vmem_shared>>
      tpu.wait_dma2 semaphore(%run_scoped3A : memref<!tpu.dma_semaphore, #tpu.memory_space<semaphore_mem>>) src(%arg18 : memref<128x128xf32, #tpu.memory_space<vmem>>) dst(%dma_wait3A_59 : memref<128x128xf32, #tpu.memory_space<vmem_shared>>)
      tpu.yield
    }) : () -> ()
    %mul3A_27 = arith.constant 640 : i32
    %mul3A_28 = arith.muli %arg1, %mul3A_27 : i32
    %add3A_29 = arith.constant 384 : i32
    %add3A_30 = arith.addi %mul3A_28, %add3A_29 : i32
    "tpu.region"() ({
      %run_scoped3A = tpu.sem_alloc : memref<!tpu.dma_semaphore, #tpu.memory_space<semaphore_mem>>
      %dma_start3A = arith.constant 0 : i32
      %dma_start3A_54 = tpu.memref_slice %arg10[%add3A_30, %dma_start3A] : memref<10240x128xf32, #tpu.memory_space<vmem_shared>> -> memref<128x128xf32, #tpu.memory_space<vmem_shared>>
      %dma_start3A_55 = arith.constant 0 : i32
      %dma_start3A_56 = tpu.memref_slice %arg10[%add3A_30, %dma_start3A_55] : memref<10240x128xf32, #tpu.memory_space<vmem_shared>> -> memref<128x128xf32, #tpu.memory_space<vmem_shared>>
      tpu.enqueue_dma source(%arg18 : memref<128x128xf32, #tpu.memory_space<vmem>>) target(%dma_start3A_56 : memref<128x128xf32, #tpu.memory_space<vmem_shared>>) target_semaphore(%run_scoped3A : memref<!tpu.dma_semaphore, #tpu.memory_space<semaphore_mem>>)
      %dma_wait3A = arith.constant 0 : i32
      %dma_wait3A_57 = tpu.memref_slice %arg10[%add3A_30, %dma_wait3A] : memref<10240x128xf32, #tpu.memory_space<vmem_shared>> -> memref<128x128xf32, #tpu.memory_space<vmem_shared>>
      %dma_wait3A_58 = arith.constant 0 : i32
      %dma_wait3A_59 = tpu.memref_slice %arg10[%add3A_30, %dma_wait3A_58] : memref<10240x128xf32, #tpu.memory_space<vmem_shared>> -> memref<128x128xf32, #tpu.memory_space<vmem_shared>>
      tpu.wait_dma2 semaphore(%run_scoped3A : memref<!tpu.dma_semaphore, #tpu.memory_space<semaphore_mem>>) src(%arg18 : memref<128x128xf32, #tpu.memory_space<vmem>>) dst(%dma_wait3A_59 : memref<128x128xf32, #tpu.memory_space<vmem_shared>>)
      tpu.yield
    }) : () -> ()
    %mul3A_31 = arith.constant 640 : i32
    %mul3A_32 = arith.muli %arg1, %mul3A_31 : i32
    %add3A_33 = arith.constant 512 : i32
    %add3A_34 = arith.addi %mul3A_32, %add3A_33 : i32
    "tpu.region"() ({
      %run_scoped3A = tpu.sem_alloc : memref<!tpu.dma_semaphore, #tpu.memory_space<semaphore_mem>>
      %dma_start3A = arith.constant 0 : i32
      %dma_start3A_54 = tpu.memref_slice %arg10[%add3A_34, %dma_start3A] : memref<10240x128xf32, #tpu.memory_space<vmem_shared>> -> memref<128x128xf32, #tpu.memory_space<vmem_shared>>
      %dma_start3A_55 = arith.constant 0 : i32
      %dma_start3A_56 = tpu.memref_slice %arg10[%add3A_34, %dma_start3A_55] : memref<10240x128xf32, #tpu.memory_space<vmem_shared>> -> memref<128x128xf32, #tpu.memory_space<vmem_shared>>
      tpu.enqueue_dma source(%arg18 : memref<128x128xf32, #tpu.memory_space<vmem>>) target(%dma_start3A_56 : memref<128x128xf32, #tpu.memory_space<vmem_shared>>) target_semaphore(%run_scoped3A : memref<!tpu.dma_semaphore, #tpu.memory_space<semaphore_mem>>)
      %dma_wait3A = arith.constant 0 : i32
      %dma_wait3A_57 = tpu.memref_slice %arg10[%add3A_34, %dma_wait3A] : memref<10240x128xf32, #tpu.memory_space<vmem_shared>> -> memref<128x128xf32, #tpu.memory_space<vmem_shared>>
      %dma_wait3A_58 = arith.constant 0 : i32
      %dma_wait3A_59 = tpu.memref_slice %arg10[%add3A_34, %dma_wait3A_58] : memref<10240x128xf32, #tpu.memory_space<vmem_shared>> -> memref<128x128xf32, #tpu.memory_space<vmem_shared>>
      tpu.wait_dma2 semaphore(%run_scoped3A : memref<!tpu.dma_semaphore, #tpu.memory_space<semaphore_mem>>) src(%arg18 : memref<128x128xf32, #tpu.memory_space<vmem>>) dst(%dma_wait3A_59 : memref<128x128xf32, #tpu.memory_space<vmem_shared>>)
      tpu.yield
    }) : () -> ()
    %mul3A_35 = arith.constant 640 : i32
    %mul3A_36 = arith.muli %arg1, %mul3A_35 : i32
    "tpu.region"() ({
      %run_scoped3A = tpu.sem_alloc : memref<!tpu.dma_semaphore, #tpu.memory_space<semaphore_mem>>
      %dma_start3A = tpu.memref_slice %arg11[%mul3A_36] : memref<10240xf32, #tpu.memory_space<vmem_shared>> -> memref<640xf32, #tpu.memory_space<vmem_shared>>
      %dma_start3A_54 = tpu.memref_slice %arg11[%mul3A_36] : memref<10240xf32, #tpu.memory_space<vmem_shared>> -> memref<640xf32, #tpu.memory_space<vmem_shared>>
      tpu.enqueue_dma source(%arg19 : memref<640xf32, #tpu.memory_space<vmem>>) target(%dma_start3A_54 : memref<640xf32, #tpu.memory_space<vmem_shared>>) target_semaphore(%run_scoped3A : memref<!tpu.dma_semaphore, #tpu.memory_space<semaphore_mem>>)
      %dma_wait3A = tpu.memref_slice %arg11[%mul3A_36] : memref<10240xf32, #tpu.memory_space<vmem_shared>> -> memref<640xf32, #tpu.memory_space<vmem_shared>>
      %dma_wait3A_55 = tpu.memref_slice %arg11[%mul3A_36] : memref<10240xf32, #tpu.memory_space<vmem_shared>> -> memref<640xf32, #tpu.memory_space<vmem_shared>>
      tpu.wait_dma2 semaphore(%run_scoped3A : memref<!tpu.dma_semaphore, #tpu.memory_space<semaphore_mem>>) src(%arg19 : memref<640xf32, #tpu.memory_space<vmem>>) dst(%dma_wait3A_55 : memref<640xf32, #tpu.memory_space<vmem_shared>>)
      tpu.yield
    }) : () -> ()
    %get3A = arith.constant 0 : index
    %get3A_37 = tpu.vector_load %arg14[%get3A] {strides = array<i32>} : memref<16xf32, #tpu.memory_space<vmem>>, vector<16xf32>,
    %barrier3A = arith.constant 0 : index
    tpu.barrier barrier_id(%barrier3A)
    %scan3A_38 = arith.constant 0 : i32
    %scan3A_39 = arith.constant 0 : i32
    %scan3A_40 = arith.constant 79 : i32
    %scan3A_41 = arith.addi %scan3A_39, %scan3A_40 : i32
    %scan3A_42 = arith.constant 1 : i32
    %scan3A_43 = scf.for %scan3A_54 = %scan3A_39 to %scan3A_41 step %scan3A_42 iter_args(%scan3A_55 = %scan3A_38) -> (i32)  : i32 {
      "tpu.region"() ({
        %run_scoped3A = tpu.sem_alloc : memref<!tpu.dma_semaphore, #tpu.memory_space<semaphore_mem>>
        %dma_start3A_247 = arith.constant 0 : i32
        %dma_start3A_248 = tpu.memref_slice %arg6[%add3A, %scan3A_54, %dma_start3A_247] : memref<32x79x128xi32, #tpu.memory_space<hbm>> -> memref<1x1x128xi32, #tpu.memory_space<hbm>>
        %dma_start3A_249 = tpu.memref_squeeze %dma_start3A_248 : memref<1x1x128xi32, #tpu.memory_space<hbm>> -> memref<128xi32, #tpu.memory_space<hbm>>
        %dma_start3A_250 = arith.constant 0 : i32
        %dma_start3A_251 = tpu.memref_slice %arg6[%add3A, %scan3A_54, %dma_start3A_250] : memref<32x79x128xi32, #tpu.memory_space<hbm>> -> memref<1x1x128xi32, #tpu.memory_space<hbm>>
        %dma_start3A_252 = tpu.memref_squeeze %dma_start3A_251 : memref<1x1x128xi32, #tpu.memory_space<hbm>> -> memref<128xi32, #tpu.memory_space<hbm>>
        tpu.enqueue_dma source(%dma_start3A_252 : memref<128xi32, #tpu.memory_space<hbm>>) target(%arg15 : memref<128xi32, #tpu.memory_space<vmem>>) target_semaphore(%run_scoped3A : memref<!tpu.dma_semaphore, #tpu.memory_space<semaphore_mem>>)
        %dma_wait3A_253 = arith.constant 0 : i32
        %dma_wait3A_254 = tpu.memref_slice %arg6[%add3A, %scan3A_54, %dma_wait3A_253] : memref<32x79x128xi32, #tpu.memory_space<hbm>> -> memref<1x1x128xi32, #tpu.memory_space<hbm>>
        %dma_wait3A_255 = tpu.memref_squeeze %dma_wait3A_254 : memref<1x1x128xi32, #tpu.memory_space<hbm>> -> memref<128xi32, #tpu.memory_space<hbm>>
        %dma_wait3A_256 = arith.constant 0 : i32
        %dma_wait3A_257 = tpu.memref_slice %arg6[%add3A, %scan3A_54, %dma_wait3A_256] : memref<32x79x128xi32, #tpu.memory_space<hbm>> -> memref<1x1x128xi32, #tpu.memory_space<hbm>>
        %dma_wait3A_258 = tpu.memref_squeeze %dma_wait3A_257 : memref<1x1x128xi32, #tpu.memory_space<hbm>> -> memref<128xi32, #tpu.memory_space<hbm>>
        tpu.wait_dma2 semaphore(%run_scoped3A : memref<!tpu.dma_semaphore, #tpu.memory_space<semaphore_mem>>) src(%dma_wait3A_258 : memref<128xi32, #tpu.memory_space<hbm>>) dst(%arg15 : memref<128xi32, #tpu.memory_space<vmem>>)
        tpu.yield
      }) : () -> ()
      "tpu.region"() ({
        %run_scoped3A = tpu.sem_alloc : memref<!tpu.dma_semaphore, #tpu.memory_space<semaphore_mem>>
        %dma_start3A_247 = arith.constant 0 : i32
        %dma_start3A_248 = tpu.memref_slice %arg7[%add3A, %scan3A_54, %dma_start3A_247] : memref<32x79x128xi32, #tpu.memory_space<hbm>> -> memref<1x1x128xi32, #tpu.memory_space<hbm>>
        %dma_start3A_249 = tpu.memref_squeeze %dma_start3A_248 : memref<1x1x128xi32, #tpu.memory_space<hbm>> -> memref<128xi32, #tpu.memory_space<hbm>>
        %dma_start3A_250 = arith.constant 0 : i32
        %dma_start3A_251 = tpu.memref_slice %arg7[%add3A, %scan3A_54, %dma_start3A_250] : memref<32x79x128xi32, #tpu.memory_space<hbm>> -> memref<1x1x128xi32, #tpu.memory_space<hbm>>
        %dma_start3A_252 = tpu.memref_squeeze %dma_start3A_251 : memref<1x1x128xi32, #tpu.memory_space<hbm>> -> memref<128xi32, #tpu.memory_space<hbm>>
        tpu.enqueue_dma source(%dma_start3A_252 : memref<128xi32, #tpu.memory_space<hbm>>) target(%arg16 : memref<128xi32, #tpu.memory_space<vmem>>) target_semaphore(%run_scoped3A : memref<!tpu.dma_semaphore, #tpu.memory_space<semaphore_mem>>)
        %dma_wait3A_253 = arith.constant 0 : i32
        %dma_wait3A_254 = tpu.memref_slice %arg7[%add3A, %scan3A_54, %dma_wait3A_253] : memref<32x79x128xi32, #tpu.memory_space<hbm>> -> memref<1x1x128xi32, #tpu.memory_space<hbm>>
        %dma_wait3A_255 = tpu.memref_squeeze %dma_wait3A_254 : memref<1x1x128xi32, #tpu.memory_space<hbm>> -> memref<128xi32, #tpu.memory_space<hbm>>
        %dma_wait3A_256 = arith.constant 0 : i32
        %dma_wait3A_257 = tpu.memref_slice %arg7[%add3A, %scan3A_54, %dma_wait3A_256] : memref<32x79x128xi32, #tpu.memory_space<hbm>> -> memref<1x1x128xi32, #tpu.memory_space<hbm>>
        %dma_wait3A_258 = tpu.memref_squeeze %dma_wait3A_257 : memref<1x1x128xi32, #tpu.memory_space<hbm>> -> memref<128xi32, #tpu.memory_space<hbm>>
        tpu.wait_dma2 semaphore(%run_scoped3A : memref<!tpu.dma_semaphore, #tpu.memory_space<semaphore_mem>>) src(%dma_wait3A_258 : memref<128xi32, #tpu.memory_space<hbm>>) dst(%arg16 : memref<128xi32, #tpu.memory_space<vmem>>)
        tpu.yield
      }) : () -> ()
      %dma_start3A = arith.constant 0 : i32
      %dma_start3A_56 = arith.constant 0 : i32
      %dma_start3A_57 = tpu.memref_slice %arg2[%dma_start3A, %dma_start3A_56] : memref<10240x128xf32, #tpu.memory_space<hbm>> -> memref<10240x128xf32, #tpu.memory_space<hbm>>
      tpu.enqueue_indirect_dma source(%dma_start3A_57 : memref<10240x128xf32, #tpu.memory_space<hbm>>) target(%arg18 : memref<128x128xf32, #tpu.memory_space<vmem>>) offsets(%arg15 : memref<128xi32, #tpu.memory_space<vmem>>) semaphore(%arg20 : memref<!tpu.dma_semaphore, #tpu.memory_space<semaphore_mem>>)
      %get3A_58 = arith.constant 0 : index
      %get3A_59 = tpu.vector_load %arg15[%get3A_58] {strides = array<i32>} : memref<128xi32, #tpu.memory_space<vmem>>, vector<16xi32>,
      %get3A_60 = arith.constant 0 : index
      %get3A_61 = tpu.vector_load %arg16[%get3A_60] {strides = array<i32>} : memref<128xi32, #tpu.memory_space<vmem>>, vector<16xi32>,
      %gather3A = tpu.vector_load_idx %arg12[%get3A_59] : memref<10240xf32, #tpu.memory_space<vmem>>[vector<16xi32>], vector<16xf32>,
      %gather3A_62 = tpu.vector_load_idx %arg13[%get3A_61] : memref<10240xf32, #tpu.memory_space<vmem>>[vector<16xi32>], vector<16xf32>,
      %add3A_63 = arith.addf %gather3A, %gather3A_62 : vector<16xf32>
      %ge3A = arith.constant 0.000000e+00 : f32
      %ge3A_64 = vector.broadcast %ge3A : f32 to vector<16xf32>
      %ge3A_65 = arith.cmpf oge, %add3A_63, %ge3A_64 : vector<16xf32>
      %mul3A_66 = arith.constant 2.000000e-01 : f32
      %mul3A_67 = vector.broadcast %mul3A_66 : f32 to vector<16xf32>
      %mul3A_68 = arith.mulf %mul3A_67, %add3A_63 : vector<16xf32>
      %select_n3A = arith.select %ge3A_65, %add3A_63, %mul3A_68 : vector<16xi1>, vector<16xf32>
      %add3A_69 = arith.addf %gather3A_62, %get3A_37 : vector<16xf32>
      %max3A = arith.constant 0.000000e+00 : f32
      %max3A_70 = vector.broadcast %max3A : f32 to vector<16xf32>
      %max3A_71 = arith.maximumf %add3A_69, %max3A_70 : vector<16xf32>
      %sub3A = arith.subf %select_n3A, %max3A_71 : vector<16xf32>
      %exp3A = math.exp %sub3A : vector<16xf32>
      %swap3A = arith.constant 0 : index
      %swap3A_72 = tpu.vector_load %arg17[%swap3A] {strides = array<i32>} : memref<128xf32, #tpu.memory_space<vmem>>, vector<16xf32>,
      tpu.vector_store %arg17[%swap3A], %exp3A {strides = array<i32>} : memref<128xf32, #tpu.memory_space<vmem>>, vector<16xf32>,
      %get3A_73 = arith.constant 16 : index
      %get3A_74 = tpu.vector_load %arg15[%get3A_73] {strides = array<i32>} : memref<128xi32, #tpu.memory_space<vmem>>, vector<16xi32>,
      %get3A_75 = arith.constant 16 : index
      %get3A_76 = tpu.vector_load %arg16[%get3A_75] {strides = array<i32>} : memref<128xi32, #tpu.memory_space<vmem>>, vector<16xi32>,
      %gather3A_77 = tpu.vector_load_idx %arg12[%get3A_74] : memref<10240xf32, #tpu.memory_space<vmem>>[vector<16xi32>], vector<16xf32>,
      %gather3A_78 = tpu.vector_load_idx %arg13[%get3A_76] : memref<10240xf32, #tpu.memory_space<vmem>>[vector<16xi32>], vector<16xf32>,
      %add3A_79 = arith.addf %gather3A_77, %gather3A_78 : vector<16xf32>
      %ge3A_80 = arith.constant 0.000000e+00 : f32
      %ge3A_81 = vector.broadcast %ge3A_80 : f32 to vector<16xf32>
      %ge3A_82 = arith.cmpf oge, %add3A_79, %ge3A_81 : vector<16xf32>
      %mul3A_83 = arith.constant 2.000000e-01 : f32
      %mul3A_84 = vector.broadcast %mul3A_83 : f32 to vector<16xf32>
      %mul3A_85 = arith.mulf %mul3A_84, %add3A_79 : vector<16xf32>
      %select_n3A_86 = arith.select %ge3A_82, %add3A_79, %mul3A_85 : vector<16xi1>, vector<16xf32>
      %add3A_87 = arith.addf %gather3A_78, %get3A_37 : vector<16xf32>
      %max3A_88 = arith.constant 0.000000e+00 : f32
      %max3A_89 = vector.broadcast %max3A_88 : f32 to vector<16xf32>
      %max3A_90 = arith.maximumf %add3A_87, %max3A_89 : vector<16xf32>
      %sub3A_91 = arith.subf %select_n3A_86, %max3A_90 : vector<16xf32>
      %exp3A_92 = math.exp %sub3A_91 : vector<16xf32>
      %swap3A_93 = arith.constant 16 : index
      %swap3A_94 = tpu.vector_load %arg17[%swap3A_93] {strides = array<i32>} : memref<128xf32, #tpu.memory_space<vmem>>, vector<16xf32>,
      tpu.vector_store %arg17[%swap3A_93], %exp3A_92 {strides = array<i32>} : memref<128xf32, #tpu.memory_space<vmem>>, vector<16xf32>,
      %get3A_95 = arith.constant 32 : index
      %get3A_96 = tpu.vector_load %arg15[%get3A_95] {strides = array<i32>} : memref<128xi32, #tpu.memory_space<vmem>>, vector<16xi32>,
      %get3A_97 = arith.constant 32 : index
      %get3A_98 = tpu.vector_load %arg16[%get3A_97] {strides = array<i32>} : memref<128xi32, #tpu.memory_space<vmem>>, vector<16xi32>,
      %gather3A_99 = tpu.vector_load_idx %arg12[%get3A_96] : memref<10240xf32, #tpu.memory_space<vmem>>[vector<16xi32>], vector<16xf32>,
      %gather3A_100 = tpu.vector_load_idx %arg13[%get3A_98] : memref<10240xf32, #tpu.memory_space<vmem>>[vector<16xi32>], vector<16xf32>,
      %add3A_101 = arith.addf %gather3A_99, %gather3A_100 : vector<16xf32>
      %ge3A_102 = arith.constant 0.000000e+00 : f32
      %ge3A_103 = vector.broadcast %ge3A_102 : f32 to vector<16xf32>
      %ge3A_104 = arith.cmpf oge, %add3A_101, %ge3A_103 : vector<16xf32>
      %mul3A_105 = arith.constant 2.000000e-01 : f32
      %mul3A_106 = vector.broadcast %mul3A_105 : f32 to vector<16xf32>
      %mul3A_107 = arith.mulf %mul3A_106, %add3A_101 : vector<16xf32>
      %select_n3A_108 = arith.select %ge3A_104, %add3A_101, %mul3A_107 : vector<16xi1>, vector<16xf32>
      %add3A_109 = arith.addf %gather3A_100, %get3A_37 : vector<16xf32>
      %max3A_110 = arith.constant 0.000000e+00 : f32
      %max3A_111 = vector.broadcast %max3A_110 : f32 to vector<16xf32>
      %max3A_112 = arith.maximumf %add3A_109, %max3A_111 : vector<16xf32>
      %sub3A_113 = arith.subf %select_n3A_108, %max3A_112 : vector<16xf32>
      %exp3A_114 = math.exp %sub3A_113 : vector<16xf32>
      %swap3A_115 = arith.constant 32 : index
      %swap3A_116 = tpu.vector_load %arg17[%swap3A_115] {strides = array<i32>} : memref<128xf32, #tpu.memory_space<vmem>>, vector<16xf32>,
      tpu.vector_store %arg17[%swap3A_115], %exp3A_114 {strides = array<i32>} : memref<128xf32, #tpu.memory_space<vmem>>, vector<16xf32>,
      %get3A_117 = arith.constant 48 : index
      %get3A_118 = tpu.vector_load %arg15[%get3A_117] {strides = array<i32>} : memref<128xi32, #tpu.memory_space<vmem>>, vector<16xi32>,
      %get3A_119 = arith.constant 48 : index
      %get3A_120 = tpu.vector_load %arg16[%get3A_119] {strides = array<i32>} : memref<128xi32, #tpu.memory_space<vmem>>, vector<16xi32>,
      %gather3A_121 = tpu.vector_load_idx %arg12[%get3A_118] : memref<10240xf32, #tpu.memory_space<vmem>>[vector<16xi32>], vector<16xf32>,
      %gather3A_122 = tpu.vector_load_idx %arg13[%get3A_120] : memref<10240xf32, #tpu.memory_space<vmem>>[vector<16xi32>], vector<16xf32>,
      %add3A_123 = arith.addf %gather3A_121, %gather3A_122 : vector<16xf32>
      %ge3A_124 = arith.constant 0.000000e+00 : f32
      %ge3A_125 = vector.broadcast %ge3A_124 : f32 to vector<16xf32>
      %ge3A_126 = arith.cmpf oge, %add3A_123, %ge3A_125 : vector<16xf32>
      %mul3A_127 = arith.constant 2.000000e-01 : f32
      %mul3A_128 = vector.broadcast %mul3A_127 : f32 to vector<16xf32>
      %mul3A_129 = arith.mulf %mul3A_128, %add3A_123 : vector<16xf32>
      %select_n3A_130 = arith.select %ge3A_126, %add3A_123, %mul3A_129 : vector<16xi1>, vector<16xf32>
      %add3A_131 = arith.addf %gather3A_122, %get3A_37 : vector<16xf32>
      %max3A_132 = arith.constant 0.000000e+00 : f32
      %max3A_133 = vector.broadcast %max3A_132 : f32 to vector<16xf32>
      %max3A_134 = arith.maximumf %add3A_131, %max3A_133 : vector<16xf32>
      %sub3A_135 = arith.subf %select_n3A_130, %max3A_134 : vector<16xf32>
      %exp3A_136 = math.exp %sub3A_135 : vector<16xf32>
      %swap3A_137 = arith.constant 48 : index
      %swap3A_138 = tpu.vector_load %arg17[%swap3A_137] {strides = array<i32>} : memref<128xf32, #tpu.memory_space<vmem>>, vector<16xf32>,
      tpu.vector_store %arg17[%swap3A_137], %exp3A_136 {strides = array<i32>} : memref<128xf32, #tpu.memory_space<vmem>>, vector<16xf32>,
      %get3A_139 = arith.constant 64 : index
      %get3A_140 = tpu.vector_load %arg15[%get3A_139] {strides = array<i32>} : memref<128xi32, #tpu.memory_space<vmem>>, vector<16xi32>,
      %get3A_141 = arith.constant 64 : index
      %get3A_142 = tpu.vector_load %arg16[%get3A_141] {strides = array<i32>} : memref<128xi32, #tpu.memory_space<vmem>>, vector<16xi32>,
      %gather3A_143 = tpu.vector_load_idx %arg12[%get3A_140] : memref<10240xf32, #tpu.memory_space<vmem>>[vector<16xi32>], vector<16xf32>,
      %gather3A_144 = tpu.vector_load_idx %arg13[%get3A_142] : memref<10240xf32, #tpu.memory_space<vmem>>[vector<16xi32>], vector<16xf32>,
      %add3A_145 = arith.addf %gather3A_143, %gather3A_144 : vector<16xf32>
      %ge3A_146 = arith.constant 0.000000e+00 : f32
      %ge3A_147 = vector.broadcast %ge3A_146 : f32 to vector<16xf32>
      %ge3A_148 = arith.cmpf oge, %add3A_145, %ge3A_147 : vector<16xf32>
      %mul3A_149 = arith.constant 2.000000e-01 : f32
      %mul3A_150 = vector.broadcast %mul3A_149 : f32 to vector<16xf32>
      %mul3A_151 = arith.mulf %mul3A_150, %add3A_145 : vector<16xf32>
      %select_n3A_152 = arith.select %ge3A_148, %add3A_145, %mul3A_151 : vector<16xi1>, vector<16xf32>
      %add3A_153 = arith.addf %gather3A_144, %get3A_37 : vector<16xf32>
      %max3A_154 = arith.constant 0.000000e+00 : f32
      %max3A_155 = vector.broadcast %max3A_154 : f32 to vector<16xf32>
      %max3A_156 = arith.maximumf %add3A_153, %max3A_155 : vector<16xf32>
      %sub3A_157 = arith.subf %select_n3A_152, %max3A_156 : vector<16xf32>
      %exp3A_158 = math.exp %sub3A_157 : vector<16xf32>
      %swap3A_159 = arith.constant 64 : index
      %swap3A_160 = tpu.vector_load %arg17[%swap3A_159] {strides = array<i32>} : memref<128xf32, #tpu.memory_space<vmem>>, vector<16xf32>,
      tpu.vector_store %arg17[%swap3A_159], %exp3A_158 {strides = array<i32>} : memref<128xf32, #tpu.memory_space<vmem>>, vector<16xf32>,
      %get3A_161 = arith.constant 80 : index
      %get3A_162 = tpu.vector_load %arg15[%get3A_161] {strides = array<i32>} : memref<128xi32, #tpu.memory_space<vmem>>, vector<16xi32>,
      %get3A_163 = arith.constant 80 : index
      %get3A_164 = tpu.vector_load %arg16[%get3A_163] {strides = array<i32>} : memref<128xi32, #tpu.memory_space<vmem>>, vector<16xi32>,
      %gather3A_165 = tpu.vector_load_idx %arg12[%get3A_162] : memref<10240xf32, #tpu.memory_space<vmem>>[vector<16xi32>], vector<16xf32>,
      %gather3A_166 = tpu.vector_load_idx %arg13[%get3A_164] : memref<10240xf32, #tpu.memory_space<vmem>>[vector<16xi32>], vector<16xf32>,
      %add3A_167 = arith.addf %gather3A_165, %gather3A_166 : vector<16xf32>
      %ge3A_168 = arith.constant 0.000000e+00 : f32
      %ge3A_169 = vector.broadcast %ge3A_168 : f32 to vector<16xf32>
      %ge3A_170 = arith.cmpf oge, %add3A_167, %ge3A_169 : vector<16xf32>
      %mul3A_171 = arith.constant 2.000000e-01 : f32
      %mul3A_172 = vector.broadcast %mul3A_171 : f32 to vector<16xf32>
      %mul3A_173 = arith.mulf %mul3A_172, %add3A_167 : vector<16xf32>
      %select_n3A_174 = arith.select %ge3A_170, %add3A_167, %mul3A_173 : vector<16xi1>, vector<16xf32>
      %add3A_175 = arith.addf %gather3A_166, %get3A_37 : vector<16xf32>
      %max3A_176 = arith.constant 0.000000e+00 : f32
      %max3A_177 = vector.broadcast %max3A_176 : f32 to vector<16xf32>
      %max3A_178 = arith.maximumf %add3A_175, %max3A_177 : vector<16xf32>
      %sub3A_179 = arith.subf %select_n3A_174, %max3A_178 : vector<16xf32>
      %exp3A_180 = math.exp %sub3A_179 : vector<16xf32>
      %swap3A_181 = arith.constant 80 : index
      %swap3A_182 = tpu.vector_load %arg17[%swap3A_181] {strides = array<i32>} : memref<128xf32, #tpu.memory_space<vmem>>, vector<16xf32>,
      tpu.vector_store %arg17[%swap3A_181], %exp3A_180 {strides = array<i32>} : memref<128xf32, #tpu.memory_space<vmem>>, vector<16xf32>,
      %get3A_183 = arith.constant 96 : index
      %get3A_184 = tpu.vector_load %arg15[%get3A_183] {strides = array<i32>} : memref<128xi32, #tpu.memory_space<vmem>>, vector<16xi32>,
      %get3A_185 = arith.constant 96 : index
      %get3A_186 = tpu.vector_load %arg16[%get3A_185] {strides = array<i32>} : memref<128xi32, #tpu.memory_space<vmem>>, vector<16xi32>,
      %gather3A_187 = tpu.vector_load_idx %arg12[%get3A_184] : memref<10240xf32, #tpu.memory_space<vmem>>[vector<16xi32>], vector<16xf32>,
      %gather3A_188 = tpu.vector_load_idx %arg13[%get3A_186] : memref<10240xf32, #tpu.memory_space<vmem>>[vector<16xi32>], vector<16xf32>,
      %add3A_189 = arith.addf %gather3A_187, %gather3A_188 : vector<16xf32>
      %ge3A_190 = arith.constant 0.000000e+00 : f32
      %ge3A_191 = vector.broadcast %ge3A_190 : f32 to vector<16xf32>
      %ge3A_192 = arith.cmpf oge, %add3A_189, %ge3A_191 : vector<16xf32>
      %mul3A_193 = arith.constant 2.000000e-01 : f32
      %mul3A_194 = vector.broadcast %mul3A_193 : f32 to vector<16xf32>
      %mul3A_195 = arith.mulf %mul3A_194, %add3A_189 : vector<16xf32>
      %select_n3A_196 = arith.select %ge3A_192, %add3A_189, %mul3A_195 : vector<16xi1>, vector<16xf32>
      %add3A_197 = arith.addf %gather3A_188, %get3A_37 : vector<16xf32>
      %max3A_198 = arith.constant 0.000000e+00 : f32
      %max3A_199 = vector.broadcast %max3A_198 : f32 to vector<16xf32>
      %max3A_200 = arith.maximumf %add3A_197, %max3A_199 : vector<16xf32>
      %sub3A_201 = arith.subf %select_n3A_196, %max3A_200 : vector<16xf32>
      %exp3A_202 = math.exp %sub3A_201 : vector<16xf32>
      %swap3A_203 = arith.constant 96 : index
      %swap3A_204 = tpu.vector_load %arg17[%swap3A_203] {strides = array<i32>} : memref<128xf32, #tpu.memory_space<vmem>>, vector<16xf32>,
      tpu.vector_store %arg17[%swap3A_203], %exp3A_202 {strides = array<i32>} : memref<128xf32, #tpu.memory_space<vmem>>, vector<16xf32>,
      %get3A_205 = arith.constant 112 : index
      %get3A_206 = tpu.vector_load %arg15[%get3A_205] {strides = array<i32>} : memref<128xi32, #tpu.memory_space<vmem>>, vector<16xi32>,
      %get3A_207 = arith.constant 112 : index
      %get3A_208 = tpu.vector_load %arg16[%get3A_207] {strides = array<i32>} : memref<128xi32, #tpu.memory_space<vmem>>, vector<16xi32>,
      %gather3A_209 = tpu.vector_load_idx %arg12[%get3A_206] : memref<10240xf32, #tpu.memory_space<vmem>>[vector<16xi32>], vector<16xf32>,
      %gather3A_210 = tpu.vector_load_idx %arg13[%get3A_208] : memref<10240xf32, #tpu.memory_space<vmem>>[vector<16xi32>], vector<16xf32>,
      %add3A_211 = arith.addf %gather3A_209, %gather3A_210 : vector<16xf32>
      %ge3A_212 = arith.constant 0.000000e+00 : f32
      %ge3A_213 = vector.broadcast %ge3A_212 : f32 to vector<16xf32>
      %ge3A_214 = arith.cmpf oge, %add3A_211, %ge3A_213 : vector<16xf32>
      %mul3A_215 = arith.constant 2.000000e-01 : f32
      %mul3A_216 = vector.broadcast %mul3A_215 : f32 to vector<16xf32>
      %mul3A_217 = arith.mulf %mul3A_216, %add3A_211 : vector<16xf32>
      %select_n3A_218 = arith.select %ge3A_214, %add3A_211, %mul3A_217 : vector<16xi1>, vector<16xf32>
      %add3A_219 = arith.addf %gather3A_210, %get3A_37 : vector<16xf32>
      %max3A_220 = arith.constant 0.000000e+00 : f32
      %max3A_221 = vector.broadcast %max3A_220 : f32 to vector<16xf32>
      %max3A_222 = arith.maximumf %add3A_219, %max3A_221 : vector<16xf32>
      %sub3A_223 = arith.subf %select_n3A_218, %max3A_222 : vector<16xf32>
      %exp3A_224 = math.exp %sub3A_223 : vector<16xf32>
      %swap3A_225 = arith.constant 112 : index
      %swap3A_226 = tpu.vector_load %arg17[%swap3A_225] {strides = array<i32>} : memref<128xf32, #tpu.memory_space<vmem>>, vector<16xf32>,
      tpu.vector_store %arg17[%swap3A_225], %exp3A_224 {strides = array<i32>} : memref<128xf32, #tpu.memory_space<vmem>>, vector<16xf32>,
      %dma_start3A_227 = arith.constant 0 : i32
      %dma_start3A_228 = tpu.memref_slice %arg11[%dma_start3A_227] : memref<10240xf32, #tpu.memory_space<vmem_shared>> -> memref<10240xf32, #tpu.memory_space<vmem_shared>>
      tpu.enqueue_indirect_dma source(%arg17 : memref<128xf32, #tpu.memory_space<vmem>>) target(%dma_start3A_228 : memref<10240xf32, #tpu.memory_space<vmem_shared>>) offsets(%arg16 : memref<128xi32, #tpu.memory_space<vmem>>) semaphore(%arg22 : memref<!tpu.dma_semaphore, #tpu.memory_space<semaphore_mem>>) {add = true}
      %dma_wait3A = arith.constant 0 : i32
      %dma_wait3A_229 = arith.constant 0 : i32
      %dma_wait3A_230 = tpu.memref_slice %arg2[%dma_wait3A, %dma_wait3A_229] : memref<10240x128xf32, #tpu.memory_space<hbm>> -> memref<10240x128xf32, #tpu.memory_space<hbm>>
      tpu.wait_indirect_dma semaphore(%arg20 : memref<!tpu.dma_semaphore, #tpu.memory_space<semaphore_mem>>) src(%dma_wait3A_230 : memref<10240x128xf32, #tpu.memory_space<hbm>>) dst(%arg18 : memref<128x128xf32, #tpu.memory_space<vmem>>)
      %scan3A_231 = arith.constant 0 : i32
      %scan3A_232 = arith.constant 0 : i32
      %scan3A_233 = arith.constant 128 : i32
      %scan3A_234 = arith.addi %scan3A_232, %scan3A_233 : i32
      %scan3A_235 = arith.constant 1 : i32
      %scan3A_236 = scf.for %scan3A_247 = %scan3A_232 to %scan3A_234 step %scan3A_235 iter_args(%scan3A_248 = %scan3A_231) -> (i32)  : i32 {
        %broadcast_in_dim3A_249 = vector.broadcast %scan3A_247 : i32 to vector<16xi32>
        %gather3A_250 = tpu.vector_load_idx %arg17[%broadcast_in_dim3A_249] : memref<128xf32, #tpu.memory_space<vmem>>[vector<16xi32>], vector<16xf32>,
        %get3A_251 = arith.index_cast %scan3A_247 : i32 to index
        %get3A_252 = arith.constant 0 : index
        %get3A_253 = tpu.vector_load %arg18[%get3A_251, %get3A_252] {strides = array<i32>} : memref<128x128xf32, #tpu.memory_space<vmem>>, vector<16xf32>,
        %mul3A_254 = arith.mulf %get3A_253, %gather3A_250 : vector<16xf32>
        %swap3A_255 = arith.index_cast %scan3A_247 : i32 to index
        %swap3A_256 = arith.constant 0 : index
        %swap3A_257 = tpu.vector_load %arg18[%swap3A_255, %swap3A_256] {strides = array<i32>} : memref<128x128xf32, #tpu.memory_space<vmem>>, vector<16xf32>,
        tpu.vector_store %arg18[%swap3A_255, %swap3A_256], %mul3A_254 {strides = array<i32>} : memref<128x128xf32, #tpu.memory_space<vmem>>, vector<16xf32>,
        %get3A_258 = arith.index_cast %scan3A_247 : i32 to index
        %get3A_259 = arith.constant 16 : index
        %get3A_260 = tpu.vector_load %arg18[%get3A_258, %get3A_259] {strides = array<i32>} : memref<128x128xf32, #tpu.memory_space<vmem>>, vector<16xf32>,
        %mul3A_261 = arith.mulf %get3A_260, %gather3A_250 : vector<16xf32>
        %swap3A_262 = arith.index_cast %scan3A_247 : i32 to index
        %swap3A_263 = arith.constant 16 : index
        %swap3A_264 = tpu.vector_load %arg18[%swap3A_262, %swap3A_263] {strides = array<i32>} : memref<128x128xf32, #tpu.memory_space<vmem>>, vector<16xf32>,
        tpu.vector_store %arg18[%swap3A_262, %swap3A_263], %mul3A_261 {strides = array<i32>} : memref<128x128xf32, #tpu.memory_space<vmem>>, vector<16xf32>,
        %get3A_265 = arith.index_cast %scan3A_247 : i32 to index
        %get3A_266 = arith.constant 32 : index
        %get3A_267 = tpu.vector_load %arg18[%get3A_265, %get3A_266] {strides = array<i32>} : memref<128x128xf32, #tpu.memory_space<vmem>>, vector<16xf32>,
        %mul3A_268 = arith.mulf %get3A_267, %gather3A_250 : vector<16xf32>
        %swap3A_269 = arith.index_cast %scan3A_247 : i32 to index
        %swap3A_270 = arith.constant 32 : index
        %swap3A_271 = tpu.vector_load %arg18[%swap3A_269, %swap3A_270] {strides = array<i32>} : memref<128x128xf32, #tpu.memory_space<vmem>>, vector<16xf32>,
        tpu.vector_store %arg18[%swap3A_269, %swap3A_270], %mul3A_268 {strides = array<i32>} : memref<128x128xf32, #tpu.memory_space<vmem>>, vector<16xf32>,
        %get3A_272 = arith.index_cast %scan3A_247 : i32 to index
        %get3A_273 = arith.constant 48 : index
        %get3A_274 = tpu.vector_load %arg18[%get3A_272, %get3A_273] {strides = array<i32>} : memref<128x128xf32, #tpu.memory_space<vmem>>, vector<16xf32>,
        %mul3A_275 = arith.mulf %get3A_274, %gather3A_250 : vector<16xf32>
        %swap3A_276 = arith.index_cast %scan3A_247 : i32 to index
        %swap3A_277 = arith.constant 48 : index
        %swap3A_278 = tpu.vector_load %arg18[%swap3A_276, %swap3A_277] {strides = array<i32>} : memref<128x128xf32, #tpu.memory_space<vmem>>, vector<16xf32>,
        tpu.vector_store %arg18[%swap3A_276, %swap3A_277], %mul3A_275 {strides = array<i32>} : memref<128x128xf32, #tpu.memory_space<vmem>>, vector<16xf32>,
        %get3A_279 = arith.index_cast %scan3A_247 : i32 to index
        %get3A_280 = arith.constant 64 : index
        %get3A_281 = tpu.vector_load %arg18[%get3A_279, %get3A_280] {strides = array<i32>} : memref<128x128xf32, #tpu.memory_space<vmem>>, vector<16xf32>,
        %mul3A_282 = arith.mulf %get3A_281, %gather3A_250 : vector<16xf32>
        %swap3A_283 = arith.index_cast %scan3A_247 : i32 to index
        %swap3A_284 = arith.constant 64 : index
        %swap3A_285 = tpu.vector_load %arg18[%swap3A_283, %swap3A_284] {strides = array<i32>} : memref<128x128xf32, #tpu.memory_space<vmem>>, vector<16xf32>,
        tpu.vector_store %arg18[%swap3A_283, %swap3A_284], %mul3A_282 {strides = array<i32>} : memref<128x128xf32, #tpu.memory_space<vmem>>, vector<16xf32>,
        %get3A_286 = arith.index_cast %scan3A_247 : i32 to index
        %get3A_287 = arith.constant 80 : index
        %get3A_288 = tpu.vector_load %arg18[%get3A_286, %get3A_287] {strides = array<i32>} : memref<128x128xf32, #tpu.memory_space<vmem>>, vector<16xf32>,
        %mul3A_289 = arith.mulf %get3A_288, %gather3A_250 : vector<16xf32>
        %swap3A_290 = arith.index_cast %scan3A_247 : i32 to index
        %swap3A_291 = arith.constant 80 : index
        %swap3A_292 = tpu.vector_load %arg18[%swap3A_290, %swap3A_291] {strides = array<i32>} : memref<128x128xf32, #tpu.memory_space<vmem>>, vector<16xf32>,
        tpu.vector_store %arg18[%swap3A_290, %swap3A_291], %mul3A_289 {strides = array<i32>} : memref<128x128xf32, #tpu.memory_space<vmem>>, vector<16xf32>,
        %get3A_293 = arith.index_cast %scan3A_247 : i32 to index
        %get3A_294 = arith.constant 96 : index
        %get3A_295 = tpu.vector_load %arg18[%get3A_293, %get3A_294] {strides = array<i32>} : memref<128x128xf32, #tpu.memory_space<vmem>>, vector<16xf32>,
        %mul3A_296 = arith.mulf %get3A_295, %gather3A_250 : vector<16xf32>
        %swap3A_297 = arith.index_cast %scan3A_247 : i32 to index
        %swap3A_298 = arith.constant 96 : index
        %swap3A_299 = tpu.vector_load %arg18[%swap3A_297, %swap3A_298] {strides = array<i32>} : memref<128x128xf32, #tpu.memory_space<vmem>>, vector<16xf32>,
        tpu.vector_store %arg18[%swap3A_297, %swap3A_298], %mul3A_296 {strides = array<i32>} : memref<128x128xf32, #tpu.memory_space<vmem>>, vector<16xf32>,
        %get3A_300 = arith.index_cast %scan3A_247 : i32 to index
        %get3A_301 = arith.constant 112 : index
        %get3A_302 = tpu.vector_load %arg18[%get3A_300, %get3A_301] {strides = array<i32>} : memref<128x128xf32, #tpu.memory_space<vmem>>, vector<16xf32>,
        %mul3A_303 = arith.mulf %get3A_302, %gather3A_250 : vector<16xf32>
        %swap3A_304 = arith.index_cast %scan3A_247 : i32 to index
        %swap3A_305 = arith.constant 112 : index
        %swap3A_306 = tpu.vector_load %arg18[%swap3A_304, %swap3A_305] {strides = array<i32>} : memref<128x128xf32, #tpu.memory_space<vmem>>, vector<16xf32>,
        tpu.vector_store %arg18[%swap3A_304, %swap3A_305], %mul3A_303 {strides = array<i32>} : memref<128x128xf32, #tpu.memory_space<vmem>>, vector<16xf32>,
        %scan3A_307 = arith.constant 0 : i32
        scf.yield %scan3A_307 : i32
      }
      %scan3A_237 = arith.constant 128 : i32
      %dma_start3A_238 = arith.constant 0 : i32
      %dma_start3A_239 = arith.constant 0 : i32
      %dma_start3A_240 = tpu.memref_slice %arg10[%dma_start3A_238, %dma_start3A_239] : memref<10240x128xf32, #tpu.memory_space<vmem_shared>> -> memref<10240x128xf32, #tpu.memory_space<vmem_shared>>
      tpu.enqueue_indirect_dma source(%arg18 : memref<128x128xf32, #tpu.memory_space<vmem>>) target(%dma_start3A_240 : memref<10240x128xf32, #tpu.memory_space<vmem_shared>>) offsets(%arg16 : memref<128xi32, #tpu.memory_space<vmem>>) semaphore(%arg21 : memref<!tpu.dma_semaphore, #tpu.memory_space<semaphore_mem>>) {add = true}
      %dma_wait3A_241 = arith.constant 0 : i32
      %dma_wait3A_242 = arith.constant 0 : i32
      %dma_wait3A_243 = tpu.memref_slice %arg10[%dma_wait3A_241, %dma_wait3A_242] : memref<10240x128xf32, #tpu.memory_space<vmem_shared>> -> memref<10240x128xf32, #tpu.memory_space<vmem_shared>>
      tpu.wait_indirect_dma semaphore(%arg21 : memref<!tpu.dma_semaphore, #tpu.memory_space<semaphore_mem>>) src(%arg18 : memref<128x128xf32, #tpu.memory_space<vmem>>) dst(%dma_wait3A_243 : memref<10240x128xf32, #tpu.memory_space<vmem_shared>>)
      %dma_wait3A_244 = arith.constant 0 : i32
      %dma_wait3A_245 = tpu.memref_slice %arg11[%dma_wait3A_244] : memref<10240xf32, #tpu.memory_space<vmem_shared>> -> memref<10240xf32, #tpu.memory_space<vmem_shared>>
      tpu.wait_indirect_dma semaphore(%arg22 : memref<!tpu.dma_semaphore, #tpu.memory_space<semaphore_mem>>) src(%arg17 : memref<128xf32, #tpu.memory_space<vmem>>) dst(%dma_wait3A_245 : memref<10240xf32, #tpu.memory_space<vmem_shared>>)
      %scan3A_246 = arith.constant 0 : i32
      scf.yield %scan3A_246 : i32
    }
    %scan3A_44 = arith.constant 79 : i32
    %barrier3A_45 = arith.constant 0 : index
    tpu.barrier barrier_id(%barrier3A_45)
    %mul3A_46 = arith.constant 640 : i32
    %mul3A_47 = arith.muli %arg1, %mul3A_46 : i32
    %mul3A_48 = arith.constant 640 : i32
    %mul3A_49 = arith.muli %arg1, %mul3A_48 : i32
    "tpu.region"() ({
      %run_scoped3A = tpu.sem_alloc : memref<!tpu.dma_semaphore, #tpu.memory_space<semaphore_mem>>
      %dma_start3A = arith.constant 0 : i32
      %dma_start3A_54 = tpu.memref_slice %arg8[%arg0, %mul3A_49, %dma_start3A] : memref<2x10240x128xf32, #tpu.memory_space<hbm>> -> memref<1x640x128xf32, #tpu.memory_space<hbm>>
      %dma_start3A_55 = tpu.memref_squeeze %dma_start3A_54 : memref<1x640x128xf32, #tpu.memory_space<hbm>> -> memref<640x128xf32, #tpu.memory_space<hbm>>
      %dma_start3A_56 = arith.constant 0 : i32
      %dma_start3A_57 = tpu.memref_slice %arg10[%mul3A_47, %dma_start3A_56] : memref<10240x128xf32, #tpu.memory_space<vmem_shared>> -> memref<640x128xf32, #tpu.memory_space<vmem_shared>>
      tpu.enqueue_dma source(%dma_start3A_57 : memref<640x128xf32, #tpu.memory_space<vmem_shared>>) target(%dma_start3A_55 : memref<640x128xf32, #tpu.memory_space<hbm>>) target_semaphore(%run_scoped3A : memref<!tpu.dma_semaphore, #tpu.memory_space<semaphore_mem>>)
      %dma_wait3A = arith.constant 0 : i32
      %dma_wait3A_58 = tpu.memref_slice %arg8[%arg0, %mul3A_49, %dma_wait3A] : memref<2x10240x128xf32, #tpu.memory_space<hbm>> -> memref<1x640x128xf32, #tpu.memory_space<hbm>>
      %dma_wait3A_59 = tpu.memref_squeeze %dma_wait3A_58 : memref<1x640x128xf32, #tpu.memory_space<hbm>> -> memref<640x128xf32, #tpu.memory_space<hbm>>
      %dma_wait3A_60 = arith.constant 0 : i32
      %dma_wait3A_61 = tpu.memref_slice %arg10[%mul3A_47, %dma_wait3A_60] : memref<10240x128xf32, #tpu.memory_space<vmem_shared>> -> memref<640x128xf32, #tpu.memory_space<vmem_shared>>
      tpu.wait_dma2 semaphore(%run_scoped3A : memref<!tpu.dma_semaphore, #tpu.memory_space<semaphore_mem>>) src(%dma_wait3A_61 : memref<640x128xf32, #tpu.memory_space<vmem_shared>>) dst(%dma_wait3A_59 : memref<640x128xf32, #tpu.memory_space<hbm>>)
      tpu.yield
    }) : () -> ()
    %mul3A_50 = arith.constant 640 : i32
    %mul3A_51 = arith.muli %arg1, %mul3A_50 : i32
    %mul3A_52 = arith.constant 640 : i32
    %mul3A_53 = arith.muli %arg1, %mul3A_52 : i32
    "tpu.region"() ({
      %run_scoped3A = tpu.sem_alloc : memref<!tpu.dma_semaphore, #tpu.memory_space<semaphore_mem>>
      %dma_start3A = tpu.memref_slice %arg9[%arg0, %mul3A_53] : memref<2x10240xf32, #tpu.memory_space<hbm>> -> memref<1x640xf32, #tpu.memory_space<hbm>>
      %dma_start3A_54 = tpu.memref_squeeze %dma_start3A : memref<1x640xf32, #tpu.memory_space<hbm>> -> memref<640xf32, #tpu.memory_space<hbm>>
      %dma_start3A_55 = tpu.memref_slice %arg11[%mul3A_51] : memref<10240xf32, #tpu.memory_space<vmem_shared>> -> memref<640xf32, #tpu.memory_space<vmem_shared>>
      tpu.enqueue_dma source(%dma_start3A_55 : memref<640xf32, #tpu.memory_space<vmem_shared>>) target(%dma_start3A_54 : memref<640xf32, #tpu.memory_space<hbm>>) target_semaphore(%run_scoped3A : memref<!tpu.dma_semaphore, #tpu.memory_space<semaphore_mem>>)
      %dma_wait3A = tpu.memref_slice %arg9[%arg0, %mul3A_53] : memref<2x10240xf32, #tpu.memory_space<hbm>> -> memref<1x640xf32, #tpu.memory_space<hbm>>
      %dma_wait3A_56 = tpu.memref_squeeze %dma_wait3A : memref<1x640xf32, #tpu.memory_space<hbm>> -> memref<640xf32, #tpu.memory_space<hbm>>
      %dma_wait3A_57 = tpu.memref_slice %arg11[%mul3A_51] : memref<10240xf32, #tpu.memory_space<vmem_shared>> -> memref<640xf32, #tpu.memory_space<vmem_shared>>
      tpu.wait_dma2 semaphore(%run_scoped3A : memref<!tpu.dma_semaphore, #tpu.memory_space<semaphore_mem>>) src(%dma_wait3A_57 : memref<640xf32, #tpu.memory_space<vmem_shared>>) dst(%dma_wait3A_56 : memref<640xf32, #tpu.memory_space<hbm>>)
      tpu.yield
    }) : () -> ()
    return
  }
}

#map = affine_map<(d0, d1) -> (0, 0)>
#map1 = affine_map<(d0, d1) -> (0)>
#map2 = affine_map<(d0, d1) -> (0, 0, 0)>
module attributes {stable_mosaic.version = 14 : i64} {
  func.func @_sc_edge_body(%arg0: i32, %arg1: i32, %arg2: memref<10240x128xf32, #tpu.memory_space<hbm>>, %arg3: memref<10240xf32, #tpu.memory_space<hbm>>, %arg4: memref<10240xf32, #tpu.memory_space<hbm>>, %arg5: memref<16xf32, #tpu.memory_space<hbm>>, %arg6: memref<32x79x128xi32, #tpu.memory_space<hbm>>, %arg7: memref<32x79x128xi32, #tpu.memory_space<hbm>>, %arg8: memref<2x10240x128xf32, #tpu.memory_space<hbm>>, %arg9: memref<2x10240xf32, #tpu.memory_space<hbm>>, %arg10: memref<10240x128xf32, #tpu.memory_space<vmem_shared>>, %arg11: memref<10240xf32, #tpu.memory_space<vmem_shared>>, %arg12: memref<10240xf32, #tpu.memory_space<vmem>>, %arg13: memref<10240xf32, #tpu.memory_space<vmem>>, %arg14: memref<16xf32, #tpu.memory_space<vmem>>, %arg15: memref<128xi32, #tpu.memory_space<vmem>>, %arg16: memref<128xi32, #tpu.memory_space<vmem>>, %arg17: memref<128xf32, #tpu.memory_space<vmem>>, %arg18: memref<128x128xf32, #tpu.memory_space<vmem>>, %arg19: memref<640xf32, #tpu.memory_space<vmem>>, %arg20: memref<!tpu.dma_semaphore, #tpu.memory_space<semaphore_mem>>, %arg21: memref<!tpu.dma_semaphore, #tpu.memory_space<semaphore_mem>>, %arg22: memref<!tpu.dma_semaphore, #tpu.memory_space<semaphore_mem>>) attributes {dimension_semantics = [#tpu.dimension_semantics<core_parallel>, #tpu.dimension_semantics<subcore_parallel>], iteration_bounds = array<i64: 2, 16>, scalar_prefetch = 0 : i64, scratch_operands = 13 : i64, tpu.core_type = #tpu.core_type<sc_vector_subcore>, window_params = [{transform_indices = #map}, {transform_indices = #map1}, {transform_indices = #map1}, {transform_indices = #map1}, {transform_indices = #map2}, {transform_indices = #map2}, {transform_indices = #map2}, {transform_indices = #map}]} {
    %mul3A = arith.constant 16 : i32
    %mul3A_0 = arith.muli %arg0, %mul3A : i32
    %add3A = arith.addi %mul3A_0, %arg1 : i32
    "tpu.region"() ({
      %run_scoped3A = tpu.sem_alloc : memref<!tpu.dma_semaphore, #tpu.memory_space<semaphore_mem>>
      tpu.enqueue_dma source(%arg3 : memref<10240xf32, #tpu.memory_space<hbm>>) target(%arg12 : memref<10240xf32, #tpu.memory_space<vmem>>) target_semaphore(%run_scoped3A : memref<!tpu.dma_semaphore, #tpu.memory_space<semaphore_mem>>)
      tpu.wait_dma2 semaphore(%run_scoped3A : memref<!tpu.dma_semaphore, #tpu.memory_space<semaphore_mem>>) src(%arg3 : memref<10240xf32, #tpu.memory_space<hbm>>) dst(%arg12 : memref<10240xf32, #tpu.memory_space<vmem>>)
      tpu.yield
    }) : () -> ()
    "tpu.region"() ({
      %run_scoped3A = tpu.sem_alloc : memref<!tpu.dma_semaphore, #tpu.memory_space<semaphore_mem>>
      tpu.enqueue_dma source(%arg4 : memref<10240xf32, #tpu.memory_space<hbm>>) target(%arg13 : memref<10240xf32, #tpu.memory_space<vmem>>) target_semaphore(%run_scoped3A : memref<!tpu.dma_semaphore, #tpu.memory_space<semaphore_mem>>)
      tpu.wait_dma2 semaphore(%run_scoped3A : memref<!tpu.dma_semaphore, #tpu.memory_space<semaphore_mem>>) src(%arg4 : memref<10240xf32, #tpu.memory_space<hbm>>) dst(%arg13 : memref<10240xf32, #tpu.memory_space<vmem>>)
      tpu.yield
    }) : () -> ()
    "tpu.region"() ({
      %run_scoped3A = tpu.sem_alloc : memref<!tpu.dma_semaphore, #tpu.memory_space<semaphore_mem>>
      tpu.enqueue_dma source(%arg5 : memref<16xf32, #tpu.memory_space<hbm>>) target(%arg14 : memref<16xf32, #tpu.memory_space<vmem>>) target_semaphore(%run_scoped3A : memref<!tpu.dma_semaphore, #tpu.memory_space<semaphore_mem>>)
      tpu.wait_dma2 semaphore(%run_scoped3A : memref<!tpu.dma_semaphore, #tpu.memory_space<semaphore_mem>>) src(%arg5 : memref<16xf32, #tpu.memory_space<hbm>>) dst(%arg14 : memref<16xf32, #tpu.memory_space<vmem>>)
      tpu.yield
    }) : () -> ()
    %broadcast_in_dim3A = arith.constant 0.000000e+00 : f32
    %broadcast_in_dim3A_1 = vector.broadcast %broadcast_in_dim3A : f32 to vector<16xf32>
    %scan3A = arith.constant 0 : i32
    %scan3A_2 = arith.constant 0 : i32
    %scan3A_3 = arith.constant 128 : i32
    %scan3A_4 = arith.addi %scan3A_2, %scan3A_3 : i32
    %scan3A_5 = arith.constant 1 : i32
    %scan3A_6 = scf.for %scan3A_54 = %scan3A_2 to %scan3A_4 step %scan3A_5 iter_args(%scan3A_55 = %scan3A) -> (i32)  : i32 {
      %swap3A = arith.index_cast %scan3A_54 : i32 to index
      %swap3A_56 = arith.constant 0 : index
      %swap3A_57 = tpu.vector_load %arg18[%swap3A, %swap3A_56] {strides = array<i32>} : memref<128x128xf32, #tpu.memory_space<vmem>>, vector<16xf32>,
      tpu.vector_store %arg18[%swap3A, %swap3A_56], %broadcast_in_dim3A_1 {strides = array<i32>} : memref<128x128xf32, #tpu.memory_space<vmem>>, vector<16xf32>,
      %swap3A_58 = arith.index_cast %scan3A_54 : i32 to index
      %swap3A_59 = arith.constant 16 : index
      %swap3A_60 = tpu.vector_load %arg18[%swap3A_58, %swap3A_59] {strides = array<i32>} : memref<128x128xf32, #tpu.memory_space<vmem>>, vector<16xf32>,
      tpu.vector_store %arg18[%swap3A_58, %swap3A_59], %broadcast_in_dim3A_1 {strides = array<i32>} : memref<128x128xf32, #tpu.memory_space<vmem>>, vector<16xf32>,
      %swap3A_61 = arith.index_cast %scan3A_54 : i32 to index
      %swap3A_62 = arith.constant 32 : index
      %swap3A_63 = tpu.vector_load %arg18[%swap3A_61, %swap3A_62] {strides = array<i32>} : memref<128x128xf32, #tpu.memory_space<vmem>>, vector<16xf32>,
      tpu.vector_store %arg18[%swap3A_61, %swap3A_62], %broadcast_in_dim3A_1 {strides = array<i32>} : memref<128x128xf32, #tpu.memory_space<vmem>>, vector<16xf32>,
      %swap3A_64 = arith.index_cast %scan3A_54 : i32 to index
      %swap3A_65 = arith.constant 48 : index
      %swap3A_66 = tpu.vector_load %arg18[%swap3A_64, %swap3A_65] {strides = array<i32>} : memref<128x128xf32, #tpu.memory_space<vmem>>, vector<16xf32>,
      tpu.vector_store %arg18[%swap3A_64, %swap3A_65], %broadcast_in_dim3A_1 {strides = array<i32>} : memref<128x128xf32, #tpu.memory_space<vmem>>, vector<16xf32>,
      %swap3A_67 = arith.index_cast %scan3A_54 : i32 to index
      %swap3A_68 = arith.constant 64 : index
      %swap3A_69 = tpu.vector_load %arg18[%swap3A_67, %swap3A_68] {strides = array<i32>} : memref<128x128xf32, #tpu.memory_space<vmem>>, vector<16xf32>,
      tpu.vector_store %arg18[%swap3A_67, %swap3A_68], %broadcast_in_dim3A_1 {strides = array<i32>} : memref<128x128xf32, #tpu.memory_space<vmem>>, vector<16xf32>,
      %swap3A_70 = arith.index_cast %scan3A_54 : i32 to index
      %swap3A_71 = arith.constant 80 : index
      %swap3A_72 = tpu.vector_load %arg18[%swap3A_70, %swap3A_71] {strides = array<i32>} : memref<128x128xf32, #tpu.memory_space<vmem>>, vector<16xf32>,
      tpu.vector_store %arg18[%swap3A_70, %swap3A_71], %broadcast_in_dim3A_1 {strides = array<i32>} : memref<128x128xf32, #tpu.memory_space<vmem>>, vector<16xf32>,
      %swap3A_73 = arith.index_cast %scan3A_54 : i32 to index
      %swap3A_74 = arith.constant 96 : index
      %swap3A_75 = tpu.vector_load %arg18[%swap3A_73, %swap3A_74] {strides = array<i32>} : memref<128x128xf32, #tpu.memory_space<vmem>>, vector<16xf32>,
      tpu.vector_store %arg18[%swap3A_73, %swap3A_74], %broadcast_in_dim3A_1 {strides = array<i32>} : memref<128x128xf32, #tpu.memory_space<vmem>>, vector<16xf32>,
      %swap3A_76 = arith.index_cast %scan3A_54 : i32 to index
      %swap3A_77 = arith.constant 112 : index
      %swap3A_78 = tpu.vector_load %arg18[%swap3A_76, %swap3A_77] {strides = array<i32>} : memref<128x128xf32, #tpu.memory_space<vmem>>, vector<16xf32>,
      tpu.vector_store %arg18[%swap3A_76, %swap3A_77], %broadcast_in_dim3A_1 {strides = array<i32>} : memref<128x128xf32, #tpu.memory_space<vmem>>, vector<16xf32>,
      %scan3A_79 = arith.constant 0 : i32
      scf.yield %scan3A_79 : i32
    }
    %scan3A_7 = arith.constant 128 : i32
    %scan3A_8 = arith.constant 0 : i32
    %scan3A_9 = arith.constant 0 : i32
    %scan3A_10 = arith.constant 40 : i32
    %scan3A_11 = arith.addi %scan3A_9, %scan3A_10 : i32
    %scan3A_12 = arith.constant 1 : i32
    %scan3A_13 = scf.for %scan3A_54 = %scan3A_9 to %scan3A_11 step %scan3A_12 iter_args(%scan3A_55 = %scan3A_8) -> (i32)  : i32 {
      %mul3A_56 = arith.constant 16 : i32
      %mul3A_57 = arith.muli %scan3A_54, %mul3A_56 : i32
      %swap3A = arith.index_cast %mul3A_57 : i32 to index
      %swap3A_58 = tpu.vector_load %arg19[%swap3A] {strides = array<i32>} : memref<640xf32, #tpu.memory_space<vmem>>, vector<16xf32>,
      tpu.vector_store %arg19[%swap3A], %broadcast_in_dim3A_1 {strides = array<i32>} : memref<640xf32, #tpu.memory_space<vmem>>, vector<16xf32>,
      %scan3A_59 = arith.constant 0 : i32
      scf.yield %scan3A_59 : i32
    }
    %scan3A_14 = arith.constant 40 : i32
    %mul3A_15 = arith.constant 640 : i32
    %mul3A_16 = arith.muli %arg1, %mul3A_15 : i32
    %add3A_17 = arith.constant 0 : i32
    %add3A_18 = arith.addi %mul3A_16, %add3A_17 : i32
    "tpu.region"() ({
      %run_scoped3A = tpu.sem_alloc : memref<!tpu.dma_semaphore, #tpu.memory_space<semaphore_mem>>
      %dma_start3A = arith.constant 0 : i32
      %dma_start3A_54 = tpu.memref_slice %arg10[%add3A_18, %dma_start3A] : memref<10240x128xf32, #tpu.memory_space<vmem_shared>> -> memref<128x128xf32, #tpu.memory_space<vmem_shared>>
      %dma_start3A_55 = arith.constant 0 : i32
      %dma_start3A_56 = tpu.memref_slice %arg10[%add3A_18, %dma_start3A_55] : memref<10240x128xf32, #tpu.memory_space<vmem_shared>> -> memref<128x128xf32, #tpu.memory_space<vmem_shared>>
      tpu.enqueue_dma source(%arg18 : memref<128x128xf32, #tpu.memory_space<vmem>>) target(%dma_start3A_56 : memref<128x128xf32, #tpu.memory_space<vmem_shared>>) target_semaphore(%run_scoped3A : memref<!tpu.dma_semaphore, #tpu.memory_space<semaphore_mem>>)
      %dma_wait3A = arith.constant 0 : i32
      %dma_wait3A_57 = tpu.memref_slice %arg10[%add3A_18, %dma_wait3A] : memref<10240x128xf32, #tpu.memory_space<vmem_shared>> -> memref<128x128xf32, #tpu.memory_space<vmem_shared>>
      %dma_wait3A_58 = arith.constant 0 : i32
      %dma_wait3A_59 = tpu.memref_slice %arg10[%add3A_18, %dma_wait3A_58] : memref<10240x128xf32, #tpu.memory_space<vmem_shared>> -> memref<128x128xf32, #tpu.memory_space<vmem_shared>>
      tpu.wait_dma2 semaphore(%run_scoped3A : memref<!tpu.dma_semaphore, #tpu.memory_space<semaphore_mem>>) src(%arg18 : memref<128x128xf32, #tpu.memory_space<vmem>>) dst(%dma_wait3A_59 : memref<128x128xf32, #tpu.memory_space<vmem_shared>>)
      tpu.yield
    }) : () -> ()
    %mul3A_19 = arith.constant 640 : i32
    %mul3A_20 = arith.muli %arg1, %mul3A_19 : i32
    %add3A_21 = arith.constant 128 : i32
    %add3A_22 = arith.addi %mul3A_20, %add3A_21 : i32
    "tpu.region"() ({
      %run_scoped3A = tpu.sem_alloc : memref<!tpu.dma_semaphore, #tpu.memory_space<semaphore_mem>>
      %dma_start3A = arith.constant 0 : i32
      %dma_start3A_54 = tpu.memref_slice %arg10[%add3A_22, %dma_start3A] : memref<10240x128xf32, #tpu.memory_space<vmem_shared>> -> memref<128x128xf32, #tpu.memory_space<vmem_shared>>
      %dma_start3A_55 = arith.constant 0 : i32
      %dma_start3A_56 = tpu.memref_slice %arg10[%add3A_22, %dma_start3A_55] : memref<10240x128xf32, #tpu.memory_space<vmem_shared>> -> memref<128x128xf32, #tpu.memory_space<vmem_shared>>
      tpu.enqueue_dma source(%arg18 : memref<128x128xf32, #tpu.memory_space<vmem>>) target(%dma_start3A_56 : memref<128x128xf32, #tpu.memory_space<vmem_shared>>) target_semaphore(%run_scoped3A : memref<!tpu.dma_semaphore, #tpu.memory_space<semaphore_mem>>)
      %dma_wait3A = arith.constant 0 : i32
      %dma_wait3A_57 = tpu.memref_slice %arg10[%add3A_22, %dma_wait3A] : memref<10240x128xf32, #tpu.memory_space<vmem_shared>> -> memref<128x128xf32, #tpu.memory_space<vmem_shared>>
      %dma_wait3A_58 = arith.constant 0 : i32
      %dma_wait3A_59 = tpu.memref_slice %arg10[%add3A_22, %dma_wait3A_58] : memref<10240x128xf32, #tpu.memory_space<vmem_shared>> -> memref<128x128xf32, #tpu.memory_space<vmem_shared>>
      tpu.wait_dma2 semaphore(%run_scoped3A : memref<!tpu.dma_semaphore, #tpu.memory_space<semaphore_mem>>) src(%arg18 : memref<128x128xf32, #tpu.memory_space<vmem>>) dst(%dma_wait3A_59 : memref<128x128xf32, #tpu.memory_space<vmem_shared>>)
      tpu.yield
    }) : () -> ()
    %mul3A_23 = arith.constant 640 : i32
    %mul3A_24 = arith.muli %arg1, %mul3A_23 : i32
    %add3A_25 = arith.constant 256 : i32
    %add3A_26 = arith.addi %mul3A_24, %add3A_25 : i32
    "tpu.region"() ({
      %run_scoped3A = tpu.sem_alloc : memref<!tpu.dma_semaphore, #tpu.memory_space<semaphore_mem>>
      %dma_start3A = arith.constant 0 : i32
      %dma_start3A_54 = tpu.memref_slice %arg10[%add3A_26, %dma_start3A] : memref<10240x128xf32, #tpu.memory_space<vmem_shared>> -> memref<128x128xf32, #tpu.memory_space<vmem_shared>>
      %dma_start3A_55 = arith.constant 0 : i32
      %dma_start3A_56 = tpu.memref_slice %arg10[%add3A_26, %dma_start3A_55] : memref<10240x128xf32, #tpu.memory_space<vmem_shared>> -> memref<128x128xf32, #tpu.memory_space<vmem_shared>>
      tpu.enqueue_dma source(%arg18 : memref<128x128xf32, #tpu.memory_space<vmem>>) target(%dma_start3A_56 : memref<128x128xf32, #tpu.memory_space<vmem_shared>>) target_semaphore(%run_scoped3A : memref<!tpu.dma_semaphore, #tpu.memory_space<semaphore_mem>>)
      %dma_wait3A = arith.constant 0 : i32
      %dma_wait3A_57 = tpu.memref_slice %arg10[%add3A_26, %dma_wait3A] : memref<10240x128xf32, #tpu.memory_space<vmem_shared>> -> memref<128x128xf32, #tpu.memory_space<vmem_shared>>
      %dma_wait3A_58 = arith.constant 0 : i32
      %dma_wait3A_59 = tpu.memref_slice %arg10[%add3A_26, %dma_wait3A_58] : memref<10240x128xf32, #tpu.memory_space<vmem_shared>> -> memref<128x128xf32, #tpu.memory_space<vmem_shared>>
      tpu.wait_dma2 semaphore(%run_scoped3A : memref<!tpu.dma_semaphore, #tpu.memory_space<semaphore_mem>>) src(%arg18 : memref<128x128xf32, #tpu.memory_space<vmem>>) dst(%dma_wait3A_59 : memref<128x128xf32, #tpu.memory_space<vmem_shared>>)
      tpu.yield
    }) : () -> ()
    %mul3A_27 = arith.constant 640 : i32
    %mul3A_28 = arith.muli %arg1, %mul3A_27 : i32
    %add3A_29 = arith.constant 384 : i32
    %add3A_30 = arith.addi %mul3A_28, %add3A_29 : i32
    "tpu.region"() ({
      %run_scoped3A = tpu.sem_alloc : memref<!tpu.dma_semaphore, #tpu.memory_space<semaphore_mem>>
      %dma_start3A = arith.constant 0 : i32
      %dma_start3A_54 = tpu.memref_slice %arg10[%add3A_30, %dma_start3A] : memref<10240x128xf32, #tpu.memory_space<vmem_shared>> -> memref<128x128xf32, #tpu.memory_space<vmem_shared>>
      %dma_start3A_55 = arith.constant 0 : i32
      %dma_start3A_56 = tpu.memref_slice %arg10[%add3A_30, %dma_start3A_55] : memref<10240x128xf32, #tpu.memory_space<vmem_shared>> -> memref<128x128xf32, #tpu.memory_space<vmem_shared>>
      tpu.enqueue_dma source(%arg18 : memref<128x128xf32, #tpu.memory_space<vmem>>) target(%dma_start3A_56 : memref<128x128xf32, #tpu.memory_space<vmem_shared>>) target_semaphore(%run_scoped3A : memref<!tpu.dma_semaphore, #tpu.memory_space<semaphore_mem>>)
      %dma_wait3A = arith.constant 0 : i32
      %dma_wait3A_57 = tpu.memref_slice %arg10[%add3A_30, %dma_wait3A] : memref<10240x128xf32, #tpu.memory_space<vmem_shared>> -> memref<128x128xf32, #tpu.memory_space<vmem_shared>>
      %dma_wait3A_58 = arith.constant 0 : i32
      %dma_wait3A_59 = tpu.memref_slice %arg10[%add3A_30, %dma_wait3A_58] : memref<10240x128xf32, #tpu.memory_space<vmem_shared>> -> memref<128x128xf32, #tpu.memory_space<vmem_shared>>
      tpu.wait_dma2 semaphore(%run_scoped3A : memref<!tpu.dma_semaphore, #tpu.memory_space<semaphore_mem>>) src(%arg18 : memref<128x128xf32, #tpu.memory_space<vmem>>) dst(%dma_wait3A_59 : memref<128x128xf32, #tpu.memory_space<vmem_shared>>)
      tpu.yield
    }) : () -> ()
    %mul3A_31 = arith.constant 640 : i32
    %mul3A_32 = arith.muli %arg1, %mul3A_31 : i32
    %add3A_33 = arith.constant 512 : i32
    %add3A_34 = arith.addi %mul3A_32, %add3A_33 : i32
    "tpu.region"() ({
      %run_scoped3A = tpu.sem_alloc : memref<!tpu.dma_semaphore, #tpu.memory_space<semaphore_mem>>
      %dma_start3A = arith.constant 0 : i32
      %dma_start3A_54 = tpu.memref_slice %arg10[%add3A_34, %dma_start3A] : memref<10240x128xf32, #tpu.memory_space<vmem_shared>> -> memref<128x128xf32, #tpu.memory_space<vmem_shared>>
      %dma_start3A_55 = arith.constant 0 : i32
      %dma_start3A_56 = tpu.memref_slice %arg10[%add3A_34, %dma_start3A_55] : memref<10240x128xf32, #tpu.memory_space<vmem_shared>> -> memref<128x128xf32, #tpu.memory_space<vmem_shared>>
      tpu.enqueue_dma source(%arg18 : memref<128x128xf32, #tpu.memory_space<vmem>>) target(%dma_start3A_56 : memref<128x128xf32, #tpu.memory_space<vmem_shared>>) target_semaphore(%run_scoped3A : memref<!tpu.dma_semaphore, #tpu.memory_space<semaphore_mem>>)
      %dma_wait3A = arith.constant 0 : i32
      %dma_wait3A_57 = tpu.memref_slice %arg10[%add3A_34, %dma_wait3A] : memref<10240x128xf32, #tpu.memory_space<vmem_shared>> -> memref<128x128xf32, #tpu.memory_space<vmem_shared>>
      %dma_wait3A_58 = arith.constant 0 : i32
      %dma_wait3A_59 = tpu.memref_slice %arg10[%add3A_34, %dma_wait3A_58] : memref<10240x128xf32, #tpu.memory_space<vmem_shared>> -> memref<128x128xf32, #tpu.memory_space<vmem_shared>>
      tpu.wait_dma2 semaphore(%run_scoped3A : memref<!tpu.dma_semaphore, #tpu.memory_space<semaphore_mem>>) src(%arg18 : memref<128x128xf32, #tpu.memory_space<vmem>>) dst(%dma_wait3A_59 : memref<128x128xf32, #tpu.memory_space<vmem_shared>>)
      tpu.yield
    }) : () -> ()
    %mul3A_35 = arith.constant 640 : i32
    %mul3A_36 = arith.muli %arg1, %mul3A_35 : i32
    "tpu.region"() ({
      %run_scoped3A = tpu.sem_alloc : memref<!tpu.dma_semaphore, #tpu.memory_space<semaphore_mem>>
      %dma_start3A = tpu.memref_slice %arg11[%mul3A_36] : memref<10240xf32, #tpu.memory_space<vmem_shared>> -> memref<640xf32, #tpu.memory_space<vmem_shared>>
      %dma_start3A_54 = tpu.memref_slice %arg11[%mul3A_36] : memref<10240xf32, #tpu.memory_space<vmem_shared>> -> memref<640xf32, #tpu.memory_space<vmem_shared>>
      tpu.enqueue_dma source(%arg19 : memref<640xf32, #tpu.memory_space<vmem>>) target(%dma_start3A_54 : memref<640xf32, #tpu.memory_space<vmem_shared>>) target_semaphore(%run_scoped3A : memref<!tpu.dma_semaphore, #tpu.memory_space<semaphore_mem>>)
      %dma_wait3A = tpu.memref_slice %arg11[%mul3A_36] : memref<10240xf32, #tpu.memory_space<vmem_shared>> -> memref<640xf32, #tpu.memory_space<vmem_shared>>
      %dma_wait3A_55 = tpu.memref_slice %arg11[%mul3A_36] : memref<10240xf32, #tpu.memory_space<vmem_shared>> -> memref<640xf32, #tpu.memory_space<vmem_shared>>
      tpu.wait_dma2 semaphore(%run_scoped3A : memref<!tpu.dma_semaphore, #tpu.memory_space<semaphore_mem>>) src(%arg19 : memref<640xf32, #tpu.memory_space<vmem>>) dst(%dma_wait3A_55 : memref<640xf32, #tpu.memory_space<vmem_shared>>)
      tpu.yield
    }) : () -> ()
    %get3A = arith.constant 0 : index
    %get3A_37 = tpu.vector_load %arg14[%get3A] {strides = array<i32>} : memref<16xf32, #tpu.memory_space<vmem>>, vector<16xf32>,
    %barrier3A = arith.constant 0 : index
    tpu.barrier barrier_id(%barrier3A)
    %scan3A_38 = arith.constant 0 : i32
    %scan3A_39 = arith.constant 0 : i32
    %scan3A_40 = arith.constant 79 : i32
    %scan3A_41 = arith.addi %scan3A_39, %scan3A_40 : i32
    %scan3A_42 = arith.constant 1 : i32
    %scan3A_43 = scf.for %scan3A_54 = %scan3A_39 to %scan3A_41 step %scan3A_42 iter_args(%scan3A_55 = %scan3A_38) -> (i32)  : i32 {
      "tpu.region"() ({
        %run_scoped3A = tpu.sem_alloc : memref<!tpu.dma_semaphore, #tpu.memory_space<semaphore_mem>>
        %dma_start3A_247 = arith.constant 0 : i32
        %dma_start3A_248 = tpu.memref_slice %arg6[%add3A, %scan3A_54, %dma_start3A_247] : memref<32x79x128xi32, #tpu.memory_space<hbm>> -> memref<1x1x128xi32, #tpu.memory_space<hbm>>
        %dma_start3A_249 = tpu.memref_squeeze %dma_start3A_248 : memref<1x1x128xi32, #tpu.memory_space<hbm>> -> memref<128xi32, #tpu.memory_space<hbm>>
        %dma_start3A_250 = arith.constant 0 : i32
        %dma_start3A_251 = tpu.memref_slice %arg6[%add3A, %scan3A_54, %dma_start3A_250] : memref<32x79x128xi32, #tpu.memory_space<hbm>> -> memref<1x1x128xi32, #tpu.memory_space<hbm>>
        %dma_start3A_252 = tpu.memref_squeeze %dma_start3A_251 : memref<1x1x128xi32, #tpu.memory_space<hbm>> -> memref<128xi32, #tpu.memory_space<hbm>>
        tpu.enqueue_dma source(%dma_start3A_252 : memref<128xi32, #tpu.memory_space<hbm>>) target(%arg15 : memref<128xi32, #tpu.memory_space<vmem>>) target_semaphore(%run_scoped3A : memref<!tpu.dma_semaphore, #tpu.memory_space<semaphore_mem>>)
        %dma_wait3A_253 = arith.constant 0 : i32
        %dma_wait3A_254 = tpu.memref_slice %arg6[%add3A, %scan3A_54, %dma_wait3A_253] : memref<32x79x128xi32, #tpu.memory_space<hbm>> -> memref<1x1x128xi32, #tpu.memory_space<hbm>>
        %dma_wait3A_255 = tpu.memref_squeeze %dma_wait3A_254 : memref<1x1x128xi32, #tpu.memory_space<hbm>> -> memref<128xi32, #tpu.memory_space<hbm>>
        %dma_wait3A_256 = arith.constant 0 : i32
        %dma_wait3A_257 = tpu.memref_slice %arg6[%add3A, %scan3A_54, %dma_wait3A_256] : memref<32x79x128xi32, #tpu.memory_space<hbm>> -> memref<1x1x128xi32, #tpu.memory_space<hbm>>
        %dma_wait3A_258 = tpu.memref_squeeze %dma_wait3A_257 : memref<1x1x128xi32, #tpu.memory_space<hbm>> -> memref<128xi32, #tpu.memory_space<hbm>>
        tpu.wait_dma2 semaphore(%run_scoped3A : memref<!tpu.dma_semaphore, #tpu.memory_space<semaphore_mem>>) src(%dma_wait3A_258 : memref<128xi32, #tpu.memory_space<hbm>>) dst(%arg15 : memref<128xi32, #tpu.memory_space<vmem>>)
        tpu.yield
      }) : () -> ()
      "tpu.region"() ({
        %run_scoped3A = tpu.sem_alloc : memref<!tpu.dma_semaphore, #tpu.memory_space<semaphore_mem>>
        %dma_start3A_247 = arith.constant 0 : i32
        %dma_start3A_248 = tpu.memref_slice %arg7[%add3A, %scan3A_54, %dma_start3A_247] : memref<32x79x128xi32, #tpu.memory_space<hbm>> -> memref<1x1x128xi32, #tpu.memory_space<hbm>>
        %dma_start3A_249 = tpu.memref_squeeze %dma_start3A_248 : memref<1x1x128xi32, #tpu.memory_space<hbm>> -> memref<128xi32, #tpu.memory_space<hbm>>
        %dma_start3A_250 = arith.constant 0 : i32
        %dma_start3A_251 = tpu.memref_slice %arg7[%add3A, %scan3A_54, %dma_start3A_250] : memref<32x79x128xi32, #tpu.memory_space<hbm>> -> memref<1x1x128xi32, #tpu.memory_space<hbm>>
        %dma_start3A_252 = tpu.memref_squeeze %dma_start3A_251 : memref<1x1x128xi32, #tpu.memory_space<hbm>> -> memref<128xi32, #tpu.memory_space<hbm>>
        tpu.enqueue_dma source(%dma_start3A_252 : memref<128xi32, #tpu.memory_space<hbm>>) target(%arg16 : memref<128xi32, #tpu.memory_space<vmem>>) target_semaphore(%run_scoped3A : memref<!tpu.dma_semaphore, #tpu.memory_space<semaphore_mem>>)
        %dma_wait3A_253 = arith.constant 0 : i32
        %dma_wait3A_254 = tpu.memref_slice %arg7[%add3A, %scan3A_54, %dma_wait3A_253] : memref<32x79x128xi32, #tpu.memory_space<hbm>> -> memref<1x1x128xi32, #tpu.memory_space<hbm>>
        %dma_wait3A_255 = tpu.memref_squeeze %dma_wait3A_254 : memref<1x1x128xi32, #tpu.memory_space<hbm>> -> memref<128xi32, #tpu.memory_space<hbm>>
        %dma_wait3A_256 = arith.constant 0 : i32
        %dma_wait3A_257 = tpu.memref_slice %arg7[%add3A, %scan3A_54, %dma_wait3A_256] : memref<32x79x128xi32, #tpu.memory_space<hbm>> -> memref<1x1x128xi32, #tpu.memory_space<hbm>>
        %dma_wait3A_258 = tpu.memref_squeeze %dma_wait3A_257 : memref<1x1x128xi32, #tpu.memory_space<hbm>> -> memref<128xi32, #tpu.memory_space<hbm>>
        tpu.wait_dma2 semaphore(%run_scoped3A : memref<!tpu.dma_semaphore, #tpu.memory_space<semaphore_mem>>) src(%dma_wait3A_258 : memref<128xi32, #tpu.memory_space<hbm>>) dst(%arg16 : memref<128xi32, #tpu.memory_space<vmem>>)
        tpu.yield
      }) : () -> ()
      %dma_start3A = arith.constant 0 : i32
      %dma_start3A_56 = arith.constant 0 : i32
      %dma_start3A_57 = tpu.memref_slice %arg2[%dma_start3A, %dma_start3A_56] : memref<10240x128xf32, #tpu.memory_space<hbm>> -> memref<10240x128xf32, #tpu.memory_space<hbm>>
      tpu.enqueue_indirect_dma source(%dma_start3A_57 : memref<10240x128xf32, #tpu.memory_space<hbm>>) target(%arg18 : memref<128x128xf32, #tpu.memory_space<vmem>>) offsets(%arg15 : memref<128xi32, #tpu.memory_space<vmem>>) semaphore(%arg20 : memref<!tpu.dma_semaphore, #tpu.memory_space<semaphore_mem>>)
      %get3A_58 = arith.constant 0 : index
      %get3A_59 = tpu.vector_load %arg15[%get3A_58] {strides = array<i32>} : memref<128xi32, #tpu.memory_space<vmem>>, vector<16xi32>,
      %get3A_60 = arith.constant 0 : index
      %get3A_61 = tpu.vector_load %arg16[%get3A_60] {strides = array<i32>} : memref<128xi32, #tpu.memory_space<vmem>>, vector<16xi32>,
      %gather3A = tpu.vector_load_idx %arg12[%get3A_59] : memref<10240xf32, #tpu.memory_space<vmem>>[vector<16xi32>], vector<16xf32>,
      %gather3A_62 = tpu.vector_load_idx %arg13[%get3A_61] : memref<10240xf32, #tpu.memory_space<vmem>>[vector<16xi32>], vector<16xf32>,
      %add3A_63 = arith.addf %gather3A, %gather3A_62 : vector<16xf32>
      %ge3A = arith.constant 0.000000e+00 : f32
      %ge3A_64 = vector.broadcast %ge3A : f32 to vector<16xf32>
      %ge3A_65 = arith.cmpf oge, %add3A_63, %ge3A_64 : vector<16xf32>
      %mul3A_66 = arith.constant 2.000000e-01 : f32
      %mul3A_67 = vector.broadcast %mul3A_66 : f32 to vector<16xf32>
      %mul3A_68 = arith.mulf %mul3A_67, %add3A_63 : vector<16xf32>
      %select_n3A = arith.select %ge3A_65, %add3A_63, %mul3A_68 : vector<16xi1>, vector<16xf32>
      %add3A_69 = arith.addf %gather3A_62, %get3A_37 : vector<16xf32>
      %max3A = arith.constant 0.000000e+00 : f32
      %max3A_70 = vector.broadcast %max3A : f32 to vector<16xf32>
      %max3A_71 = arith.maximumf %add3A_69, %max3A_70 : vector<16xf32>
      %sub3A = arith.subf %select_n3A, %max3A_71 : vector<16xf32>
      %exp3A = math.exp %sub3A : vector<16xf32>
      %swap3A = arith.constant 0 : index
      %swap3A_72 = tpu.vector_load %arg17[%swap3A] {strides = array<i32>} : memref<128xf32, #tpu.memory_space<vmem>>, vector<16xf32>,
      tpu.vector_store %arg17[%swap3A], %exp3A {strides = array<i32>} : memref<128xf32, #tpu.memory_space<vmem>>, vector<16xf32>,
      %get3A_73 = arith.constant 16 : index
      %get3A_74 = tpu.vector_load %arg15[%get3A_73] {strides = array<i32>} : memref<128xi32, #tpu.memory_space<vmem>>, vector<16xi32>,
      %get3A_75 = arith.constant 16 : index
      %get3A_76 = tpu.vector_load %arg16[%get3A_75] {strides = array<i32>} : memref<128xi32, #tpu.memory_space<vmem>>, vector<16xi32>,
      %gather3A_77 = tpu.vector_load_idx %arg12[%get3A_74] : memref<10240xf32, #tpu.memory_space<vmem>>[vector<16xi32>], vector<16xf32>,
      %gather3A_78 = tpu.vector_load_idx %arg13[%get3A_76] : memref<10240xf32, #tpu.memory_space<vmem>>[vector<16xi32>], vector<16xf32>,
      %add3A_79 = arith.addf %gather3A_77, %gather3A_78 : vector<16xf32>
      %ge3A_80 = arith.constant 0.000000e+00 : f32
      %ge3A_81 = vector.broadcast %ge3A_80 : f32 to vector<16xf32>
      %ge3A_82 = arith.cmpf oge, %add3A_79, %ge3A_81 : vector<16xf32>
      %mul3A_83 = arith.constant 2.000000e-01 : f32
      %mul3A_84 = vector.broadcast %mul3A_83 : f32 to vector<16xf32>
      %mul3A_85 = arith.mulf %mul3A_84, %add3A_79 : vector<16xf32>
      %select_n3A_86 = arith.select %ge3A_82, %add3A_79, %mul3A_85 : vector<16xi1>, vector<16xf32>
      %add3A_87 = arith.addf %gather3A_78, %get3A_37 : vector<16xf32>
      %max3A_88 = arith.constant 0.000000e+00 : f32
      %max3A_89 = vector.broadcast %max3A_88 : f32 to vector<16xf32>
      %max3A_90 = arith.maximumf %add3A_87, %max3A_89 : vector<16xf32>
      %sub3A_91 = arith.subf %select_n3A_86, %max3A_90 : vector<16xf32>
      %exp3A_92 = math.exp %sub3A_91 : vector<16xf32>
      %swap3A_93 = arith.constant 16 : index
      %swap3A_94 = tpu.vector_load %arg17[%swap3A_93] {strides = array<i32>} : memref<128xf32, #tpu.memory_space<vmem>>, vector<16xf32>,
      tpu.vector_store %arg17[%swap3A_93], %exp3A_92 {strides = array<i32>} : memref<128xf32, #tpu.memory_space<vmem>>, vector<16xf32>,
      %get3A_95 = arith.constant 32 : index
      %get3A_96 = tpu.vector_load %arg15[%get3A_95] {strides = array<i32>} : memref<128xi32, #tpu.memory_space<vmem>>, vector<16xi32>,
      %get3A_97 = arith.constant 32 : index
      %get3A_98 = tpu.vector_load %arg16[%get3A_97] {strides = array<i32>} : memref<128xi32, #tpu.memory_space<vmem>>, vector<16xi32>,
      %gather3A_99 = tpu.vector_load_idx %arg12[%get3A_96] : memref<10240xf32, #tpu.memory_space<vmem>>[vector<16xi32>], vector<16xf32>,
      %gather3A_100 = tpu.vector_load_idx %arg13[%get3A_98] : memref<10240xf32, #tpu.memory_space<vmem>>[vector<16xi32>], vector<16xf32>,
      %add3A_101 = arith.addf %gather3A_99, %gather3A_100 : vector<16xf32>
      %ge3A_102 = arith.constant 0.000000e+00 : f32
      %ge3A_103 = vector.broadcast %ge3A_102 : f32 to vector<16xf32>
      %ge3A_104 = arith.cmpf oge, %add3A_101, %ge3A_103 : vector<16xf32>
      %mul3A_105 = arith.constant 2.000000e-01 : f32
      %mul3A_106 = vector.broadcast %mul3A_105 : f32 to vector<16xf32>
      %mul3A_107 = arith.mulf %mul3A_106, %add3A_101 : vector<16xf32>
      %select_n3A_108 = arith.select %ge3A_104, %add3A_101, %mul3A_107 : vector<16xi1>, vector<16xf32>
      %add3A_109 = arith.addf %gather3A_100, %get3A_37 : vector<16xf32>
      %max3A_110 = arith.constant 0.000000e+00 : f32
      %max3A_111 = vector.broadcast %max3A_110 : f32 to vector<16xf32>
      %max3A_112 = arith.maximumf %add3A_109, %max3A_111 : vector<16xf32>
      %sub3A_113 = arith.subf %select_n3A_108, %max3A_112 : vector<16xf32>
      %exp3A_114 = math.exp %sub3A_113 : vector<16xf32>
      %swap3A_115 = arith.constant 32 : index
      %swap3A_116 = tpu.vector_load %arg17[%swap3A_115] {strides = array<i32>} : memref<128xf32, #tpu.memory_space<vmem>>, vector<16xf32>,
      tpu.vector_store %arg17[%swap3A_115], %exp3A_114 {strides = array<i32>} : memref<128xf32, #tpu.memory_space<vmem>>, vector<16xf32>,
      %get3A_117 = arith.constant 48 : index
      %get3A_118 = tpu.vector_load %arg15[%get3A_117] {strides = array<i32>} : memref<128xi32, #tpu.memory_space<vmem>>, vector<16xi32>,
      %get3A_119 = arith.constant 48 : index
      %get3A_120 = tpu.vector_load %arg16[%get3A_119] {strides = array<i32>} : memref<128xi32, #tpu.memory_space<vmem>>, vector<16xi32>,
      %gather3A_121 = tpu.vector_load_idx %arg12[%get3A_118] : memref<10240xf32, #tpu.memory_space<vmem>>[vector<16xi32>], vector<16xf32>,
      %gather3A_122 = tpu.vector_load_idx %arg13[%get3A_120] : memref<10240xf32, #tpu.memory_space<vmem>>[vector<16xi32>], vector<16xf32>,
      %add3A_123 = arith.addf %gather3A_121, %gather3A_122 : vector<16xf32>
      %ge3A_124 = arith.constant 0.000000e+00 : f32
      %ge3A_125 = vector.broadcast %ge3A_124 : f32 to vector<16xf32>
      %ge3A_126 = arith.cmpf oge, %add3A_123, %ge3A_125 : vector<16xf32>
      %mul3A_127 = arith.constant 2.000000e-01 : f32
      %mul3A_128 = vector.broadcast %mul3A_127 : f32 to vector<16xf32>
      %mul3A_129 = arith.mulf %mul3A_128, %add3A_123 : vector<16xf32>
      %select_n3A_130 = arith.select %ge3A_126, %add3A_123, %mul3A_129 : vector<16xi1>, vector<16xf32>
      %add3A_131 = arith.addf %gather3A_122, %get3A_37 : vector<16xf32>
      %max3A_132 = arith.constant 0.000000e+00 : f32
      %max3A_133 = vector.broadcast %max3A_132 : f32 to vector<16xf32>
      %max3A_134 = arith.maximumf %add3A_131, %max3A_133 : vector<16xf32>
      %sub3A_135 = arith.subf %select_n3A_130, %max3A_134 : vector<16xf32>
      %exp3A_136 = math.exp %sub3A_135 : vector<16xf32>
      %swap3A_137 = arith.constant 48 : index
      %swap3A_138 = tpu.vector_load %arg17[%swap3A_137] {strides = array<i32>} : memref<128xf32, #tpu.memory_space<vmem>>, vector<16xf32>,
      tpu.vector_store %arg17[%swap3A_137], %exp3A_136 {strides = array<i32>} : memref<128xf32, #tpu.memory_space<vmem>>, vector<16xf32>,
      %get3A_139 = arith.constant 64 : index
      %get3A_140 = tpu.vector_load %arg15[%get3A_139] {strides = array<i32>} : memref<128xi32, #tpu.memory_space<vmem>>, vector<16xi32>,
      %get3A_141 = arith.constant 64 : index
      %get3A_142 = tpu.vector_load %arg16[%get3A_141] {strides = array<i32>} : memref<128xi32, #tpu.memory_space<vmem>>, vector<16xi32>,
      %gather3A_143 = tpu.vector_load_idx %arg12[%get3A_140] : memref<10240xf32, #tpu.memory_space<vmem>>[vector<16xi32>], vector<16xf32>,
      %gather3A_144 = tpu.vector_load_idx %arg13[%get3A_142] : memref<10240xf32, #tpu.memory_space<vmem>>[vector<16xi32>], vector<16xf32>,
      %add3A_145 = arith.addf %gather3A_143, %gather3A_144 : vector<16xf32>
      %ge3A_146 = arith.constant 0.000000e+00 : f32
      %ge3A_147 = vector.broadcast %ge3A_146 : f32 to vector<16xf32>
      %ge3A_148 = arith.cmpf oge, %add3A_145, %ge3A_147 : vector<16xf32>
      %mul3A_149 = arith.constant 2.000000e-01 : f32
      %mul3A_150 = vector.broadcast %mul3A_149 : f32 to vector<16xf32>
      %mul3A_151 = arith.mulf %mul3A_150, %add3A_145 : vector<16xf32>
      %select_n3A_152 = arith.select %ge3A_148, %add3A_145, %mul3A_151 : vector<16xi1>, vector<16xf32>
      %add3A_153 = arith.addf %gather3A_144, %get3A_37 : vector<16xf32>
      %max3A_154 = arith.constant 0.000000e+00 : f32
      %max3A_155 = vector.broadcast %max3A_154 : f32 to vector<16xf32>
      %max3A_156 = arith.maximumf %add3A_153, %max3A_155 : vector<16xf32>
      %sub3A_157 = arith.subf %select_n3A_152, %max3A_156 : vector<16xf32>
      %exp3A_158 = math.exp %sub3A_157 : vector<16xf32>
      %swap3A_159 = arith.constant 64 : index
      %swap3A_160 = tpu.vector_load %arg17[%swap3A_159] {strides = array<i32>} : memref<128xf32, #tpu.memory_space<vmem>>, vector<16xf32>,
      tpu.vector_store %arg17[%swap3A_159], %exp3A_158 {strides = array<i32>} : memref<128xf32, #tpu.memory_space<vmem>>, vector<16xf32>,
      %get3A_161 = arith.constant 80 : index
      %get3A_162 = tpu.vector_load %arg15[%get3A_161] {strides = array<i32>} : memref<128xi32, #tpu.memory_space<vmem>>, vector<16xi32>,
      %get3A_163 = arith.constant 80 : index
      %get3A_164 = tpu.vector_load %arg16[%get3A_163] {strides = array<i32>} : memref<128xi32, #tpu.memory_space<vmem>>, vector<16xi32>,
      %gather3A_165 = tpu.vector_load_idx %arg12[%get3A_162] : memref<10240xf32, #tpu.memory_space<vmem>>[vector<16xi32>], vector<16xf32>,
      %gather3A_166 = tpu.vector_load_idx %arg13[%get3A_164] : memref<10240xf32, #tpu.memory_space<vmem>>[vector<16xi32>], vector<16xf32>,
      %add3A_167 = arith.addf %gather3A_165, %gather3A_166 : vector<16xf32>
      %ge3A_168 = arith.constant 0.000000e+00 : f32
      %ge3A_169 = vector.broadcast %ge3A_168 : f32 to vector<16xf32>
      %ge3A_170 = arith.cmpf oge, %add3A_167, %ge3A_169 : vector<16xf32>
      %mul3A_171 = arith.constant 2.000000e-01 : f32
      %mul3A_172 = vector.broadcast %mul3A_171 : f32 to vector<16xf32>
      %mul3A_173 = arith.mulf %mul3A_172, %add3A_167 : vector<16xf32>
      %select_n3A_174 = arith.select %ge3A_170, %add3A_167, %mul3A_173 : vector<16xi1>, vector<16xf32>
      %add3A_175 = arith.addf %gather3A_166, %get3A_37 : vector<16xf32>
      %max3A_176 = arith.constant 0.000000e+00 : f32
      %max3A_177 = vector.broadcast %max3A_176 : f32 to vector<16xf32>
      %max3A_178 = arith.maximumf %add3A_175, %max3A_177 : vector<16xf32>
      %sub3A_179 = arith.subf %select_n3A_174, %max3A_178 : vector<16xf32>
      %exp3A_180 = math.exp %sub3A_179 : vector<16xf32>
      %swap3A_181 = arith.constant 80 : index
      %swap3A_182 = tpu.vector_load %arg17[%swap3A_181] {strides = array<i32>} : memref<128xf32, #tpu.memory_space<vmem>>, vector<16xf32>,
      tpu.vector_store %arg17[%swap3A_181], %exp3A_180 {strides = array<i32>} : memref<128xf32, #tpu.memory_space<vmem>>, vector<16xf32>,
      %get3A_183 = arith.constant 96 : index
      %get3A_184 = tpu.vector_load %arg15[%get3A_183] {strides = array<i32>} : memref<128xi32, #tpu.memory_space<vmem>>, vector<16xi32>,
      %get3A_185 = arith.constant 96 : index
      %get3A_186 = tpu.vector_load %arg16[%get3A_185] {strides = array<i32>} : memref<128xi32, #tpu.memory_space<vmem>>, vector<16xi32>,
      %gather3A_187 = tpu.vector_load_idx %arg12[%get3A_184] : memref<10240xf32, #tpu.memory_space<vmem>>[vector<16xi32>], vector<16xf32>,
      %gather3A_188 = tpu.vector_load_idx %arg13[%get3A_186] : memref<10240xf32, #tpu.memory_space<vmem>>[vector<16xi32>], vector<16xf32>,
      %add3A_189 = arith.addf %gather3A_187, %gather3A_188 : vector<16xf32>
      %ge3A_190 = arith.constant 0.000000e+00 : f32
      %ge3A_191 = vector.broadcast %ge3A_190 : f32 to vector<16xf32>
      %ge3A_192 = arith.cmpf oge, %add3A_189, %ge3A_191 : vector<16xf32>
      %mul3A_193 = arith.constant 2.000000e-01 : f32
      %mul3A_194 = vector.broadcast %mul3A_193 : f32 to vector<16xf32>
      %mul3A_195 = arith.mulf %mul3A_194, %add3A_189 : vector<16xf32>
      %select_n3A_196 = arith.select %ge3A_192, %add3A_189, %mul3A_195 : vector<16xi1>, vector<16xf32>
      %add3A_197 = arith.addf %gather3A_188, %get3A_37 : vector<16xf32>
      %max3A_198 = arith.constant 0.000000e+00 : f32
      %max3A_199 = vector.broadcast %max3A_198 : f32 to vector<16xf32>
      %max3A_200 = arith.maximumf %add3A_197, %max3A_199 : vector<16xf32>
      %sub3A_201 = arith.subf %select_n3A_196, %max3A_200 : vector<16xf32>
      %exp3A_202 = math.exp %sub3A_201 : vector<16xf32>
      %swap3A_203 = arith.constant 96 : index
      %swap3A_204 = tpu.vector_load %arg17[%swap3A_203] {strides = array<i32>} : memref<128xf32, #tpu.memory_space<vmem>>, vector<16xf32>,
      tpu.vector_store %arg17[%swap3A_203], %exp3A_202 {strides = array<i32>} : memref<128xf32, #tpu.memory_space<vmem>>, vector<16xf32>,
      %get3A_205 = arith.constant 112 : index
      %get3A_206 = tpu.vector_load %arg15[%get3A_205] {strides = array<i32>} : memref<128xi32, #tpu.memory_space<vmem>>, vector<16xi32>,
      %get3A_207 = arith.constant 112 : index
      %get3A_208 = tpu.vector_load %arg16[%get3A_207] {strides = array<i32>} : memref<128xi32, #tpu.memory_space<vmem>>, vector<16xi32>,
      %gather3A_209 = tpu.vector_load_idx %arg12[%get3A_206] : memref<10240xf32, #tpu.memory_space<vmem>>[vector<16xi32>], vector<16xf32>,
      %gather3A_210 = tpu.vector_load_idx %arg13[%get3A_208] : memref<10240xf32, #tpu.memory_space<vmem>>[vector<16xi32>], vector<16xf32>,
      %add3A_211 = arith.addf %gather3A_209, %gather3A_210 : vector<16xf32>
      %ge3A_212 = arith.constant 0.000000e+00 : f32
      %ge3A_213 = vector.broadcast %ge3A_212 : f32 to vector<16xf32>
      %ge3A_214 = arith.cmpf oge, %add3A_211, %ge3A_213 : vector<16xf32>
      %mul3A_215 = arith.constant 2.000000e-01 : f32
      %mul3A_216 = vector.broadcast %mul3A_215 : f32 to vector<16xf32>
      %mul3A_217 = arith.mulf %mul3A_216, %add3A_211 : vector<16xf32>
      %select_n3A_218 = arith.select %ge3A_214, %add3A_211, %mul3A_217 : vector<16xi1>, vector<16xf32>
      %add3A_219 = arith.addf %gather3A_210, %get3A_37 : vector<16xf32>
      %max3A_220 = arith.constant 0.000000e+00 : f32
      %max3A_221 = vector.broadcast %max3A_220 : f32 to vector<16xf32>
      %max3A_222 = arith.maximumf %add3A_219, %max3A_221 : vector<16xf32>
      %sub3A_223 = arith.subf %select_n3A_218, %max3A_222 : vector<16xf32>
      %exp3A_224 = math.exp %sub3A_223 : vector<16xf32>
      %swap3A_225 = arith.constant 112 : index
      %swap3A_226 = tpu.vector_load %arg17[%swap3A_225] {strides = array<i32>} : memref<128xf32, #tpu.memory_space<vmem>>, vector<16xf32>,
      tpu.vector_store %arg17[%swap3A_225], %exp3A_224 {strides = array<i32>} : memref<128xf32, #tpu.memory_space<vmem>>, vector<16xf32>,
      %dma_start3A_227 = arith.constant 0 : i32
      %dma_start3A_228 = tpu.memref_slice %arg11[%dma_start3A_227] : memref<10240xf32, #tpu.memory_space<vmem_shared>> -> memref<10240xf32, #tpu.memory_space<vmem_shared>>
      tpu.enqueue_indirect_dma source(%arg17 : memref<128xf32, #tpu.memory_space<vmem>>) target(%dma_start3A_228 : memref<10240xf32, #tpu.memory_space<vmem_shared>>) offsets(%arg16 : memref<128xi32, #tpu.memory_space<vmem>>) semaphore(%arg22 : memref<!tpu.dma_semaphore, #tpu.memory_space<semaphore_mem>>) {add = true}
      %dma_wait3A = arith.constant 0 : i32
      %dma_wait3A_229 = arith.constant 0 : i32
      %dma_wait3A_230 = tpu.memref_slice %arg2[%dma_wait3A, %dma_wait3A_229] : memref<10240x128xf32, #tpu.memory_space<hbm>> -> memref<10240x128xf32, #tpu.memory_space<hbm>>
      tpu.wait_indirect_dma semaphore(%arg20 : memref<!tpu.dma_semaphore, #tpu.memory_space<semaphore_mem>>) src(%dma_wait3A_230 : memref<10240x128xf32, #tpu.memory_space<hbm>>) dst(%arg18 : memref<128x128xf32, #tpu.memory_space<vmem>>)
      %scan3A_231 = arith.constant 0 : i32
      %scan3A_232 = arith.constant 0 : i32
      %scan3A_233 = arith.constant 128 : i32
      %scan3A_234 = arith.addi %scan3A_232, %scan3A_233 : i32
      %scan3A_235 = arith.constant 1 : i32
      %scan3A_236 = scf.for %scan3A_247 = %scan3A_232 to %scan3A_234 step %scan3A_235 iter_args(%scan3A_248 = %scan3A_231) -> (i32)  : i32 {
        %broadcast_in_dim3A_249 = vector.broadcast %scan3A_247 : i32 to vector<16xi32>
        %gather3A_250 = tpu.vector_load_idx %arg17[%broadcast_in_dim3A_249] : memref<128xf32, #tpu.memory_space<vmem>>[vector<16xi32>], vector<16xf32>,
        %get3A_251 = arith.index_cast %scan3A_247 : i32 to index
        %get3A_252 = arith.constant 0 : index
        %get3A_253 = tpu.vector_load %arg18[%get3A_251, %get3A_252] {strides = array<i32>} : memref<128x128xf32, #tpu.memory_space<vmem>>, vector<16xf32>,
        %mul3A_254 = arith.mulf %get3A_253, %gather3A_250 : vector<16xf32>
        %swap3A_255 = arith.index_cast %scan3A_247 : i32 to index
        %swap3A_256 = arith.constant 0 : index
        %swap3A_257 = tpu.vector_load %arg18[%swap3A_255, %swap3A_256] {strides = array<i32>} : memref<128x128xf32, #tpu.memory_space<vmem>>, vector<16xf32>,
        tpu.vector_store %arg18[%swap3A_255, %swap3A_256], %mul3A_254 {strides = array<i32>} : memref<128x128xf32, #tpu.memory_space<vmem>>, vector<16xf32>,
        %get3A_258 = arith.index_cast %scan3A_247 : i32 to index
        %get3A_259 = arith.constant 16 : index
        %get3A_260 = tpu.vector_load %arg18[%get3A_258, %get3A_259] {strides = array<i32>} : memref<128x128xf32, #tpu.memory_space<vmem>>, vector<16xf32>,
        %mul3A_261 = arith.mulf %get3A_260, %gather3A_250 : vector<16xf32>
        %swap3A_262 = arith.index_cast %scan3A_247 : i32 to index
        %swap3A_263 = arith.constant 16 : index
        %swap3A_264 = tpu.vector_load %arg18[%swap3A_262, %swap3A_263] {strides = array<i32>} : memref<128x128xf32, #tpu.memory_space<vmem>>, vector<16xf32>,
        tpu.vector_store %arg18[%swap3A_262, %swap3A_263], %mul3A_261 {strides = array<i32>} : memref<128x128xf32, #tpu.memory_space<vmem>>, vector<16xf32>,
        %get3A_265 = arith.index_cast %scan3A_247 : i32 to index
        %get3A_266 = arith.constant 32 : index
        %get3A_267 = tpu.vector_load %arg18[%get3A_265, %get3A_266] {strides = array<i32>} : memref<128x128xf32, #tpu.memory_space<vmem>>, vector<16xf32>,
        %mul3A_268 = arith.mulf %get3A_267, %gather3A_250 : vector<16xf32>
        %swap3A_269 = arith.index_cast %scan3A_247 : i32 to index
        %swap3A_270 = arith.constant 32 : index
        %swap3A_271 = tpu.vector_load %arg18[%swap3A_269, %swap3A_270] {strides = array<i32>} : memref<128x128xf32, #tpu.memory_space<vmem>>, vector<16xf32>,
        tpu.vector_store %arg18[%swap3A_269, %swap3A_270], %mul3A_268 {strides = array<i32>} : memref<128x128xf32, #tpu.memory_space<vmem>>, vector<16xf32>,
        %get3A_272 = arith.index_cast %scan3A_247 : i32 to index
        %get3A_273 = arith.constant 48 : index
        %get3A_274 = tpu.vector_load %arg18[%get3A_272, %get3A_273] {strides = array<i32>} : memref<128x128xf32, #tpu.memory_space<vmem>>, vector<16xf32>,
        %mul3A_275 = arith.mulf %get3A_274, %gather3A_250 : vector<16xf32>
        %swap3A_276 = arith.index_cast %scan3A_247 : i32 to index
        %swap3A_277 = arith.constant 48 : index
        %swap3A_278 = tpu.vector_load %arg18[%swap3A_276, %swap3A_277] {strides = array<i32>} : memref<128x128xf32, #tpu.memory_space<vmem>>, vector<16xf32>,
        tpu.vector_store %arg18[%swap3A_276, %swap3A_277], %mul3A_275 {strides = array<i32>} : memref<128x128xf32, #tpu.memory_space<vmem>>, vector<16xf32>,
        %get3A_279 = arith.index_cast %scan3A_247 : i32 to index
        %get3A_280 = arith.constant 64 : index
        %get3A_281 = tpu.vector_load %arg18[%get3A_279, %get3A_280] {strides = array<i32>} : memref<128x128xf32, #tpu.memory_space<vmem>>, vector<16xf32>,
        %mul3A_282 = arith.mulf %get3A_281, %gather3A_250 : vector<16xf32>
        %swap3A_283 = arith.index_cast %scan3A_247 : i32 to index
        %swap3A_284 = arith.constant 64 : index
        %swap3A_285 = tpu.vector_load %arg18[%swap3A_283, %swap3A_284] {strides = array<i32>} : memref<128x128xf32, #tpu.memory_space<vmem>>, vector<16xf32>,
        tpu.vector_store %arg18[%swap3A_283, %swap3A_284], %mul3A_282 {strides = array<i32>} : memref<128x128xf32, #tpu.memory_space<vmem>>, vector<16xf32>,
        %get3A_286 = arith.index_cast %scan3A_247 : i32 to index
        %get3A_287 = arith.constant 80 : index
        %get3A_288 = tpu.vector_load %arg18[%get3A_286, %get3A_287] {strides = array<i32>} : memref<128x128xf32, #tpu.memory_space<vmem>>, vector<16xf32>,
        %mul3A_289 = arith.mulf %get3A_288, %gather3A_250 : vector<16xf32>
        %swap3A_290 = arith.index_cast %scan3A_247 : i32 to index
        %swap3A_291 = arith.constant 80 : index
        %swap3A_292 = tpu.vector_load %arg18[%swap3A_290, %swap3A_291] {strides = array<i32>} : memref<128x128xf32, #tpu.memory_space<vmem>>, vector<16xf32>,
        tpu.vector_store %arg18[%swap3A_290, %swap3A_291], %mul3A_289 {strides = array<i32>} : memref<128x128xf32, #tpu.memory_space<vmem>>, vector<16xf32>,
        %get3A_293 = arith.index_cast %scan3A_247 : i32 to index
        %get3A_294 = arith.constant 96 : index
        %get3A_295 = tpu.vector_load %arg18[%get3A_293, %get3A_294] {strides = array<i32>} : memref<128x128xf32, #tpu.memory_space<vmem>>, vector<16xf32>,
        %mul3A_296 = arith.mulf %get3A_295, %gather3A_250 : vector<16xf32>
        %swap3A_297 = arith.index_cast %scan3A_247 : i32 to index
        %swap3A_298 = arith.constant 96 : index
        %swap3A_299 = tpu.vector_load %arg18[%swap3A_297, %swap3A_298] {strides = array<i32>} : memref<128x128xf32, #tpu.memory_space<vmem>>, vector<16xf32>,
        tpu.vector_store %arg18[%swap3A_297, %swap3A_298], %mul3A_296 {strides = array<i32>} : memref<128x128xf32, #tpu.memory_space<vmem>>, vector<16xf32>,
        %get3A_300 = arith.index_cast %scan3A_247 : i32 to index
        %get3A_301 = arith.constant 112 : index
        %get3A_302 = tpu.vector_load %arg18[%get3A_300, %get3A_301] {strides = array<i32>} : memref<128x128xf32, #tpu.memory_space<vmem>>, vector<16xf32>,
        %mul3A_303 = arith.mulf %get3A_302, %gather3A_250 : vector<16xf32>
        %swap3A_304 = arith.index_cast %scan3A_247 : i32 to index
        %swap3A_305 = arith.constant 112 : index
        %swap3A_306 = tpu.vector_load %arg18[%swap3A_304, %swap3A_305] {strides = array<i32>} : memref<128x128xf32, #tpu.memory_space<vmem>>, vector<16xf32>,
        tpu.vector_store %arg18[%swap3A_304, %swap3A_305], %mul3A_303 {strides = array<i32>} : memref<128x128xf32, #tpu.memory_space<vmem>>, vector<16xf32>,
        %scan3A_307 = arith.constant 0 : i32
        scf.yield %scan3A_307 : i32
      }
      %scan3A_237 = arith.constant 128 : i32
      %dma_start3A_238 = arith.constant 0 : i32
      %dma_start3A_239 = arith.constant 0 : i32
      %dma_start3A_240 = tpu.memref_slice %arg10[%dma_start3A_238, %dma_start3A_239] : memref<10240x128xf32, #tpu.memory_space<vmem_shared>> -> memref<10240x128xf32, #tpu.memory_space<vmem_shared>>
      tpu.enqueue_indirect_dma source(%arg18 : memref<128x128xf32, #tpu.memory_space<vmem>>) target(%dma_start3A_240 : memref<10240x128xf32, #tpu.memory_space<vmem_shared>>) offsets(%arg16 : memref<128xi32, #tpu.memory_space<vmem>>) semaphore(%arg21 : memref<!tpu.dma_semaphore, #tpu.memory_space<semaphore_mem>>) {add = true}
      %dma_wait3A_241 = arith.constant 0 : i32
      %dma_wait3A_242 = arith.constant 0 : i32
      %dma_wait3A_243 = tpu.memref_slice %arg10[%dma_wait3A_241, %dma_wait3A_242] : memref<10240x128xf32, #tpu.memory_space<vmem_shared>> -> memref<10240x128xf32, #tpu.memory_space<vmem_shared>>
      tpu.wait_indirect_dma semaphore(%arg21 : memref<!tpu.dma_semaphore, #tpu.memory_space<semaphore_mem>>) src(%arg18 : memref<128x128xf32, #tpu.memory_space<vmem>>) dst(%dma_wait3A_243 : memref<10240x128xf32, #tpu.memory_space<vmem_shared>>)
      %dma_wait3A_244 = arith.constant 0 : i32
      %dma_wait3A_245 = tpu.memref_slice %arg11[%dma_wait3A_244] : memref<10240xf32, #tpu.memory_space<vmem_shared>> -> memref<10240xf32, #tpu.memory_space<vmem_shared>>
      tpu.wait_indirect_dma semaphore(%arg22 : memref<!tpu.dma_semaphore, #tpu.memory_space<semaphore_mem>>) src(%arg17 : memref<128xf32, #tpu.memory_space<vmem>>) dst(%dma_wait3A_245 : memref<10240xf32, #tpu.memory_space<vmem_shared>>)
      %scan3A_246 = arith.constant 0 : i32
      scf.yield %scan3A_246 : i32
    }
    %scan3A_44 = arith.constant 79 : i32
    %barrier3A_45 = arith.constant 0 : index
    tpu.barrier barrier_id(%barrier3A_45)
    %mul3A_46 = arith.constant 640 : i32
    %mul3A_47 = arith.muli %arg1, %mul3A_46 : i32
    %mul3A_48 = arith.constant 640 : i32
    %mul3A_49 = arith.muli %arg1, %mul3A_48 : i32
    "tpu.region"() ({
      %run_scoped3A = tpu.sem_alloc : memref<!tpu.dma_semaphore, #tpu.memory_space<semaphore_mem>>
      %dma_start3A = arith.constant 0 : i32
      %dma_start3A_54 = tpu.memref_slice %arg8[%arg0, %mul3A_49, %dma_start3A] : memref<2x10240x128xf32, #tpu.memory_space<hbm>> -> memref<1x640x128xf32, #tpu.memory_space<hbm>>
      %dma_start3A_55 = tpu.memref_squeeze %dma_start3A_54 : memref<1x640x128xf32, #tpu.memory_space<hbm>> -> memref<640x128xf32, #tpu.memory_space<hbm>>
      %dma_start3A_56 = arith.constant 0 : i32
      %dma_start3A_57 = tpu.memref_slice %arg10[%mul3A_47, %dma_start3A_56] : memref<10240x128xf32, #tpu.memory_space<vmem_shared>> -> memref<640x128xf32, #tpu.memory_space<vmem_shared>>
      tpu.enqueue_dma source(%dma_start3A_57 : memref<640x128xf32, #tpu.memory_space<vmem_shared>>) target(%dma_start3A_55 : memref<640x128xf32, #tpu.memory_space<hbm>>) target_semaphore(%run_scoped3A : memref<!tpu.dma_semaphore, #tpu.memory_space<semaphore_mem>>)
      %dma_wait3A = arith.constant 0 : i32
      %dma_wait3A_58 = tpu.memref_slice %arg8[%arg0, %mul3A_49, %dma_wait3A] : memref<2x10240x128xf32, #tpu.memory_space<hbm>> -> memref<1x640x128xf32, #tpu.memory_space<hbm>>
      %dma_wait3A_59 = tpu.memref_squeeze %dma_wait3A_58 : memref<1x640x128xf32, #tpu.memory_space<hbm>> -> memref<640x128xf32, #tpu.memory_space<hbm>>
      %dma_wait3A_60 = arith.constant 0 : i32
      %dma_wait3A_61 = tpu.memref_slice %arg10[%mul3A_47, %dma_wait3A_60] : memref<10240x128xf32, #tpu.memory_space<vmem_shared>> -> memref<640x128xf32, #tpu.memory_space<vmem_shared>>
      tpu.wait_dma2 semaphore(%run_scoped3A : memref<!tpu.dma_semaphore, #tpu.memory_space<semaphore_mem>>) src(%dma_wait3A_61 : memref<640x128xf32, #tpu.memory_space<vmem_shared>>) dst(%dma_wait3A_59 : memref<640x128xf32, #tpu.memory_space<hbm>>)
      tpu.yield
    }) : () -> ()
    %mul3A_50 = arith.constant 640 : i32
    %mul3A_51 = arith.muli %arg1, %mul3A_50 : i32
    %mul3A_52 = arith.constant 640 : i32
    %mul3A_53 = arith.muli %arg1, %mul3A_52 : i32
    "tpu.region"() ({
      %run_scoped3A = tpu.sem_alloc : memref<!tpu.dma_semaphore, #tpu.memory_space<semaphore_mem>>
      %dma_start3A = tpu.memref_slice %arg9[%arg0, %mul3A_53] : memref<2x10240xf32, #tpu.memory_space<hbm>> -> memref<1x640xf32, #tpu.memory_space<hbm>>
      %dma_start3A_54 = tpu.memref_squeeze %dma_start3A : memref<1x640xf32, #tpu.memory_space<hbm>> -> memref<640xf32, #tpu.memory_space<hbm>>
      %dma_start3A_55 = tpu.memref_slice %arg11[%mul3A_51] : memref<10240xf32, #tpu.memory_space<vmem_shared>> -> memref<640xf32, #tpu.memory_space<vmem_shared>>
      tpu.enqueue_dma source(%dma_start3A_55 : memref<640xf32, #tpu.memory_space<vmem_shared>>) target(%dma_start3A_54 : memref<640xf32, #tpu.memory_space<hbm>>) target_semaphore(%run_scoped3A : memref<!tpu.dma_semaphore, #tpu.memory_space<semaphore_mem>>)
      %dma_wait3A = tpu.memref_slice %arg9[%arg0, %mul3A_53] : memref<2x10240xf32, #tpu.memory_space<hbm>> -> memref<1x640xf32, #tpu.memory_space<hbm>>
      %dma_wait3A_56 = tpu.memref_squeeze %dma_wait3A : memref<1x640xf32, #tpu.memory_space<hbm>> -> memref<640xf32, #tpu.memory_space<hbm>>
      %dma_wait3A_57 = tpu.memref_slice %arg11[%mul3A_51] : memref<10240xf32, #tpu.memory_space<vmem_shared>> -> memref<640xf32, #tpu.memory_space<vmem_shared>>
      tpu.wait_dma2 semaphore(%run_scoped3A : memref<!tpu.dma_semaphore, #tpu.memory_space<semaphore_mem>>) src(%dma_wait3A_57 : memref<640xf32, #tpu.memory_space<vmem_shared>>) dst(%dma_wait3A_56 : memref<640xf32, #tpu.memory_space<hbm>>)
      tpu.yield
    }) : () -> ()
    return
  }
}

module attributes {stable_mosaic.version = 14 : i64} {
  func.func @_prep0_body(%arg0: i32, %arg1: memref<2560x128xf32, #tpu.memory_space<vmem>>, %arg2: memref<128x128xf32, #tpu.memory_space<vmem>>, %arg3: memref<128x128xf32, #tpu.memory_space<vmem>>, %arg4: memref<2560x128xf32, #tpu.memory_space<vmem>>, %arg5: memref<2560x128xf32, #tpu.memory_space<vmem>>) attributes {dimension_semantics = [#tpu.dimension_semantics<arbitrary>], iteration_bounds = array<i64: 4>, scalar_prefetch = 0 : i64, scratch_operands = 0 : i64, tpu.core_type = #tpu.core_type<tc>, window_params = [{transform_indices = @transform_0, window_bounds = array<i64: 2560, 128>}, {pipeline_mode = #tpu.pipeline_mode<synchronous>, transform_indices = @transform_1, window_bounds = array<i64: 128, 128>}, {pipeline_mode = #tpu.pipeline_mode<synchronous>, transform_indices = @transform_2, window_bounds = array<i64: 128, 128>}, {transform_indices = @transform_3, window_bounds = array<i64: 2560, 128>}, {transform_indices = @transform_4, window_bounds = array<i64: 2560, 128>}]} {
    %get3A = arith.constant 0 : index
    %get3A_0 = arith.constant 0 : index
    %get3A_1 = vector.load %arg1[%get3A, %get3A_0] : memref<2560x128xf32, #tpu.memory_space<vmem>>, vector<2560x128xf32>
    %get3A_2 = arith.constant 0 : index
    %get3A_3 = arith.constant 0 : index
    %get3A_4 = vector.load %arg2[%get3A_2, %get3A_3] : memref<128x128xf32, #tpu.memory_space<vmem>>, vector<128x128xf32>
    %dot_general3A = arith.constant dense<0.000000e+00> : vector<2560x128xf32>
    %dot_general3A_5 = tpu.matmul %get3A_1, %get3A_4, %dot_general3A {dimension_numbers = #tpu.dot_dimension_numbers<[1], [0], [0], [1], [0, 0, 1, 1], [], []>, transpose_lhs_hint = false} : vector<2560x128xf32>, vector<128x128xf32>, vector<2560x128xf32> -> vector<2560x128xf32>
    %swap3A = arith.constant 0 : index
    %swap3A_6 = arith.constant 0 : index
    %swap3A_7 = vector.load %arg4[%swap3A, %swap3A_6] : memref<2560x128xf32, #tpu.memory_space<vmem>>, vector<2560x128xf32>
    tpu.vector_store %arg4[%swap3A, %swap3A_6], %dot_general3A_5 {strides = array<i32>} : memref<2560x128xf32, #tpu.memory_space<vmem>>, vector<2560x128xf32>,
    %get3A_8 = arith.constant 0 : index
    %get3A_9 = arith.constant 0 : index
    %get3A_10 = vector.load %arg3[%get3A_8, %get3A_9] : memref<128x128xf32, #tpu.memory_space<vmem>>, vector<128x128xf32>
    %dot_general3A_11 = arith.constant dense<0.000000e+00> : vector<2560x128xf32>
    %dot_general3A_12 = tpu.matmul %dot_general3A_5, %get3A_10, %dot_general3A_11 {dimension_numbers = #tpu.dot_dimension_numbers<[1], [0], [0], [1], [0, 0, 1, 1], [], []>, transpose_lhs_hint = false} : vector<2560x128xf32>, vector<128x128xf32>, vector<2560x128xf32> -> vector<2560x128xf32>
    %swap3A_13 = arith.constant 0 : index
    %swap3A_14 = arith.constant 0 : index
    %swap3A_15 = vector.load %arg5[%swap3A_13, %swap3A_14] : memref<2560x128xf32, #tpu.memory_space<vmem>>, vector<2560x128xf32>
    tpu.vector_store %arg5[%swap3A_13, %swap3A_14], %dot_general3A_12 {strides = array<i32>} : memref<2560x128xf32, #tpu.memory_space<vmem>>, vector<2560x128xf32>,
    return
  }
  func.func @transform_0(%arg0: i32) -> (i32, i32) {
    %c0_i32 = arith.constant 0 : i32
    %c0_i32_0 = arith.constant 0 : i32
    return %arg0, %c0_i32 : i32, i32
  }
  func.func @transform_1(%arg0: i32) -> (i32, i32) {
    %c0_i32 = arith.constant 0 : i32
    %c0_i32_0 = arith.constant 0 : i32
    %c0_i32_1 = arith.constant 0 : i32
    return %c0_i32, %c0_i32_0 : i32, i32
  }
  func.func @transform_2(%arg0: i32) -> (i32, i32) {
    %c0_i32 = arith.constant 0 : i32
    %c0_i32_0 = arith.constant 0 : i32
    %c0_i32_1 = arith.constant 0 : i32
    return %c0_i32, %c0_i32_0 : i32, i32
  }
  func.func @transform_3(%arg0: i32) -> (i32, i32) {
    %c0_i32 = arith.constant 0 : i32
    %c0_i32_0 = arith.constant 0 : i32
    return %arg0, %c0_i32 : i32, i32
  }
  func.func @transform_4(%arg0: i32) -> (i32, i32) {
    %c0_i32 = arith.constant 0 : i32
    %c0_i32_0 = arith.constant 0 : i32
    return %arg0, %c0_i32 : i32, i32
  }
}

module attributes {stable_mosaic.version = 14 : i64} {
  func.func @_maxs_body(%arg0: memref<10240x128xf32, #tpu.memory_space<vmem>>, %arg1: memref<1x16xf32, #tpu.memory_space<vmem>>) attributes {dimension_semantics = [], scalar_prefetch = 0 : i64, scratch_operands = 0 : i64, tpu.core_type = #tpu.core_type<tc>} {
    %get3A = arith.constant 0 : index
    %get3A_0 = arith.constant 0 : index
    %get3A_1 = vector.load %arg0[%get3A, %get3A_0] : memref<10240x128xf32, #tpu.memory_space<vmem>>, vector<10240x128xf32>
    %slice3A = vector.extract_strided_slice %get3A_1 {offsets = [0, 0], sizes = [10240, 1], strides = [1, 1]} : vector<10240x128xf32> to vector<10240x1xf32>
    %reduce_max3A = vector.shape_cast %slice3A : vector<10240x1xf32> to vector<1x10240x1xf32>
    %reduce_max3A_2 = arith.constant dense<0xFF800000> : vector<1xf32>
    %reduce_max3A_3 = vector.multi_reduction <maximumf>, %reduce_max3A, %reduce_max3A_2 [1, 2] : vector<1x10240x1xf32> to vector<1xf32>
    %reduce_max3A_4 = vector.shape_cast %reduce_max3A_3 : vector<1xf32> to vector<1x1x1xf32>
    %reduce_max3A_5 = vector.extract %reduce_max3A_4[0, 0, 0] : f32 from vector<1x1x1xf32>
    %broadcast_in_dim3A = vector.broadcast %reduce_max3A_5 : f32 to vector<1x16xf32>
    %swap3A = arith.constant 0 : index
    %swap3A_6 = arith.constant 0 : index
    %swap3A_7 = vector.load %arg1[%swap3A, %swap3A_6] : memref<1x16xf32, #tpu.memory_space<vmem>>, vector<1x16xf32>
    tpu.vector_store %arg1[%swap3A, %swap3A_6], %broadcast_in_dim3A {strides = array<i32>} : memref<1x16xf32, #tpu.memory_space<vmem>>, vector<1x16xf32>,
    return
  }
}

module attributes {stable_mosaic.version = 14 : i64} {
  func.func @_denmerge_body(%arg0: memref<2x80x128xf32, #tpu.memory_space<vmem>>, %arg1: memref<80x128xf32, #tpu.memory_space<vmem>>) attributes {dimension_semantics = [], scalar_prefetch = 0 : i64, scratch_operands = 0 : i64, tpu.core_type = #tpu.core_type<tc>} {
    %get3A = arith.constant 0 : index
    %get3A_0 = arith.constant 0 : index
    %get3A_1 = arith.constant 0 : index
    %get3A_2 = vector.load %arg0[%get3A, %get3A_0, %get3A_1] : memref<2x80x128xf32, #tpu.memory_space<vmem>>, vector<2x80x128xf32>
    %reduce_sum3A = arith.constant dense<0.000000e+00> : vector<80x128xf32>
    %reduce_sum3A_3 = vector.multi_reduction <add>, %get3A_2, %reduce_sum3A [0] : vector<2x80x128xf32> to vector<80x128xf32>
    %swap3A = arith.constant 0 : index
    %swap3A_4 = arith.constant 0 : index
    %swap3A_5 = vector.load %arg1[%swap3A, %swap3A_4] : memref<80x128xf32, #tpu.memory_space<vmem>>, vector<80x128xf32>
    tpu.vector_store %arg1[%swap3A, %swap3A_4], %reduce_sum3A_3 {strides = array<i32>} : memref<80x128xf32, #tpu.memory_space<vmem>>, vector<80x128xf32>,
    return
  }
}

module attributes {stable_mosaic.version = 14 : i64} {
  func.func @_prepl_body(%arg0: i32, %arg1: memref<2x2560x128xf32, #tpu.memory_space<vmem>>, %arg2: memref<2560x1xf32, #tpu.memory_space<vmem>>, %arg3: memref<1x128xf32, #tpu.memory_space<vmem>>, %arg4: memref<128x128xf32, #tpu.memory_space<vmem>>, %arg5: memref<128x128xf32, #tpu.memory_space<vmem>>, %arg6: memref<2560x128xf32, #tpu.memory_space<vmem>>, %arg7: memref<2560x128xf32, #tpu.memory_space<vmem>>, %arg8: memref<2560x128xf32, #tpu.memory_space<vmem>>) attributes {dimension_semantics = [#tpu.dimension_semantics<arbitrary>], iteration_bounds = array<i64: 4>, scalar_prefetch = 0 : i64, scratch_operands = 0 : i64, tpu.core_type = #tpu.core_type<tc>, window_params = [{transform_indices = @transform_0, window_bounds = array<i64: 2, 2560, 128>}, {transform_indices = @transform_1, window_bounds = array<i64: 2560, 1>}, {pipeline_mode = #tpu.pipeline_mode<synchronous>, transform_indices = @transform_2, window_bounds = array<i64: 1, 128>}, {pipeline_mode = #tpu.pipeline_mode<synchronous>, transform_indices = @transform_3, window_bounds = array<i64: 128, 128>}, {pipeline_mode = #tpu.pipeline_mode<synchronous>, transform_indices = @transform_4, window_bounds = array<i64: 128, 128>}, {transform_indices = @transform_5, window_bounds = array<i64: 2560, 128>}, {transform_indices = @transform_6, window_bounds = array<i64: 2560, 128>}, {transform_indices = @transform_7, window_bounds = array<i64: 2560, 128>}]} {
    %get3A = arith.constant 0 : index
    %get3A_0 = arith.constant 0 : index
    %get3A_1 = arith.constant 0 : index
    %get3A_2 = vector.load %arg1[%get3A, %get3A_0, %get3A_1] : memref<2x2560x128xf32, #tpu.memory_space<vmem>>, vector<1x2560x128xf32>
    %get3A_3 = vector.shape_cast %get3A_2 : vector<1x2560x128xf32> to vector<2560x128xf32>
    %get3A_4 = arith.constant 1 : index
    %get3A_5 = arith.constant 0 : index
    %get3A_6 = arith.constant 0 : index
    %get3A_7 = vector.load %arg1[%get3A_4, %get3A_5, %get3A_6] : memref<2x2560x128xf32, #tpu.memory_space<vmem>>, vector<1x2560x128xf32>
    %get3A_8 = vector.shape_cast %get3A_7 : vector<1x2560x128xf32> to vector<2560x128xf32>
    %add3A = arith.addf %get3A_3, %get3A_8 : vector<2560x128xf32>
    %get3A_9 = arith.constant 0 : index
    %get3A_10 = arith.constant 0 : index
    %get3A_11 = vector.load %arg2[%get3A_9, %get3A_10] : memref<2560x1xf32, #tpu.memory_space<vmem>>, vector<2560x1xf32>
    %add3A_12 = arith.constant 1.000000e-16 : f32
    %add3A_13 = vector.broadcast %add3A_12 : f32 to vector<2560x1xf32>
    %add3A_14 = arith.addf %get3A_11, %add3A_13 : vector<2560x1xf32>
    %div3A = vector.broadcast %add3A_14 : vector<2560x1xf32> to vector<2560x128xf32>
    %div3A_15 = arith.divf %add3A, %div3A : vector<2560x128xf32>
    %get3A_16 = arith.constant 0 : index
    %get3A_17 = arith.constant 0 : index
    %get3A_18 = vector.load %arg3[%get3A_16, %get3A_17] : memref<1x128xf32, #tpu.memory_space<vmem>>, vector<1x128xf32>
    %add3A_19 = vector.broadcast %get3A_18 : vector<1x128xf32> to vector<2560x128xf32>
    %add3A_20 = arith.addf %div3A_15, %add3A_19 : vector<2560x128xf32>
    %swap3A = arith.constant 0 : index
    %swap3A_21 = arith.constant 0 : index
    %swap3A_22 = vector.load %arg6[%swap3A, %swap3A_21] : memref<2560x128xf32, #tpu.memory_space<vmem>>, vector<2560x128xf32>
    tpu.vector_store %arg6[%swap3A, %swap3A_21], %add3A_20 {strides = array<i32>} : memref<2560x128xf32, #tpu.memory_space<vmem>>, vector<2560x128xf32>,
    %get3A_23 = arith.constant 0 : index
    %get3A_24 = arith.constant 0 : index
    %get3A_25 = vector.load %arg4[%get3A_23, %get3A_24] : memref<128x128xf32, #tpu.memory_space<vmem>>, vector<128x128xf32>
    %dot_general3A = arith.constant dense<0.000000e+00> : vector<2560x128xf32>
    %dot_general3A_26 = tpu.matmul %add3A_20, %get3A_25, %dot_general3A {dimension_numbers = #tpu.dot_dimension_numbers<[1], [0], [0], [1], [0, 0, 1, 1], [], []>, transpose_lhs_hint = false} : vector<2560x128xf32>, vector<128x128xf32>, vector<2560x128xf32> -> vector<2560x128xf32>
    %swap3A_27 = arith.constant 0 : index
    %swap3A_28 = arith.constant 0 : index
    %swap3A_29 = vector.load %arg7[%swap3A_27, %swap3A_28] : memref<2560x128xf32, #tpu.memory_space<vmem>>, vector<2560x128xf32>
    tpu.vector_store %arg7[%swap3A_27, %swap3A_28], %dot_general3A_26 {strides = array<i32>} : memref<2560x128xf32, #tpu.memory_space<vmem>>, vector<2560x128xf32>,
    %get3A_30 = arith.constant 0 : index
    %get3A_31 = arith.constant 0 : index
    %get3A_32 = vector.load %arg5[%get3A_30, %get3A_31] : memref<128x128xf32, #tpu.memory_space<vmem>>, vector<128x128xf32>
    %dot_general3A_33 = arith.constant dense<0.000000e+00> : vector<2560x128xf32>
    %dot_general3A_34 = tpu.matmul %dot_general3A_26, %get3A_32, %dot_general3A_33 {dimension_numbers = #tpu.dot_dimension_numbers<[1], [0], [0], [1], [0, 0, 1, 1], [], []>, transpose_lhs_hint = false} : vector<2560x128xf32>, vector<128x128xf32>, vector<2560x128xf32> -> vector<2560x128xf32>
    %swap3A_35 = arith.constant 0 : index
    %swap3A_36 = arith.constant 0 : index
    %swap3A_37 = vector.load %arg8[%swap3A_35, %swap3A_36] : memref<2560x128xf32, #tpu.memory_space<vmem>>, vector<2560x128xf32>
    tpu.vector_store %arg8[%swap3A_35, %swap3A_36], %dot_general3A_34 {strides = array<i32>} : memref<2560x128xf32, #tpu.memory_space<vmem>>, vector<2560x128xf32>,
    return
  }
  func.func @transform_0(%arg0: i32) -> (i32, i32, i32) {
    %c0_i32 = arith.constant 0 : i32
    %c0_i32_0 = arith.constant 0 : i32
    %c0_i32_1 = arith.constant 0 : i32
    return %c0_i32, %arg0, %c0_i32_0 : i32, i32, i32
  }
  func.func @transform_1(%arg0: i32) -> (i32, i32) {
    %c0_i32 = arith.constant 0 : i32
    %c0_i32_0 = arith.constant 0 : i32
    return %arg0, %c0_i32 : i32, i32
  }
  func.func @transform_2(%arg0: i32) -> (i32, i32) {
    %c0_i32 = arith.constant 0 : i32
    %c0_i32_0 = arith.constant 0 : i32
    %c0_i32_1 = arith.constant 0 : i32
    return %c0_i32, %c0_i32_0 : i32, i32
  }
  func.func @transform_3(%arg0: i32) -> (i32, i32) {
    %c0_i32 = arith.constant 0 : i32
    %c0_i32_0 = arith.constant 0 : i32
    %c0_i32_1 = arith.constant 0 : i32
    return %c0_i32, %c0_i32_0 : i32, i32
  }
  func.func @transform_4(%arg0: i32) -> (i32, i32) {
    %c0_i32 = arith.constant 0 : i32
    %c0_i32_0 = arith.constant 0 : i32
    %c0_i32_1 = arith.constant 0 : i32
    return %c0_i32, %c0_i32_0 : i32, i32
  }
  func.func @transform_5(%arg0: i32) -> (i32, i32) {
    %c0_i32 = arith.constant 0 : i32
    %c0_i32_0 = arith.constant 0 : i32
    return %arg0, %c0_i32 : i32, i32
  }
  func.func @transform_6(%arg0: i32) -> (i32, i32) {
    %c0_i32 = arith.constant 0 : i32
    %c0_i32_0 = arith.constant 0 : i32
    return %arg0, %c0_i32 : i32, i32
  }
  func.func @transform_7(%arg0: i32) -> (i32, i32) {
    %c0_i32 = arith.constant 0 : i32
    %c0_i32_0 = arith.constant 0 : i32
    return %arg0, %c0_i32 : i32, i32
  }
}

module attributes {stable_mosaic.version = 14 : i64} {
  func.func @_final_body(%arg0: i32, %arg1: memref<2560x128xf32, #tpu.memory_space<vmem>>, %arg2: memref<2560x128xf32, #tpu.memory_space<vmem>>, %arg3: memref<2560x128xf32, #tpu.memory_space<vmem>>, %arg4: memref<2x2560x128xf32, #tpu.memory_space<vmem>>, %arg5: memref<2560x1xf32, #tpu.memory_space<vmem>>, %arg6: memref<1x128xf32, #tpu.memory_space<vmem>>, %arg7: memref<4x128x128xf32, #tpu.memory_space<vmem>>, %arg8: memref<1x128xf32, #tpu.memory_space<vmem>>, %arg9: memref<2560x128xf32, #tpu.memory_space<vmem>>) attributes {dimension_semantics = [#tpu.dimension_semantics<arbitrary>], iteration_bounds = array<i64: 4>, scalar_prefetch = 0 : i64, scratch_operands = 0 : i64, tpu.core_type = #tpu.core_type<tc>, window_params = [{transform_indices = @transform_0, window_bounds = array<i64: 2560, 128>}, {transform_indices = @transform_1, window_bounds = array<i64: 2560, 128>}, {transform_indices = @transform_2, window_bounds = array<i64: 2560, 128>}, {transform_indices = @transform_3, window_bounds = array<i64: 2, 2560, 128>}, {transform_indices = @transform_4, window_bounds = array<i64: 2560, 1>}, {pipeline_mode = #tpu.pipeline_mode<synchronous>, transform_indices = @transform_5, window_bounds = array<i64: 1, 128>}, {pipeline_mode = #tpu.pipeline_mode<synchronous>, transform_indices = @transform_6, window_bounds = array<i64: 4, 128, 128>}, {pipeline_mode = #tpu.pipeline_mode<synchronous>, transform_indices = @transform_7, window_bounds = array<i64: 1, 128>}, {transform_indices = @transform_8, window_bounds = array<i64: 2560, 128>}]} {
    %get3A = arith.constant 0 : index
    %get3A_0 = arith.constant 0 : index
    %get3A_1 = arith.constant 0 : index
    %get3A_2 = vector.load %arg4[%get3A, %get3A_0, %get3A_1] : memref<2x2560x128xf32, #tpu.memory_space<vmem>>, vector<1x2560x128xf32>
    %get3A_3 = vector.shape_cast %get3A_2 : vector<1x2560x128xf32> to vector<2560x128xf32>
    %get3A_4 = arith.constant 1 : index
    %get3A_5 = arith.constant 0 : index
    %get3A_6 = arith.constant 0 : index
    %get3A_7 = vector.load %arg4[%get3A_4, %get3A_5, %get3A_6] : memref<2x2560x128xf32, #tpu.memory_space<vmem>>, vector<1x2560x128xf32>
    %get3A_8 = vector.shape_cast %get3A_7 : vector<1x2560x128xf32> to vector<2560x128xf32>
    %add3A = arith.addf %get3A_3, %get3A_8 : vector<2560x128xf32>
    %get3A_9 = arith.constant 0 : index
    %get3A_10 = arith.constant 0 : index
    %get3A_11 = vector.load %arg5[%get3A_9, %get3A_10] : memref<2560x1xf32, #tpu.memory_space<vmem>>, vector<2560x1xf32>
    %add3A_12 = arith.constant 1.000000e-16 : f32
    %add3A_13 = vector.broadcast %add3A_12 : f32 to vector<2560x1xf32>
    %add3A_14 = arith.addf %get3A_11, %add3A_13 : vector<2560x1xf32>
    %div3A = vector.broadcast %add3A_14 : vector<2560x1xf32> to vector<2560x128xf32>
    %div3A_15 = arith.divf %add3A, %div3A : vector<2560x128xf32>
    %get3A_16 = arith.constant 0 : index
    %get3A_17 = arith.constant 0 : index
    %get3A_18 = vector.load %arg6[%get3A_16, %get3A_17] : memref<1x128xf32, #tpu.memory_space<vmem>>, vector<1x128xf32>
    %add3A_19 = vector.broadcast %get3A_18 : vector<1x128xf32> to vector<2560x128xf32>
    %add3A_20 = arith.addf %div3A_15, %add3A_19 : vector<2560x128xf32>
    %get3A_21 = arith.constant 0 : index
    %get3A_22 = arith.constant 0 : index
    %get3A_23 = vector.load %arg1[%get3A_21, %get3A_22] : memref<2560x128xf32, #tpu.memory_space<vmem>>, vector<2560x128xf32>
    %get3A_24 = arith.constant 0 : index
    %get3A_25 = arith.constant 0 : index
    %get3A_26 = arith.constant 0 : index
    %get3A_27 = vector.load %arg7[%get3A_24, %get3A_25, %get3A_26] : memref<4x128x128xf32, #tpu.memory_space<vmem>>, vector<1x128x128xf32>
    %get3A_28 = vector.shape_cast %get3A_27 : vector<1x128x128xf32> to vector<128x128xf32>
    %dot_general3A = arith.constant dense<0.000000e+00> : vector<2560x128xf32>
    %dot_general3A_29 = tpu.matmul %get3A_23, %get3A_28, %dot_general3A {dimension_numbers = #tpu.dot_dimension_numbers<[1], [0], [0], [1], [0, 0, 1, 1], [], []>, transpose_lhs_hint = false} : vector<2560x128xf32>, vector<128x128xf32>, vector<2560x128xf32> -> vector<2560x128xf32>
    %get3A_30 = arith.constant 0 : index
    %get3A_31 = arith.constant 0 : index
    %get3A_32 = vector.load %arg2[%get3A_30, %get3A_31] : memref<2560x128xf32, #tpu.memory_space<vmem>>, vector<2560x128xf32>
    %get3A_33 = arith.constant 1 : index
    %get3A_34 = arith.constant 0 : index
    %get3A_35 = arith.constant 0 : index
    %get3A_36 = vector.load %arg7[%get3A_33, %get3A_34, %get3A_35] : memref<4x128x128xf32, #tpu.memory_space<vmem>>, vector<1x128x128xf32>
    %get3A_37 = vector.shape_cast %get3A_36 : vector<1x128x128xf32> to vector<128x128xf32>
    %dot_general3A_38 = arith.constant dense<0.000000e+00> : vector<2560x128xf32>
    %dot_general3A_39 = tpu.matmul %get3A_32, %get3A_37, %dot_general3A_38 {dimension_numbers = #tpu.dot_dimension_numbers<[1], [0], [0], [1], [0, 0, 1, 1], [], []>, transpose_lhs_hint = false} : vector<2560x128xf32>, vector<128x128xf32>, vector<2560x128xf32> -> vector<2560x128xf32>
    %add3A_40 = arith.addf %dot_general3A_29, %dot_general3A_39 : vector<2560x128xf32>
    %get3A_41 = arith.constant 0 : index
    %get3A_42 = arith.constant 0 : index
    %get3A_43 = vector.load %arg3[%get3A_41, %get3A_42] : memref<2560x128xf32, #tpu.memory_space<vmem>>, vector<2560x128xf32>
    %get3A_44 = arith.constant 2 : index
    %get3A_45 = arith.constant 0 : index
    %get3A_46 = arith.constant 0 : index
    %get3A_47 = vector.load %arg7[%get3A_44, %get3A_45, %get3A_46] : memref<4x128x128xf32, #tpu.memory_space<vmem>>, vector<1x128x128xf32>
    %get3A_48 = vector.shape_cast %get3A_47 : vector<1x128x128xf32> to vector<128x128xf32>
    %dot_general3A_49 = arith.constant dense<0.000000e+00> : vector<2560x128xf32>
    %dot_general3A_50 = tpu.matmul %get3A_43, %get3A_48, %dot_general3A_49 {dimension_numbers = #tpu.dot_dimension_numbers<[1], [0], [0], [1], [0, 0, 1, 1], [], []>, transpose_lhs_hint = false} : vector<2560x128xf32>, vector<128x128xf32>, vector<2560x128xf32> -> vector<2560x128xf32>
    %add3A_51 = arith.addf %add3A_40, %dot_general3A_50 : vector<2560x128xf32>
    %get3A_52 = arith.constant 3 : index
    %get3A_53 = arith.constant 0 : index
    %get3A_54 = arith.constant 0 : index
    %get3A_55 = vector.load %arg7[%get3A_52, %get3A_53, %get3A_54] : memref<4x128x128xf32, #tpu.memory_space<vmem>>, vector<1x128x128xf32>
    %get3A_56 = vector.shape_cast %get3A_55 : vector<1x128x128xf32> to vector<128x128xf32>
    %dot_general3A_57 = arith.constant dense<0.000000e+00> : vector<2560x128xf32>
    %dot_general3A_58 = tpu.matmul %add3A_20, %get3A_56, %dot_general3A_57 {dimension_numbers = #tpu.dot_dimension_numbers<[1], [0], [0], [1], [0, 0, 1, 1], [], []>, transpose_lhs_hint = false} : vector<2560x128xf32>, vector<128x128xf32>, vector<2560x128xf32> -> vector<2560x128xf32>
    %add3A_59 = arith.addf %add3A_51, %dot_general3A_58 : vector<2560x128xf32>
    %get3A_60 = arith.constant 0 : index
    %get3A_61 = arith.constant 0 : index
    %get3A_62 = vector.load %arg8[%get3A_60, %get3A_61] : memref<1x128xf32, #tpu.memory_space<vmem>>, vector<1x128xf32>
    %add3A_63 = vector.broadcast %get3A_62 : vector<1x128xf32> to vector<2560x128xf32>
    %add3A_64 = arith.addf %add3A_59, %add3A_63 : vector<2560x128xf32>
    %swap3A = arith.constant 0 : index
    %swap3A_65 = arith.constant 0 : index
    %swap3A_66 = vector.load %arg9[%swap3A, %swap3A_65] : memref<2560x128xf32, #tpu.memory_space<vmem>>, vector<2560x128xf32>
    tpu.vector_store %arg9[%swap3A, %swap3A_65], %add3A_64 {strides = array<i32>} : memref<2560x128xf32, #tpu.memory_space<vmem>>, vector<2560x128xf32>,
    return
  }
  func.func @transform_0(%arg0: i32) -> (i32, i32) {
    %c0_i32 = arith.constant 0 : i32
    %c0_i32_0 = arith.constant 0 : i32
    return %arg0, %c0_i32 : i32, i32
  }
  func.func @transform_1(%arg0: i32) -> (i32, i32) {
    %c0_i32 = arith.constant 0 : i32
    %c0_i32_0 = arith.constant 0 : i32
    return %arg0, %c0_i32 : i32, i32
  }
  func.func @transform_2(%arg0: i32) -> (i32, i32) {
    %c0_i32 = arith.constant 0 : i32
    %c0_i32_0 = arith.constant 0 : i32
    return %arg0, %c0_i32 : i32, i32
  }
  func.func @transform_3(%arg0: i32) -> (i32, i32, i32) {
    %c0_i32 = arith.constant 0 : i32
    %c0_i32_0 = arith.constant 0 : i32
    %c0_i32_1 = arith.constant 0 : i32
    return %c0_i32, %arg0, %c0_i32_0 : i32, i32, i32
  }
  func.func @transform_4(%arg0: i32) -> (i32, i32) {
    %c0_i32 = arith.constant 0 : i32
    %c0_i32_0 = arith.constant 0 : i32
    return %arg0, %c0_i32 : i32, i32
  }
  func.func @transform_5(%arg0: i32) -> (i32, i32) {
    %c0_i32 = arith.constant 0 : i32
    %c0_i32_0 = arith.constant 0 : i32
    %c0_i32_1 = arith.constant 0 : i32
    return %c0_i32, %c0_i32_0 : i32, i32
  }
  func.func @transform_6(%arg0: i32) -> (i32, i32, i32) {
    %c0_i32 = arith.constant 0 : i32
    %c0_i32_0 = arith.constant 0 : i32
    %c0_i32_1 = arith.constant 0 : i32
    %c0_i32_2 = arith.constant 0 : i32
    return %c0_i32, %c0_i32_0, %c0_i32_1 : i32, i32, i32
  }
  func.func @transform_7(%arg0: i32) -> (i32, i32) {
    %c0_i32 = arith.constant 0 : i32
    %c0_i32_0 = arith.constant 0 : i32
    %c0_i32_1 = arith.constant 0 : i32
    return %c0_i32, %c0_i32_0 : i32, i32
  }
  func.func @transform_8(%arg0: i32) -> (i32, i32) {
    %c0_i32 = arith.constant 0 : i32
    %c0_i32_0 = arith.constant 0 : i32
    return %arg0, %c0_i32 : i32, i32
  }
}

</mosaic_0001>

<sc_bundles>
// kernel: kernel.15.cloned.1.call-start
scs
__scs_entry_jumppad:
0x0: {  	(pc) =	sbr.rel $0x88, $3  }
0x1: {  	(tag) =	ssettag $0x0;
	lr =	simm.s32 $0x1  }
0x2: {  	[smem:$0x3F99] =	sst lr;
	_ =	strace $0xD0000000  }
0x3: {  	_ = 	snop  }
0x4: {  	_ = 	snop  }
0x5: {  	_ = 	snop  }
0x6: {  	_ = 	snop  }
0x7: {  	_ = 	snop  }
__scs_overlays_trampoline_lowered:
0x8: {  	[smem:$0x3FA8] =	sst s0  }
0x9: {  	[smem:$0x3FA9] =	sst s1  }
0xa: {  	[smem:$0x3FAA] =	sst s2  }
0xb: {  	[smem:$0x3FAB] =	sst s3  }
0xc: {  	[smem:$0x3FAC] =	sst s4  }
0xd: {  	[smem:$0x3FAD] =	sst s5  }
0xe: {  	[smem:$0x3FAE] =	sst s6  }
0xf: {  	[smem:$0x3FAF] =	sst s7  }
0x10: {  	[smem:$0x3FB0] =	sst s8  }
0x11: {  	[smem:$0x3FB1] =	sst s9;
	s0 =	simm.s32 @!p0 $0x0  }
0x12: {  	s1 =	sld [smem:$0x3F97];
	s0 =	simm.s32 @p0 $0x1  }
0x13: {  	[smem:$0x3FB2] =	sst s0;
	s0 =	simm.s32 @!p1 $0x0  }
0x14: {  	s2 =	sld [smem:$0x3F96];
	s0 =	simm.s32 @p1 $0x1  }
0x15: {  	[smem:$0x3FB3] =	sst s0;
	s0 =	simm.s32 @!p2 $0x0  }
0x16: {  	s3 =	sld [smem:$0x3FDB];
	s0 =	simm.s32 @p2 $0x1  }
0x17: {  	s4 =	simm.s32 $0x1BF5;
	[smem:$0x3FB5] =	sst s0  }
0x18: {  	s0 =	sld [smem:$0x3F98];
	_ =	swait.ge [sflag:s4], $0x0  }
0x19: {  	s7 =	sld [smem:$0x3F99]  }
0x1a: {  	s8 =	sadd.s32 $0xFFFFE003, lr  }
0x1b: {  	s9 =	sadd.s32 $0xFFFFFEF7, lr;
	s5 =	simm.s32 $0xFFFFFFFF;
	p2 =	slt.u32 s8, $0xFFFFF086  }
0x1c: {  	p1 =	slt.u32 s9, $0xF7A;
	s5 =	simm.s32 @!p2 $0x0  }
0x1d: {  	s5 =	simm.s32 @p1 $0x1;
	p0 =	seq.s32 s7, s2  }
0x1e: {  	s7 =	smul.u32 @!p0 $0xF7A, s2;
	p2 =	seq.s32 @!p0 s5, $0x0  }
0x1f: {  	s9 =	smul.u32 $0xF7A, s1;
	s8 =	simm.s32 @!p0 $0x1BF5;
	p2 =	por !p2, p0  }
0x20: {  	[sflag:s8] =	ssyncset.s32 @!p0 $0xFFFFF086;
	s6 =	sadd.s32 @!p0 s3, s7;
	s7 =	simm.s32 @!p0 $0x108  }
0x21: {  	s3 =	sadd.s32 s3, s9;
	s6 =	sadd.s32 @!p0 $0x88, s6;
	s7 =	simm.s32 @p2 $0x1082  }
0x22: {  	[simem:s7], [sflag:s8] =	dma.local @!p0 [hbm:s6], $0xF7A  }
0x23: {  	s9 =	sor.u32 $0xD0000000, s2;
	s6 =	simm.s32 $0x108;
	_ =	swait.ge @!p0 [sflag:s8], $0x0  }
0x24: {  	s3 =	sadd.s32 $0x88, s3;
	s6 =	simm.s32 @!p1 $0x1082;
	[sflag:s4] =	ssyncset.s32 $0xFFFFF086  }
0x25: {  	[simem:s6], [sflag:s4] =	dma.local [hbm:s3], $0xF7A  }
0x26: {  	[smem:$0x3F99] =	sst s1;
	(tag) =	ssettag s2;
	_ =	strace s9  }
0x27: {  	s1 =	sld [smem:$0x3FA9]  }
0x28: {  	s2 =	sld [smem:$0x3FAA]  }
0x29: {  	s4 =	sld [smem:$0x3FAC]  }
0x2a: {  	p0 =	seq.s32 s5, $0x0;
	s5 =	sld [smem:$0x3FAD]  }
0x2b: {  	s6 =	sld [smem:$0x3FAE]  }
0x2c: {  	s7 =	sld [smem:$0x3FAF]  }
0x2d: {  	s3 =	simm.s32 $0x108;
	s8 =	sld [smem:$0x3FB0]  }
0x2e: {  	s3 =	simm.s32 @!p0 $0x1082;
	s9 =	sld [smem:$0x3FB1]  }
0x2f: {  	lr =	sadd.s32 s0, s3;
	s0 =	sld [smem:$0x3FA8]  }
0x30: {  	s3 =	sld [smem:$0x3FAB]  }
0x31: {  	[smem:$0x3FB4] =	sst s10  }
0x32: {  	s10 =	sld [smem:$0x3FB2];
	_ =	sdelay $0x3  }
0x33: {  	p0 =	seq.s32 s10, $0x1;
	s10 =	sld [smem:$0x3FB4];
	_ =	sdelay $0x3  }
0x34: {  	[smem:$0x3FB4] =	sst s10  }
0x35: {  	s10 =	sld [smem:$0x3FB3];
	_ =	sdelay $0x3  }
0x36: {  	p1 =	seq.s32 s10, $0x1;
	s10 =	sld [smem:$0x3FB4];
	_ =	sdelay $0x3  }
0x37: {  	[smem:$0x3FB4] =	sst s10  }
0x38: {  	s10 =	sld [smem:$0x3FB5]  }
0x39: {  	_ = 	snop;
	(pc) =	sbr.ind lr, $3  }
0x3a: {  	_ = 	snop  }
0x3b: {  	_ = 	snop  }
0x3c: {  	p2 =	seq.s32 s10, $0x1;
	s10 =	sld [smem:$0x3FB4]  }
0x3d: {  	_ =	shalt  }
0x3e: {  	_ =	shalt  }
0x3f: {  	_ =	shalt  }
0x40: {  	_ =	shalt  }
0x41: {  	_ =	shalt  }
0x42: {  	_ =	shalt  }
0x43: {  	_ =	shalt  }
0x44: {  	_ =	shalt  }
0x45: {  	_ =	shalt  }
0x46: {  	_ =	shalt  }
0x47: {  	_ =	shalt  }
0x48: {  	_ =	shalt  }
0x49: {  	_ =	shalt  }
0x4a: {  	_ =	shalt  }
0x4b: {  	_ =	shalt  }
0x4c: {  	_ =	shalt  }
0x4d: {  	_ =	shalt  }
0x4e: {  	_ =	shalt  }
0x4f: {  	_ =	shalt  }
0x50: {  	_ =	shalt  }
0x51: {  	_ =	shalt  }
0x52: {  	_ =	shalt  }
0x53: {  	_ =	shalt  }
0x54: {  	_ =	shalt  }
0x55: {  	_ =	shalt  }
0x56: {  	_ =	shalt  }
0x57: {  	_ =	shalt  }
0x58: {  	_ =	shalt  }
0x59: {  	_ =	shalt  }
0x5a: {  	_ =	shalt  }
0x5b: {  	_ =	shalt  }
0x5c: {  	_ =	shalt  }
0x5d: {  	_ =	shalt  }
0x5e: {  	_ =	shalt  }
0x5f: {  	_ =	shalt  }
0x60: {  	_ =	shalt  }
0x61: {  	_ =	shalt  }
0x62: {  	_ =	shalt  }
0x63: {  	_ =	shalt  }
0x64: {  	_ =	shalt  }
0x65: {  	_ =	shalt  }
0x66: {  	_ =	shalt  }
0x67: {  	_ =	shalt  }
0x68: {  	_ =	shalt  }
0x69: {  	_ =	shalt  }
0x6a: {  	_ =	shalt  }
0x6b: {  	_ =	shalt  }
0x6c: {  	_ =	shalt  }
0x6d: {  	_ =	shalt  }
0x6e: {  	_ =	shalt  }
0x6f: {  	_ =	shalt  }
0x70: {  	_ =	shalt  }
0x71: {  	_ =	shalt  }
0x72: {  	_ =	shalt  }
0x73: {  	_ =	shalt  }
0x74: {  	_ =	shalt  }
0x75: {  	_ =	shalt  }
0x76: {  	_ =	shalt  }
0x77: {  	_ =	shalt  }
0x78: {  	_ =	shalt  }
0x79: {  	_ =	shalt  }
0x7a: {  	_ =	shalt  }
0x7b: {  	_ =	shalt  }
0x7c: {  	_ =	shalt  }
0x7d: {  	_ =	shalt  }
0x7e: {  	_ =	shalt  }
0x7f: {  	_ =	shalt  }
0x80: {  	_ =	shalt  }
0x81: {  	_ =	shalt  }
0x82: {  	_ =	shalt  }
0x83: {  	_ =	shalt  }
0x84: {  	_ =	shalt  }
0x85: {  	_ =	shalt  }
0x86: {  	_ =	shalt  }
0x87: {  	_ =	shalt  }
.Lfunc_end0:
.L_simem_size_0:
called_computation_lowered:
.L_overlay_start_0:
0x88: {  	s2 =	sld [smem:$0x3FD9]  }
0x89: {  	s3 =	sld [smem:$0x3FFE];
	_ =	sdelay $0x1  }
0x8a: {  	s1 =	srdreg.scid  }
0x8b: {  	s0 =	sand.u32 $0x1, s1  }
0x8c: {  	s17 =	sshll.u32 s0, $0xA;
	s2 =	sadd.s32 s3, s2  }
0x8d: {  	s2 =	sadd.s32 s2, s17  }
0x8e: {  	[smem:$0x3FC0] =	sst s2  }
0x8f: {  	_ = 	snop  }
0x90: {  	s2 =	sld [smem:$0x3FD0];
	(tm) =	ssettm $0x1  }
0x91: {  	s18 =	sld [smem:$0x3FFB];
	_ =	sdelay $0x3  }
0x92: {  	_ =	strace s18  }
0x93: {  	s3 =	sld [smem:$0x3FFC];
	_ =	sdelay $0x3  }
0x94: {  	_ =	strace s3  }
0x95: {  	s3 =	sld [smem:$0x3FFD];
	_ =	sdelay $0x3  }
0x96: {  	_ =	strace s3  }
0x97: {  	_ =	strace $0x8FFFFFFF  }
0x98: {  	s19 =	sld [smem:$0x3FDB];
	_ =	sdelay $0x1  }
0x99: {  	s4 =	simm.s32 $_scs_section_size  }
0x9a: {  	s5 =	simm.s32 $_size__tile_overlayer_lowered;
	s6 =	simm.s32 $_tile_overlayer_lowered  }
0x9b: {  	s22 =	simm.s32 $0x1BFF;
	s21 =	sshll.u32 s6, $0x1;
	s3 =	sadd.s32 s4, s19  }
0x9c: {  	s7 =	simm.s32 $0x0;
	s20 =	sshll.u32 s5, $0x1;
	s5 =	sadd.s32 s21, s3  }
0x9d: {  	[timem:s7], [sflag:s22] =	dma.local [hbm:s5], s20  }
0x9e: {  	_ =	swait.ge [sflag:s22], s20  }
0x9f: {  	s4 =	ssub.s32 $0x0, s20;
	[sflag:s22] =	ssyncset.done $0x0  }
0xa0: {  	[sflag:s22] =	ssyncadd.s32 s4;
	_ =	sdelay $0x1  }
0xa1: {  	s23 =	simm.s32 $0x1B8B  }
0xa2: {  	_ =	swait.ge [sflag:s23], $0x1  }
0xa3: {  	[sflag:s23] =	ssyncset.done $0x0  }
0xa4: {  	s25 =	simm.s32 $0x1B8E;
	s24 =	sld [smem:$0x3FFE];
	[sflag:s23] =	ssyncadd.s32 $0xFFFFFFFF  }
0xa5: {  	s26 =	simm.s32 $execute0_lowered;
	[smem:$0x3FD2] =	sst s25  }
0xa6: {  	s5 =	sshll.u32 s26, $0x1;
	_ =	strace $0x80000046;
	[dreg:$0x1] =	wrdreg $0xFFFFFFFF  }
0xa7: {  	s28 =	simm.s32 $_size_execute0_lowered;
	s3 =	sadd.s32 s3, s5;
	[dreg:$0x0] =	wrdreg $0x0  }
0xa8: {  	s5 =	sshll.u32 s28, $0x1;
	[dreg:$0x2] =	wrdreg s3  }
0xa9: {  	[dreg:$0x3] =	wrdreg s5  }
0xaa: {  	[dreg:$0x4] =	wrdreg $0xC0  }
0xab: {  	_ =	task [dreg:s7], $0x5FFFF  }
0xac: {  	[dreg:$0x1] =	wrdreg $0xFFFFFFFF  }
0xad: {  	[dreg:$0x0] =	wrdreg $0x60  }
0xae: {  	[dreg:$0x2] =	wrdreg s24  }
0xaf: {  	[dreg:$0x3] =	wrdreg s2  }
0xb0: {  	[dreg:$0x4] =	wrdreg $0x0  }
0xb1: {  	[dreg:$0x5] =	wrdreg $0x140000  }
0xb2: {  	[dreg:$0x6] =	wrdreg $0x9  }
0xb3: {  	_ =	task.clear_ibuf [dreg:s7], $0x7FFFF;
	_ =	strace $0x90000046  }
0xb4: {  	s29 =	simm.s32 $0x9;
	_ =	strace $0x80000048  }
0xb5: {  	_ =	swait.ge [sflag:s29], $0x1  }
0xb6: {  	[sflag:s29] =	ssyncadd.s32 $0xFFFFFFFF  }
0xb7: {  	_ =	strace $0x90000048  }
0xb8: {  	_ =	sfence  }
0xb9: {  	s30 =	sld [smem:$0x0];
	_ =	sdelay $0x2  }
0xba: {  	s31 =	sshll.u32 s1, $0xD;
	s1 =	sshrl.u32 s1, $0x2  }
0xbb: {  	s3 =	sand.u32 $0x4000, s31;
	s1 =	sadd.s32 s1, s30  }
0xbc: {  	s0 =	sor.u32 s3, s0;
	s1 =	sshll.u32 s1, $0x11  }
0xbd: {  	s0 =	sor.u32 s1, s0  }
0xbe: {  	s0 =	sadd.s32 $0x8F2B, s0  }
0xbf: {  	[sflag:s0] =	ssyncadd.remote.s32 $0x1  }
0xc0: {  	_ =	sfence.sel $0xFFFF  }
0xc1: {  	[dreg:$0x0] =	wrdreg $0xFFFFFFFF;
	(pc) =	sbr.abs _section_cstart, $3  }
0xc2: {  	[dreg:$0x1] =	wrdreg $0xFFFFFFFF  }
0xc3: {  	_ =	task.clear_ibuf [dreg:s7], $0x2FFFF;
	_ =	strace $0x9FFFFFFF  }
0xc4: {  	(tm) =	ssettm $0x7FFFFFFF  }
0xc5: {  	_ =	shalt  }
tec
execute0_lowered:
.L_overlay_start_1:
0x0: {  	(tag) =	ssettag $0x1  }
0x1: {  	s0 =	rddreg [dreg:$0x0]  }
0x2: {  	s1 =	rddreg [dreg:$0x1]  }
0x3: {  	s2 =	rddreg [dreg:$0x2]  }
0x4: {  	s3 =	rddreg [dreg:$0x3];
	s5 =	simm.s32 $0x0  }
0x5: {  	s4 =	srdreg.scid;
	s13 =	stileid.u32;
	s28 =	simm.s32 $0x19300  }
0x6: {  	s29 =	simm.s32 $0x19380;
	s30 =	simm.s32 $0x80;
	s31 =	simm.s32 $0x19400  }
0x7: {  	[smem:$0x7FF] =	sst s5;
	s4 =	sand.u32 $0x1, s4;
	s8 =	smul.u32 $0x14000, s13  }
0x8: {  	s6 =	sadd.s32 $0xC00, s0;
	s9 =	sadd.s32 $0x29400, s0;
	s18 =	smul.u32 $0x500, s13  }
0x9: {  	s16 =	sadd.s32 $0x28E00, s0;
	s17 =	sadd.s32 $0x28C00, s0;
	s11 =	smul.u32 $0x50000, s13  }
0xa: {  	s23 =	smul.u32 $0xA00, s13;
	_ =	strace $0x80000047;
	[dreg:$0x5] =	wrdreg s9  }
0xb: {  	s10 =	sadd.s32 $0x29A00, s0;
	s7 =	smul.u32 $0x140000, s4;
	[dreg:$0x6] =	wrdreg s16  }
0xc: {  	[dreg:$0x7] =	wrdreg s17;
	s19 =	sshll.u32 s4, $0x7;
	s20 =	ssub.s32 $0x2, s4  }
0xd: {  	s4 =	sshll.u32 s4, $0x4;
	s12 =	sshrl.u32 s20, $0x1;
	s22 =	sshrl.u32 s11, $0x2  }
0xe: {  	s4 =	sor.u32 s13, s4;
	s9 =	sshrl.u32 s23, $0x2;
	s23 =	simm.s32 $0x16A80  }
0xf: {  	s7 =	sadd.s32 s8, s7;
	s8 =	sor.u32 s19, s18;
	s21 =	ssub.s32 s20, s12  }
0x10: {  	s11 =	sadd.s32 s22, s2;
	s16 =	sadd.s32 s9, s3;
	s17 =	smul.u32 $0x2800, s4  }
0x11: {  	s22 =	simm.s32 $0x4;
	s4 =	simm.s32 $0x0;
	s7 =	sshrl.u32 s7, $0x3  }
0x12: {  	s8 =	sshrl.u32 s8, $0x3;
	s24 =	sadd.s32 $0x4000, s11;
	s25 =	sadd.s32 $0x8000, s11  }
0x13: {  	s26 =	sadd.s32 $0xC000, s11;
	s15 =	sadd.s32 $0x10000, s11;
	[dreg:$0x8] =	wrdreg s24  }
0x14: {  	s20 =	smax.u32 s21, $0x1;
	s21 =	simm.s32 $0x14280;
	[dreg:$0x9] =	wrdreg s25  }
0x15: {  	s7 =	sadd.s32 s7, s0;
	s0 =	sadd.s32 s8, s0;
	[dreg:$0xa] =	wrdreg s26  }
0x16: {  	s25 =	simm.s32 $0x19480;
	s24 =	simm.s32 $0x2;
	s26 =	simm.s32 $0x3  }
0x17: {  	v0 =	vimm.f32 $0.0e+00;
	s18 =	sadd.s32 $0x34400, s7;
	s19 =	sadd.s32 $0x33A00, s0;
	s0 =	simm.s32 $0x1  }
.LBB2_1:
0x18: {  	s7 =	rddreg [dreg:$0x5]  }
0x19: {  	[tilespmem:s21], [sflag:$0x4] =	stream.linear.gather [hbm4b:s7+s5], $0x2800, $0x38;
	[tilespmem:$0x1D700] =	vst v63  }
0x1a: {  	_ =	swait.ge [sflag:s22], $0x2800  }
0x1b: {  	[sflag:s22] =	ssyncset.done $0x0  }
0x1c: {  	s13 =	rddreg [dreg:$0x6];
	[sflag:s22] =	ssyncadd.s32 $0xFFFFD800  }
0x1d: {  	[tilespmem:s23], [sflag:$0x4] =	stream.linear.gather [hbm4b:s13+s5], $0x2800, $0x38;
	[tilespmem:$0x1D700] =	vst v63  }
0x1e: {  	_ =	swait.ge [sflag:s22], $0x2800  }
0x1f: {  	[sflag:s22] =	ssyncset.done $0x0  }
0x20: {  	s8 =	simm.s32 $0x19280;
	s14 =	rddreg [dreg:$0x7];
	[sflag:s22] =	ssyncadd.s32 $0xFFFFD800  }
0x21: {  	[tilespmem:s8], [sflag:$0x4] =	stream.linear.gather [hbm4b:s14+s5], $0x80, $0x38;
	[tilespmem:$0x1D700] =	vst v63  }
0x22: {  	_ =	swait.ge [sflag:s22], $0x80  }
0x23: {  	[sflag:s22] =	ssyncset.done $0x0  }
0x24: {  	s7 =	simm.s32 $0x0;
	s8 =	simm.s32 $0x200;
	[sflag:s22] =	ssyncadd.s32 $0xFFFFFF80  }
.LBB2_2:
0x25: {  	p0 =	sne.s32 s8, $0xFE00;
	[tilespmem:s7+$0x194F0] =	vst v0  }
0x26: {  	[tilespmem:s7+$0x19480] =	vst v0  }
0x27: {  	[tilespmem:s7+$0x19490] =	vst v0  }
.Ltmp0:
0x28: {  	[tilespmem:s7+$0x194A0] =	vst v0;
	(pc) =	sbr.rel @p0 .LBB2_2-.Ltmp0, $4  }
0x29: {  	[tilespmem:s7+$0x194B0] =	vst v0  }
0x2a: {  	[tilespmem:s7+$0x194C0] =	vst v0  }
0x2b: {  	[tilespmem:s7+$0x194D0] =	vst v0  }
0x2c: {  	[tilespmem:s7+$0x194E0] =	vst v0;
	s7 =	sshra.s32 s8, $0x2;
	s8 =	sadd.s32 $0x200, s8  }
0x2d: {  	[tilespmem:s7+$0x194F0] =	vst v0  }
0x2e: {  	[tilespmem:s7+$0x19480] =	vst v0  }
0x2f: {  	[tilespmem:s7+$0x19490] =	vst v0  }
0x30: {  	[tilespmem:s7+$0x194A0] =	vst v0  }
0x31: {  	[tilespmem:s7+$0x194B0] =	vst v0  }
0x32: {  	[tilespmem:s7+$0x194C0] =	vst v0  }
0x33: {  	[tilespmem:s7+$0x194D0] =	vst v0  }
0x34: {  	[tilespmem:s7+$0x194E0] =	vst v0  }
0x35: {  	[tilespmem:$0x1D480] =	vst v0  }
0x36: {  	[tilespmem:$0x1D490] =	vst v0  }
0x37: {  	[tilespmem:$0x1D4A0] =	vst v0  }
0x38: {  	[tilespmem:$0x1D4B0] =	vst v0  }
0x39: {  	[tilespmem:$0x1D4C0] =	vst v0  }
0x3a: {  	[tilespmem:$0x1D4D0] =	vst v0  }
0x3b: {  	[tilespmem:$0x1D4E0] =	vst v0  }
0x3c: {  	[tilespmem:$0x1D4F0] =	vst v0  }
0x3d: {  	[tilespmem:$0x1D500] =	vst v0  }
0x3e: {  	[tilespmem:$0x1D510] =	vst v0  }
0x3f: {  	[tilespmem:$0x1D520] =	vst v0  }
0x40: {  	[tilespmem:$0x1D530] =	vst v0  }
0x41: {  	[tilespmem:$0x1D540] =	vst v0  }
0x42: {  	[tilespmem:$0x1D550] =	vst v0  }
0x43: {  	[tilespmem:$0x1D560] =	vst v0  }
0x44: {  	[tilespmem:$0x1D570] =	vst v0  }
0x45: {  	[tilespmem:$0x1D580] =	vst v0  }
0x46: {  	[tilespmem:$0x1D590] =	vst v0  }
0x47: {  	[tilespmem:$0x1D5A0] =	vst v0  }
0x48: {  	[tilespmem:$0x1D5B0] =	vst v0  }
0x49: {  	[tilespmem:$0x1D5C0] =	vst v0  }
0x4a: {  	[tilespmem:$0x1D5D0] =	vst v0  }
0x4b: {  	[tilespmem:$0x1D5E0] =	vst v0  }
0x4c: {  	[tilespmem:$0x1D5F0] =	vst v0  }
0x4d: {  	[tilespmem:$0x1D600] =	vst v0  }
0x4e: {  	[tilespmem:$0x1D610] =	vst v0  }
0x4f: {  	[tilespmem:$0x1D620] =	vst v0  }
0x50: {  	[tilespmem:$0x1D630] =	vst v0  }
0x51: {  	[tilespmem:$0x1D640] =	vst v0  }
0x52: {  	[tilespmem:$0x1D650] =	vst v0  }
0x53: {  	[tilespmem:$0x1D660] =	vst v0  }
0x54: {  	[tilespmem:$0x1D670] =	vst v0  }
0x55: {  	[tilespmem:$0x1D680] =	vst v0  }
0x56: {  	[tilespmem:$0x1D690] =	vst v0  }
0x57: {  	[tilespmem:$0x1D6A0] =	vst v0  }
0x58: {  	[tilespmem:$0x1D6B0] =	vst v0  }
0x59: {  	[tilespmem:$0x1D6C0] =	vst v0  }
0x5a: {  	[tilespmem:$0x1D6D0] =	vst v0  }
0x5b: {  	[tilespmem:$0x1D6E0] =	vst v0  }
0x5c: {  	[tilespmem:$0x1D6F0] =	vst v0  }
0x5d: {  	[spmem:s11] =	stream.linear.scatter [tilespmem:s25], [sflag:$0x4], $0x4000, $0x38;
	[tilespmem:$0x1D700] =	vst v63  }
0x5e: {  	_ =	swait.ge [sflag:s22], $0x4000  }
0x5f: {  	[sflag:s22] =	ssyncset.done $0x0  }
0x60: {  	s9 =	rddreg [dreg:$0x8];
	[sflag:s22] =	ssyncadd.s32 $0xFFFFC000  }
0x61: {  	[spmem:s9] =	stream.linear.scatter [tilespmem:s25], [sflag:$0x4], $0x4000, $0x38;
	[tilespmem:$0x1D700] =	vst v63  }
0x62: {  	_ =	swait.ge [sflag:s22], $0x4000  }
0x63: {  	[sflag:s22] =	ssyncset.done $0x0  }
0x64: {  	s12 =	rddreg [dreg:$0x9];
	[sflag:s22] =	ssyncadd.s32 $0xFFFFC000  }
0x65: {  	[spmem:s12] =	stream.linear.scatter [tilespmem:s25], [sflag:$0x4], $0x4000, $0x38;
	[tilespmem:$0x1D700] =	vst v63  }
0x66: {  	_ =	swait.ge [sflag:s22], $0x4000  }
0x67: {  	[sflag:s22] =	ssyncset.done $0x0  }
0x68: {  	s13 =	rddreg [dreg:$0xa];
	[sflag:s22] =	ssyncadd.s32 $0xFFFFC000  }
0x69: {  	[spmem:s13] =	stream.linear.scatter [tilespmem:s25], [sflag:$0x4], $0x4000, $0x38;
	[tilespmem:$0x1D700] =	vst v63  }
0x6a: {  	_ =	swait.ge [sflag:s22], $0x4000  }
0x6b: {  	[sflag:s22] =	ssyncset.done $0x0  }
0x6c: {  	[sflag:s22] =	ssyncadd.s32 $0xFFFFC000  }
0x6d: {  	[spmem:s15] =	stream.linear.scatter [tilespmem:s25], [sflag:$0x4], $0x4000, $0x38;
	[tilespmem:$0x1D700] =	vst v63  }
0x6e: {  	_ =	swait.ge [sflag:s22], $0x4000  }
0x6f: {  	[sflag:s22] =	ssyncset.done $0x0  }
0x70: {  	s14 =	simm.s32 $0x1D480;
	[sflag:s22] =	ssyncadd.s32 $0xFFFFC000  }
0x71: {  	[spmem:s16] =	stream.linear.scatter [tilespmem:s14], [sflag:$0x4], $0x280, $0x38;
	[tilespmem:$0x1D700] =	vst v63  }
0x72: {  	_ =	swait.ge [sflag:s22], $0x280  }
0x73: {  	[sflag:s22] =	ssyncset.done $0x0  }
0x74: {  	[sflag:s22] =	ssyncadd.s32 $0xFFFFFD80  }
0x75: {  	s7 =	simm.s32 $0x0;
	s8 =	simm.s32 $0x0;
	v1 =	vld [tilespmem:$0x19280];
	[bflag:$0x0] =	sbarrier.arrive $0xFFFF  }
.LBB2_4:
0x76: {  	s9 =	sshll.u32 s8, $0x7  }
0x77: {  	s12 =	sand.u32 $0x3C00, s9  }
0x78: {  	s9 =	sand.u32 $0x380, s9;
	s12 =	sadd.s32 s17, s12  }
0x79: {  	s9 =	sor.u32 s9, s12  }
0x7a: {  	s9 =	sshrl.u32 s9, $0x3  }
0x7b: {  	s14 =	sadd.s32 s1, s9  }
0x7c: {  	[tilespmem:s28], [sflag:$0x4] =	stream.linear.gather [hbm4b:s14+s7], $0x80, $0x38;
	[tilespmem:$0x1D700] =	vst v63  }
0x7d: {  	_ =	swait.ge [sflag:s22], $0x80  }
0x7e: {  	[sflag:s22] =	ssyncset.done $0x0  }
0x7f: {  	s9 =	sadd.s32 s10, s9;
	[sflag:s22] =	ssyncadd.s32 $0xFFFFFF80  }
0x80: {  	[tilespmem:s29], [sflag:$0x4] =	stream.linear.gather [hbm4b:s9+s7], $0x80, $0x38;
	[tilespmem:$0x1D700] =	vst v63  }
0x81: {  	_ =	swait.ge [sflag:s22], $0x80  }
0x82: {  	[sflag:s22] =	ssyncset.done $0x0  }
0x83: {  	[sflag:s22] =	ssyncadd.s32 $0xFFFFFF80  }
0x84: {  	[tilespmem:s25], [sflag:$0x1] =	stream.indirect.gather [hbm4b:s6+s30], $0x80, s28, s30, $0xb8;
	[tilespmem:$0x1D700] =	vst v63  }
0x85: {  	v2 =	vld [tilespmem:$0x19300]  }
0x86: {  	v3 =	vld [tilespmem:$0x19380];
	_ =	sdelay $0x6  }
0x87: {  	v2 =	vld.idx.msk [tilespmem:v2+s21+$0x0], $0xffff  }
0x88: {  	v3 =	vld.idx.msk [tilespmem:v3+s23+$0x0], $0xffff;
	_ =	sdelay $0x4  }
0x89: {  	v2 =	vadd.f32 v3, v2;
	_ =	sdelay $0x1  }
0x8a: {  	v3 =	vadd.f32 v3, v1;
	v4 =	vmul.f32 $2.000000030e-01, v2  }
0x8b: {  	vm0 =	vge.f32 v2, $0.0e+00  }
0x8c: {  	v3 =	vmax.f32 v3, $0.0e+00;
	v2 =	vsel vm0, v2, v4  }
0x8d: {  	v2 =	vsub.f32 v2, v3;
	_ =	sdelay $0x1  }
0x8e: {  	v2 =	vmul.f32 $1.442695020e+00, v2;
	_ =	sdelay $0x1  }
0x8f: {  	(erf) = vpow2.f32 v2;
	_ =	sdelay $0x2  }
0x90: {  	v2 =	vld [tilespmem:$0x19310]  }
0x91: {  	v3 =	vld [tilespmem:$0x19390];
	_ =	sdelay $0x4  }
0x92: {  	v4 =	vpop (erf)  }
0x93: {  	[tilespmem:$0x19400] =	vst v4  }
0x94: {  	v2 =	vld.idx.msk [tilespmem:v2+s21+$0x0], $0xffff  }
0x95: {  	v3 =	vld.idx.msk [tilespmem:v3+s23+$0x0], $0xffff;
	_ =	sdelay $0x4  }
0x96: {  	v2 =	vadd.f32 v3, v2;
	_ =	sdelay $0x1  }
0x97: {  	v3 =	vadd.f32 v3, v1;
	v4 =	vmul.f32 $2.000000030e-01, v2  }
0x98: {  	vm9 =	vge.f32 v2, $0.0e+00  }
0x99: {  	v3 =	vmax.f32 v3, $0.0e+00;
	v2 =	vsel vm9, v2, v4  }
0x9a: {  	v2 =	vsub.f32 v2, v3;
	_ =	sdelay $0x1  }
0x9b: {  	v2 =	vmul.f32 $1.442695020e+00, v2;
	_ =	sdelay $0x1  }
0x9c: {  	(erf) = vpow2.f32 v2;
	_ =	sdelay $0x2  }
0x9d: {  	v2 =	vld [tilespmem:$0x19320]  }
0x9e: {  	v3 =	vld [tilespmem:$0x193A0];
	_ =	sdelay $0x4  }
0x9f: {  	v4 =	vpop (erf)  }
0xa0: {  	[tilespmem:$0x19410] =	vst v4  }
0xa1: {  	v2 =	vld.idx.msk [tilespmem:v2+s21+$0x0], $0xffff  }
0xa2: {  	v3 =	vld.idx.msk [tilespmem:v3+s23+$0x0], $0xffff;
	_ =	sdelay $0x4  }
0xa3: {  	v2 =	vadd.f32 v3, v2;
	_ =	sdelay $0x1  }
0xa4: {  	v3 =	vadd.f32 v3, v1;
	v4 =	vmul.f32 $2.000000030e-01, v2  }
0xa5: {  	vm10 =	vge.f32 v2, $0.0e+00  }
0xa6: {  	v3 =	vmax.f32 v3, $0.0e+00;
	v2 =	vsel vm10, v2, v4  }
0xa7: {  	v2 =	vsub.f32 v2, v3;
	_ =	sdelay $0x1  }
0xa8: {  	v2 =	vmul.f32 $1.442695020e+00, v2;
	_ =	sdelay $0x1  }
0xa9: {  	(erf) = vpow2.f32 v2;
	_ =	sdelay $0x2  }
0xaa: {  	v2 =	vld [tilespmem:$0x19330]  }
0xab: {  	v3 =	vld [tilespmem:$0x193B0];
	_ =	sdelay $0x4  }
0xac: {  	v4 =	vpop (erf)  }
0xad: {  	[tilespmem:$0x19420] =	vst v4  }
0xae: {  	v2 =	vld.idx.msk [tilespmem:v2+s21+$0x0], $0xffff  }
0xaf: {  	v3 =	vld.idx.msk [tilespmem:v3+s23+$0x0], $0xffff;
	_ =	sdelay $0x4  }
0xb0: {  	v2 =	vadd.f32 v3, v2;
	_ =	sdelay $0x1  }
0xb1: {  	v3 =	vadd.f32 v3, v1;
	v4 =	vmul.f32 $2.000000030e-01, v2  }
0xb2: {  	vm11 =	vge.f32 v2, $0.0e+00  }
0xb3: {  	v3 =	vmax.f32 v3, $0.0e+00;
	v2 =	vsel vm11, v2, v4  }
0xb4: {  	v2 =	vsub.f32 v2, v3;
	_ =	sdelay $0x1  }
0xb5: {  	v2 =	vmul.f32 $1.442695020e+00, v2;
	_ =	sdelay $0x1  }
0xb6: {  	(erf) = vpow2.f32 v2;
	_ =	sdelay $0x2  }
0xb7: {  	v2 =	vld [tilespmem:$0x19340]  }
0xb8: {  	v3 =	vld [tilespmem:$0x193C0];
	_ =	sdelay $0x4  }
0xb9: {  	v4 =	vpop (erf)  }
0xba: {  	[tilespmem:$0x19430] =	vst v4  }
0xbb: {  	v2 =	vld.idx.msk [tilespmem:v2+s21+$0x0], $0xffff  }
0xbc: {  	v3 =	vld.idx.msk [tilespmem:v3+s23+$0x0], $0xffff;
	_ =	sdelay $0x4  }
0xbd: {  	v2 =	vadd.f32 v3, v2;
	_ =	sdelay $0x1  }
0xbe: {  	v3 =	vadd.f32 v3, v1;
	v4 =	vmul.f32 $2.000000030e-01, v2  }
0xbf: {  	vm12 =	vge.f32 v2, $0.0e+00  }
0xc0: {  	v3 =	vmax.f32 v3, $0.0e+00;
	v2 =	vsel vm12, v2, v4  }
0xc1: {  	v2 =	vsub.f32 v2, v3;
	_ =	sdelay $0x1  }
0xc2: {  	v2 =	vmul.f32 $1.442695020e+00, v2;
	_ =	sdelay $0x1  }
0xc3: {  	(erf) = vpow2.f32 v2;
	_ =	sdelay $0x2  }
0xc4: {  	v2 =	vld [tilespmem:$0x19350]  }
0xc5: {  	v3 =	vld [tilespmem:$0x193D0];
	_ =	sdelay $0x4  }
0xc6: {  	v4 =	vpop (erf)  }
0xc7: {  	[tilespmem:$0x19440] =	vst v4  }
0xc8: {  	v2 =	vld.idx.msk [tilespmem:v2+s21+$0x0], $0xffff  }
0xc9: {  	v3 =	vld.idx.msk [tilespmem:v3+s23+$0x0], $0xffff;
	_ =	sdelay $0x4  }
0xca: {  	v2 =	vadd.f32 v3, v2;
	_ =	sdelay $0x1  }
0xcb: {  	v3 =	vadd.f32 v3, v1;
	v4 =	vmul.f32 $2.000000030e-01, v2  }
0xcc: {  	vm13 =	vge.f32 v2, $0.0e+00  }
0xcd: {  	v3 =	vmax.f32 v3, $0.0e+00;
	v2 =	vsel vm13, v2, v4  }
0xce: {  	v2 =	vsub.f32 v2, v3;
	_ =	sdelay $0x1  }
0xcf: {  	v2 =	vmul.f32 $1.442695020e+00, v2;
	_ =	sdelay $0x1  }
0xd0: {  	(erf) = vpow2.f32 v2;
	_ =	sdelay $0x2  }
0xd1: {  	v2 =	vld [tilespmem:$0x19360]  }
0xd2: {  	v3 =	vld [tilespmem:$0x193E0];
	_ =	sdelay $0x4  }
0xd3: {  	v4 =	vpop (erf)  }
0xd4: {  	[tilespmem:$0x19450] =	vst v4  }
0xd5: {  	v2 =	vld.idx.msk [tilespmem:v2+s21+$0x0], $0xffff  }
0xd6: {  	v3 =	vld.idx.msk [tilespmem:v3+s23+$0x0], $0xffff;
	_ =	sdelay $0x4  }
0xd7: {  	v2 =	vadd.f32 v3, v2;
	_ =	sdelay $0x1  }
0xd8: {  	v3 =	vadd.f32 v3, v1;
	v4 =	vmul.f32 $2.000000030e-01, v2  }
0xd9: {  	vm14 =	vge.f32 v2, $0.0e+00  }
0xda: {  	v3 =	vmax.f32 v3, $0.0e+00;
	v2 =	vsel vm14, v2, v4  }
0xdb: {  	v2 =	vsub.f32 v2, v3;
	_ =	sdelay $0x1  }
0xdc: {  	v2 =	vmul.f32 $1.442695020e+00, v2;
	_ =	sdelay $0x1  }
0xdd: {  	(erf) = vpow2.f32 v2;
	_ =	sdelay $0x2  }
0xde: {  	v2 =	vld [tilespmem:$0x19370]  }
0xdf: {  	v3 =	vld [tilespmem:$0x193F0];
	_ =	sdelay $0x4  }
0xe0: {  	v4 =	vpop (erf)  }
0xe1: {  	[tilespmem:$0x19460] =	vst v4  }
0xe2: {  	v2 =	vld.idx.msk [tilespmem:v2+s21+$0x0], $0xffff  }
0xe3: {  	v3 =	vld.idx.msk [tilespmem:v3+s23+$0x0], $0xffff;
	_ =	sdelay $0x4  }
0xe4: {  	v2 =	vadd.f32 v3, v2;
	_ =	sdelay $0x1  }
0xe5: {  	v3 =	vadd.f32 v3, v1;
	v4 =	vmul.f32 $2.000000030e-01, v2  }
0xe6: {  	vm15 =	vge.f32 v2, $0.0e+00  }
0xe7: {  	v3 =	vmax.f32 v3, $0.0e+00;
	v2 =	vsel vm15, v2, v4  }
0xe8: {  	v2 =	vsub.f32 v2, v3;
	_ =	sdelay $0x1  }
0xe9: {  	v2 =	vmul.f32 $1.442695020e+00, v2;
	_ =	sdelay $0x1  }
0xea: {  	(erf) = vpow2.f32 v2;
	_ =	sdelay $0x8  }
0xeb: {  	v2 =	vpop (erf)  }
0xec: {  	[tilespmem:$0x19470] =	vst v2  }
0xed: {  	[spmem:s3] =	stream.indirect.scatter.add.f32 [tilespmem:s31], [sflag:$0x3], $0x1, s29, s30, $0xb8;
	[tilespmem:$0x1D700] =	vst v63  }
0xee: {  	_ =	swait.ge [sflag:s0], $0x4000  }
0xef: {  	v2 =	vmov s7;
	[sflag:s0] =	ssyncset.done $0x0  }
0xf0: {  	s9 =	simm.s32 $0x194C0;
	[sflag:s0] =	ssyncadd.s32 $0xFFFFC000  }
0xf1: {  	v6 =	vld [tilespmem:s9+$0x30]  }
0xf2: {  	v9 =	vld [tilespmem:s9+$0x10]  }
0xf3: {  	v7 =	vld [tilespmem:s9+$0xFFFFFFC0]  }
0xf4: {  	v3 =	vld.idx.msk [tilespmem:v2+s31+$0x0], $0xffff  }
0xf5: {  	v11 =	vld [tilespmem:s9+$0xFFFFFFE0]  }
0xf6: {  	v2 =	vld [tilespmem:s9+$0xFFFFFFF0]  }
0xf7: {  	v4 =	vld [tilespmem:s9+$0x20]  }
0xf8: {  	v5 =	vld [tilespmem:s9+$0xFFFFFFD0]  }
0xf9: {  	v10 =	vmul.f32 v6, v3;
	v6 =	vld [tilespmem:s9+$0x0]  }
0xfa: {  	v8 =	vmul.f32 v7, v3  }
0xfb: {  	s13 =	simm.s32 $0x194C0;
	s12 =	simm.s32 $0x1;
	v7 =	vmul.f32 v11, v3;
	v9 =	vmul.f32 v9, v3  }
.LBB2_5:
0xfc: {  	p0 =	sne.s32 s12, $0x7F  }
0xfd: {  	v5 =	vmul.f32 v5, v3;
	v4 =	vmul.f32 v4, v3;
	[tilespmem:s9+$0x30] =	vst v10;
	s13 =	sadd.s32 $0x80, s13;
	s14 =	smov.u32 s12;
	s12 =	sadd.s32 $0x1, s12  }
0xfe: {  	[tilespmem:s9+$0xFFFFFFC0] =	vst v8;
	v8 =	vmul.f32 v2, v3;
	v3 =	vmul.f32 v6, v3  }
0xff: {  	[tilespmem:s9+$0x10] =	vst v9  }
0x100: {  	v6 =	vmov s14;
	[tilespmem:s9+$0xFFFFFFE0] =	vst v7  }
0x101: {  	v2 =	vld [tilespmem:s13+$0xFFFFFFF0];
	[tilespmem:s9+$0xFFFFFFF0] =	vst v8  }
0x102: {  	v7 =	vld [tilespmem:s13+$0x30];
	[tilespmem:s9+$0x0] =	vst v3  }
0x103: {  	v9 =	vld [tilespmem:s13+$0x10];
	[tilespmem:s9+$0x20] =	vst v4  }
0x104: {  	v8 =	vld [tilespmem:s13+$0xFFFFFFC0];
	[tilespmem:s9+$0xFFFFFFD0] =	vst v5;
	s9 =	smov.u32 s13  }
0x105: {  	v3 =	vld.idx.msk [tilespmem:v6+s31+$0x0], $0xffff  }
0x106: {  	v11 =	vld [tilespmem:s13+$0xFFFFFFE0]  }
0x107: {  	v4 =	vld [tilespmem:s13+$0x20]  }
.Ltmp1:
0x108: {  	v5 =	vld [tilespmem:s13+$0xFFFFFFD0];
	(pc) =	sbr.rel @p0 .LBB2_5-.Ltmp1, $3  }
0x109: {  	v6 =	vld [tilespmem:s13+$0x0];
	_ =	sdelay $0x1  }
0x10a: {  	v8 =	vmul.f32 v8, v3;
	v10 =	vmul.f32 v7, v3  }
0x10b: {  	v9 =	vmul.f32 v9, v3;
	v7 =	vmul.f32 v11, v3  }
0x10c: {  	[tilespmem:s9+$0x30] =	vst v10  }
0x10d: {  	[tilespmem:s9+$0xFFFFFFC0] =	vst v8  }
0x10e: {  	v2 =	vmul.f32 v2, v3;
	[tilespmem:s9+$0x10] =	vst v9  }
0x10f: {  	v4 =	vmul.f32 v4, v3;
	[tilespmem:s9+$0xFFFFFFE0] =	vst v7  }
0x110: {  	v6 =	vmul.f32 v6, v3;
	[tilespmem:s9+$0xFFFFFFF0] =	vst v2  }
0x111: {  	v2 =	vmul.f32 v5, v3;
	[tilespmem:s9+$0x20] =	vst v4  }
0x112: {  	[tilespmem:s9+$0x0] =	vst v6  }
0x113: {  	s8 =	sadd.s32 $0x1, s8;
	[tilespmem:s9+$0xFFFFFFD0] =	vst v2  }
0x114: {  	[spmem:s2] =	stream.indirect.scatter.add.f32 [tilespmem:s25], [sflag:$0x2], $0x80, s29, s30, $0xb8;
	[tilespmem:$0x1D700] =	vst v63  }
0x115: {  	p0 =	sne.s32 s8, $0x4F;
	_ =	swait.ge [sflag:s24], $0x4000  }
.Ltmp2:
0x116: {  	[sflag:s24] =	ssyncset.done $0x0;
	(pc) =	sbr.rel @p0 .LBB2_4-.Ltmp2, $4  }
0x117: {  	[sflag:s24] =	ssyncadd.s32 $0xFFFFC000  }
0x118: {  	_ =	swait.ge [sflag:s26], $0x80  }
0x119: {  	[sflag:s26] =	ssyncset.done $0x0  }
0x11a: {  	[sflag:s26] =	ssyncadd.s32 $0xFFFFFF80  }
0x11b: {  	s7 =	stileid.u32  }
0x11c: {  	s7 =	sshll.u32 s7, $0x6  }
0x11d: {  	[bflag:$0x0] =	sbarrier.arrive $0xFFFF;
	s8 =	sshrl.u32 s11, $0x3;
	s7 =	sor.u32 $0x1C04, s7  }
0x11e: {  	[hbm:s18], [sflag:s7] =	dma.local [spmem:s8], $0x2800  }
0x11f: {  	s14 =	sshrl.u32 s16, $0x3;
	s4 =	sadd.s32 $0x1, s4;
	_ =	swait.ge [sflag:s22], $0x2800  }
0x120: {  	s9 =	simm.s32 $0x20;
	p0 =	sne.s32 s4, s20;
	[sflag:s22] =	ssyncset.done $0x0  }
.Ltmp3:
0x121: {  	s12 =	simm.s32 $0x10;
	[sflag:s22] =	ssyncadd.s32 $0xFFFFD800;
	(pc) =	sbr.rel @p0 .LBB2_1-.Ltmp3, $4  }
0x122: {  	[hbm:s19@s9], [sflag:s7] =	dma.strided [spmem:s14@s12], $0x50, s0, $0x10   }
0x123: {  	_ =	swait.ge [sflag:s22], $0x50  }
0x124: {  	[sflag:s22] =	ssyncset.done $0x0  }
0x125: {  	[sflag:s22] =	ssyncadd.s32 $0xFFFFFFB0  }
0x126: {  	_ =	sfence.sel $0x180000  }
0x127: {  	[bflag:$0x0] =	sbarrier.arrive $0xFFFF  }
0x128: {  	_ =	strace $0x90000047  }
0x129: {  	s0 =	stileid.u32;
	[bflag:$0x2] =	sbarrier.arrive $0xFFFF  }
0x12a: {  	p0 =	sne.s32 s0, $0x0;
	s0 =	rddreg [dreg:$0x4]  }
0x12b: {  	s0 =	sadd.s32 @!p0 $0x100000, s0  }
0x12c: {  	[sflag:s0] =	ssyncadd.tile.s32 @!p0 $0x1;
	_ =	shalt  }
.Lfunc_end2:
_tile_overlayer_lowered:
.L_overlay_start_2:
0x12d: {  	(tag) =	ssettag $0x2  }
0x12e: {  	s0 =	rddreg [dreg:$0x0];
	s2 =	stileid.u32  }
0x12f: {  	s1 =	rddreg [dreg:$0x1];
	p0 =	sne.s32 s2, $0x0  }
0x130: {  	s3 =	rddreg [dreg:$0x2];
	[bflag:$0x3] =	sbarrier.arrive $0xFFFF;
	s2 =	simm.s32 @!p0 $0x1C04  }
0x131: {  	[timem:s3], [sflag:s2] =	dma.local @!p0 [hbm:s0], s1  }
0x132: {  	s0 =	simm.s32 @!p0 $0x4  }
0x133: {  	_ =	swait.ge @!p0 [sflag:s0], s1  }
0x134: {  	s1 =	ssub.s32 @!p0 $0x0, s1;
	[sflag:s0] =	ssyncset.done @!p0 $0x0  }
0x135: {  	[sflag:s0] =	ssyncadd.s32 @!p0 s1  }
0x136: {  	[bflag:$0x3] =	sbarrier.arrive $0xFFFF  }
0x137: {  	_ =	shalt  }

// kernel: kernel.18.cloned.1.call-start
scs
__scs_entry_jumppad:
0x0: {  	(pc) =	sbr.rel $0x88, $3  }
0x1: {  	(tag) =	ssettag $0x0;
	lr =	simm.s32 $0x1  }
0x2: {  	[smem:$0x3F99] =	sst lr;
	_ =	strace $0xD0000000  }
0x3: {  	_ = 	snop  }
0x4: {  	_ = 	snop  }
0x5: {  	_ = 	snop  }
0x6: {  	_ = 	snop  }
0x7: {  	_ = 	snop  }
__scs_overlays_trampoline_lowered:
0x8: {  	[smem:$0x3FA8] =	sst s0  }
0x9: {  	[smem:$0x3FA9] =	sst s1  }
0xa: {  	[smem:$0x3FAA] =	sst s2  }
0xb: {  	[smem:$0x3FAB] =	sst s3  }
0xc: {  	[smem:$0x3FAC] =	sst s4  }
0xd: {  	[smem:$0x3FAD] =	sst s5  }
0xe: {  	[smem:$0x3FAE] =	sst s6  }
0xf: {  	[smem:$0x3FAF] =	sst s7  }
0x10: {  	[smem:$0x3FB0] =	sst s8  }
0x11: {  	[smem:$0x3FB1] =	sst s9;
	s0 =	simm.s32 @!p0 $0x0  }
0x12: {  	s1 =	sld [smem:$0x3F97];
	s0 =	simm.s32 @p0 $0x1  }
0x13: {  	[smem:$0x3FB2] =	sst s0;
	s0 =	simm.s32 @!p1 $0x0  }
0x14: {  	s2 =	sld [smem:$0x3F96];
	s0 =	simm.s32 @p1 $0x1  }
0x15: {  	[smem:$0x3FB3] =	sst s0;
	s0 =	simm.s32 @!p2 $0x0  }
0x16: {  	s3 =	sld [smem:$0x3FDB];
	s0 =	simm.s32 @p2 $0x1  }
0x17: {  	s4 =	simm.s32 $0x1BF5;
	[smem:$0x3FB5] =	sst s0  }
0x18: {  	s0 =	sld [smem:$0x3F98];
	_ =	swait.ge [sflag:s4], $0x0  }
0x19: {  	s7 =	sld [smem:$0x3F99]  }
0x1a: {  	s8 =	sadd.s32 $0xFFFFE003, lr  }
0x1b: {  	s9 =	sadd.s32 $0xFFFFFEF7, lr;
	s5 =	simm.s32 $0xFFFFFFFF;
	p2 =	slt.u32 s8, $0xFFFFF086  }
0x1c: {  	p1 =	slt.u32 s9, $0xF7A;
	s5 =	simm.s32 @!p2 $0x0  }
0x1d: {  	s5 =	simm.s32 @p1 $0x1;
	p0 =	seq.s32 s7, s2  }
0x1e: {  	s7 =	smul.u32 @!p0 $0xF7A, s2;
	p2 =	seq.s32 @!p0 s5, $0x0  }
0x1f: {  	s9 =	smul.u32 $0xF7A, s1;
	s8 =	simm.s32 @!p0 $0x1BF5;
	p2 =	por !p2, p0  }
0x20: {  	[sflag:s8] =	ssyncset.s32 @!p0 $0xFFFFF086;
	s6 =	sadd.s32 @!p0 s3, s7;
	s7 =	simm.s32 @!p0 $0x108  }
0x21: {  	s3 =	sadd.s32 s3, s9;
	s6 =	sadd.s32 @!p0 $0x88, s6;
	s7 =	simm.s32 @p2 $0x1082  }
0x22: {  	[simem:s7], [sflag:s8] =	dma.local @!p0 [hbm:s6], $0xF7A  }
0x23: {  	s9 =	sor.u32 $0xD0000000, s2;
	s6 =	simm.s32 $0x108;
	_ =	swait.ge @!p0 [sflag:s8], $0x0  }
0x24: {  	s3 =	sadd.s32 $0x88, s3;
	s6 =	simm.s32 @!p1 $0x1082;
	[sflag:s4] =	ssyncset.s32 $0xFFFFF086  }
0x25: {  	[simem:s6], [sflag:s4] =	dma.local [hbm:s3], $0xF7A  }
0x26: {  	[smem:$0x3F99] =	sst s1;
	(tag) =	ssettag s2;
	_ =	strace s9  }
0x27: {  	s1 =	sld [smem:$0x3FA9]  }
0x28: {  	s2 =	sld [smem:$0x3FAA]  }
0x29: {  	s4 =	sld [smem:$0x3FAC]  }
0x2a: {  	p0 =	seq.s32 s5, $0x0;
	s5 =	sld [smem:$0x3FAD]  }
0x2b: {  	s6 =	sld [smem:$0x3FAE]  }
0x2c: {  	s7 =	sld [smem:$0x3FAF]  }
0x2d: {  	s3 =	simm.s32 $0x108;
	s8 =	sld [smem:$0x3FB0]  }
0x2e: {  	s3 =	simm.s32 @!p0 $0x1082;
	s9 =	sld [smem:$0x3FB1]  }
0x2f: {  	lr =	sadd.s32 s0, s3;
	s0 =	sld [smem:$0x3FA8]  }
0x30: {  	s3 =	sld [smem:$0x3FAB]  }
0x31: {  	[smem:$0x3FB4] =	sst s10  }
0x32: {  	s10 =	sld [smem:$0x3FB2];
	_ =	sdelay $0x3  }
0x33: {  	p0 =	seq.s32 s10, $0x1;
	s10 =	sld [smem:$0x3FB4];
	_ =	sdelay $0x3  }
0x34: {  	[smem:$0x3FB4] =	sst s10  }
0x35: {  	s10 =	sld [smem:$0x3FB3];
	_ =	sdelay $0x3  }
0x36: {  	p1 =	seq.s32 s10, $0x1;
	s10 =	sld [smem:$0x3FB4];
	_ =	sdelay $0x3  }
0x37: {  	[smem:$0x3FB4] =	sst s10  }
0x38: {  	s10 =	sld [smem:$0x3FB5]  }
0x39: {  	_ = 	snop;
	(pc) =	sbr.ind lr, $3  }
0x3a: {  	_ = 	snop  }
0x3b: {  	_ = 	snop  }
0x3c: {  	p2 =	seq.s32 s10, $0x1;
	s10 =	sld [smem:$0x3FB4]  }
0x3d: {  	_ =	shalt  }
0x3e: {  	_ =	shalt  }
0x3f: {  	_ =	shalt  }
0x40: {  	_ =	shalt  }
0x41: {  	_ =	shalt  }
0x42: {  	_ =	shalt  }
0x43: {  	_ =	shalt  }
0x44: {  	_ =	shalt  }
0x45: {  	_ =	shalt  }
0x46: {  	_ =	shalt  }
0x47: {  	_ =	shalt  }
0x48: {  	_ =	shalt  }
0x49: {  	_ =	shalt  }
0x4a: {  	_ =	shalt  }
0x4b: {  	_ =	shalt  }
0x4c: {  	_ =	shalt  }
0x4d: {  	_ =	shalt  }
0x4e: {  	_ =	shalt  }
0x4f: {  	_ =	shalt  }
0x50: {  	_ =	shalt  }
0x51: {  	_ =	shalt  }
0x52: {  	_ =	shalt  }
0x53: {  	_ =	shalt  }
0x54: {  	_ =	shalt  }
0x55: {  	_ =	shalt  }
0x56: {  	_ =	shalt  }
0x57: {  	_ =	shalt  }
0x58: {  	_ =	shalt  }
0x59: {  	_ =	shalt  }
0x5a: {  	_ =	shalt  }
0x5b: {  	_ =	shalt  }
0x5c: {  	_ =	shalt  }
0x5d: {  	_ =	shalt  }
0x5e: {  	_ =	shalt  }
0x5f: {  	_ =	shalt  }
0x60: {  	_ =	shalt  }
0x61: {  	_ =	shalt  }
0x62: {  	_ =	shalt  }
0x63: {  	_ =	shalt  }
0x64: {  	_ =	shalt  }
0x65: {  	_ =	shalt  }
0x66: {  	_ =	shalt  }
0x67: {  	_ =	shalt  }
0x68: {  	_ =	shalt  }
0x69: {  	_ =	shalt  }
0x6a: {  	_ =	shalt  }
0x6b: {  	_ =	shalt  }
0x6c: {  	_ =	shalt  }
0x6d: {  	_ =	shalt  }
0x6e: {  	_ =	shalt  }
0x6f: {  	_ =	shalt  }
0x70: {  	_ =	shalt  }
0x71: {  	_ =	shalt  }
0x72: {  	_ =	shalt  }
0x73: {  	_ =	shalt  }
0x74: {  	_ =	shalt  }
0x75: {  	_ =	shalt  }
0x76: {  	_ =	shalt  }
0x77: {  	_ =	shalt  }
0x78: {  	_ =	shalt  }
0x79: {  	_ =	shalt  }
0x7a: {  	_ =	shalt  }
0x7b: {  	_ =	shalt  }
0x7c: {  	_ =	shalt  }
0x7d: {  	_ =	shalt  }
0x7e: {  	_ =	shalt  }
0x7f: {  	_ =	shalt  }
0x80: {  	_ =	shalt  }
0x81: {  	_ =	shalt  }
0x82: {  	_ =	shalt  }
0x83: {  	_ =	shalt  }
0x84: {  	_ =	shalt  }
0x85: {  	_ =	shalt  }
0x86: {  	_ =	shalt  }
0x87: {  	_ =	shalt  }
.Lfunc_end0:
.L_simem_size_0:
called_computation.1_lowered:
.L_overlay_start_0:
0x88: {  	s2 =	sld [smem:$0x3FD9]  }
0x89: {  	s3 =	sld [smem:$0x3FFE];
	_ =	sdelay $0x1  }
0x8a: {  	s1 =	srdreg.scid  }
0x8b: {  	s0 =	sand.u32 $0x1, s1  }
0x8c: {  	s17 =	sshll.u32 s0, $0xA;
	s2 =	sadd.s32 s3, s2  }
0x8d: {  	s2 =	sadd.s32 s2, s17  }
0x8e: {  	[smem:$0x3FC0] =	sst s2  }
0x8f: {  	_ = 	snop  }
0x90: {  	s2 =	sld [smem:$0x3FD0];
	(tm) =	ssettm $0x1  }
0x91: {  	s18 =	sld [smem:$0x3FFB];
	_ =	sdelay $0x3  }
0x92: {  	_ =	strace s18  }
0x93: {  	s3 =	sld [smem:$0x3FFC];
	_ =	sdelay $0x3  }
0x94: {  	_ =	strace s3  }
0x95: {  	s3 =	sld [smem:$0x3FFD];
	_ =	sdelay $0x3  }
0x96: {  	_ =	strace s3  }
0x97: {  	_ =	strace $0x8FFFFFFF  }
0x98: {  	s19 =	sld [smem:$0x3FDB];
	_ =	sdelay $0x1  }
0x99: {  	s4 =	simm.s32 $_scs_section_size  }
0x9a: {  	s5 =	simm.s32 $_size__tile_overlayer_lowered;
	s6 =	simm.s32 $_tile_overlayer_lowered  }
0x9b: {  	s22 =	simm.s32 $0x1BFF;
	s21 =	sshll.u32 s6, $0x1;
	s3 =	sadd.s32 s4, s19  }
0x9c: {  	s7 =	simm.s32 $0x0;
	s20 =	sshll.u32 s5, $0x1;
	s5 =	sadd.s32 s21, s3  }
0x9d: {  	[timem:s7], [sflag:s22] =	dma.local [hbm:s5], s20  }
0x9e: {  	_ =	swait.ge [sflag:s22], s20  }
0x9f: {  	s4 =	ssub.s32 $0x0, s20;
	[sflag:s22] =	ssyncset.done $0x0  }
0xa0: {  	[sflag:s22] =	ssyncadd.s32 s4;
	_ =	sdelay $0x1  }
0xa1: {  	s23 =	simm.s32 $0x1B8B  }
0xa2: {  	_ =	swait.ge [sflag:s23], $0x1  }
0xa3: {  	[sflag:s23] =	ssyncset.done $0x0  }
0xa4: {  	s25 =	simm.s32 $0x1B8E;
	s24 =	sld [smem:$0x3FFE];
	[sflag:s23] =	ssyncadd.s32 $0xFFFFFFFF  }
0xa5: {  	s26 =	simm.s32 $execute0_lowered;
	[smem:$0x3FD2] =	sst s25  }
0xa6: {  	s5 =	sshll.u32 s26, $0x1;
	_ =	strace $0x80000049;
	[dreg:$0x1] =	wrdreg $0xFFFFFFFF  }
0xa7: {  	s28 =	simm.s32 $_size_execute0_lowered;
	s3 =	sadd.s32 s3, s5;
	[dreg:$0x0] =	wrdreg $0x0  }
0xa8: {  	s5 =	sshll.u32 s28, $0x1;
	[dreg:$0x2] =	wrdreg s3  }
0xa9: {  	[dreg:$0x3] =	wrdreg s5  }
0xaa: {  	[dreg:$0x4] =	wrdreg $0xC0  }
0xab: {  	_ =	task [dreg:s7], $0x5FFFF  }
0xac: {  	[dreg:$0x1] =	wrdreg $0xFFFFFFFF  }
0xad: {  	[dreg:$0x0] =	wrdreg $0x60  }
0xae: {  	[dreg:$0x2] =	wrdreg s24  }
0xaf: {  	[dreg:$0x3] =	wrdreg s2  }
0xb0: {  	[dreg:$0x4] =	wrdreg $0x0  }
0xb1: {  	[dreg:$0x5] =	wrdreg $0x140000  }
0xb2: {  	[dreg:$0x6] =	wrdreg $0x9  }
0xb3: {  	_ =	task.clear_ibuf [dreg:s7], $0x7FFFF;
	_ =	strace $0x90000049  }
0xb4: {  	s29 =	simm.s32 $0x9;
	_ =	strace $0x8000004B  }
0xb5: {  	_ =	swait.ge [sflag:s29], $0x1  }
0xb6: {  	[sflag:s29] =	ssyncadd.s32 $0xFFFFFFFF  }
0xb7: {  	_ =	strace $0x9000004B  }
0xb8: {  	_ =	sfence  }
0xb9: {  	s30 =	sld [smem:$0x0];
	_ =	sdelay $0x2  }
0xba: {  	s31 =	sshll.u32 s1, $0xD;
	s1 =	sshrl.u32 s1, $0x2  }
0xbb: {  	s3 =	sand.u32 $0x4000, s31;
	s1 =	sadd.s32 s1, s30  }
0xbc: {  	s0 =	sor.u32 s3, s0;
	s1 =	sshll.u32 s1, $0x11  }
0xbd: {  	s0 =	sor.u32 s1, s0  }
0xbe: {  	s0 =	sadd.s32 $0x8F2B, s0  }
0xbf: {  	[sflag:s0] =	ssyncadd.remote.s32 $0x1  }
0xc0: {  	_ =	sfence.sel $0xFFFF  }
0xc1: {  	[dreg:$0x0] =	wrdreg $0xFFFFFFFF;
	(pc) =	sbr.abs _section_cstart, $3  }
0xc2: {  	[dreg:$0x1] =	wrdreg $0xFFFFFFFF  }
0xc3: {  	_ =	task.clear_ibuf [dreg:s7], $0x2FFFF;
	_ =	strace $0x9FFFFFFF  }
0xc4: {  	(tm) =	ssettm $0x7FFFFFFF  }
0xc5: {  	_ =	shalt  }
tec
execute0_lowered:
.L_overlay_start_1:
0x0: {  	(tag) =	ssettag $0x1  }
0x1: {  	s0 =	rddreg [dreg:$0x0]  }
0x2: {  	s1 =	rddreg [dreg:$0x1]  }
0x3: {  	s2 =	rddreg [dreg:$0x2]  }
0x4: {  	s3 =	rddreg [dreg:$0x3];
	s5 =	simm.s32 $0x0  }
0x5: {  	s4 =	srdreg.scid;
	s13 =	stileid.u32;
	s28 =	simm.s32 $0x19300  }
0x6: {  	s29 =	simm.s32 $0x19380;
	s30 =	simm.s32 $0x80;
	s31 =	simm.s32 $0x19400  }
0x7: {  	[smem:$0x7FF] =	sst s5;
	s4 =	sand.u32 $0x1, s4;
	s8 =	smul.u32 $0x14000, s13  }
0x8: {  	s6 =	sadd.s32 $0xC00, s0;
	s9 =	sadd.s32 $0x29400, s0;
	s18 =	smul.u32 $0x500, s13  }
0x9: {  	s16 =	sadd.s32 $0x28E00, s0;
	s17 =	sadd.s32 $0x28C00, s0;
	s11 =	smul.u32 $0x50000, s13  }
0xa: {  	s23 =	smul.u32 $0xA00, s13;
	_ =	strace $0x8000004A;
	[dreg:$0x5] =	wrdreg s9  }
0xb: {  	s10 =	sadd.s32 $0x29A00, s0;
	s7 =	smul.u32 $0x140000, s4;
	[dreg:$0x6] =	wrdreg s16  }
0xc: {  	[dreg:$0x7] =	wrdreg s17;
	s19 =	sshll.u32 s4, $0x7;
	s20 =	ssub.s32 $0x2, s4  }
0xd: {  	s4 =	sshll.u32 s4, $0x4;
	s12 =	sshrl.u32 s20, $0x1;
	s22 =	sshrl.u32 s11, $0x2  }
0xe: {  	s4 =	sor.u32 s13, s4;
	s9 =	sshrl.u32 s23, $0x2;
	s23 =	simm.s32 $0x16A80  }
0xf: {  	s7 =	sadd.s32 s8, s7;
	s8 =	sor.u32 s19, s18;
	s21 =	ssub.s32 s20, s12  }
0x10: {  	s11 =	sadd.s32 s22, s2;
	s16 =	sadd.s32 s9, s3;
	s17 =	smul.u32 $0x2800, s4  }
0x11: {  	s22 =	simm.s32 $0x4;
	s4 =	simm.s32 $0x0;
	s7 =	sshrl.u32 s7, $0x3  }
0x12: {  	s8 =	sshrl.u32 s8, $0x3;
	s24 =	sadd.s32 $0x4000, s11;
	s25 =	sadd.s32 $0x8000, s11  }
0x13: {  	s26 =	sadd.s32 $0xC000, s11;
	s15 =	sadd.s32 $0x10000, s11;
	[dreg:$0x8] =	wrdreg s24  }
0x14: {  	s20 =	smax.u32 s21, $0x1;
	s21 =	simm.s32 $0x14280;
	[dreg:$0x9] =	wrdreg s25  }
0x15: {  	s7 =	sadd.s32 s7, s0;
	s0 =	sadd.s32 s8, s0;
	[dreg:$0xa] =	wrdreg s26  }
0x16: {  	s25 =	simm.s32 $0x19480;
	s24 =	simm.s32 $0x2;
	s26 =	simm.s32 $0x3  }
0x17: {  	v0 =	vimm.f32 $0.0e+00;
	s18 =	sadd.s32 $0x34400, s7;
	s19 =	sadd.s32 $0x33A00, s0;
	s0 =	simm.s32 $0x1  }
.LBB2_1:
0x18: {  	s7 =	rddreg [dreg:$0x5]  }
0x19: {  	[tilespmem:s21], [sflag:$0x4] =	stream.linear.gather [hbm4b:s7+s5], $0x2800, $0x38;
	[tilespmem:$0x1D700] =	vst v63  }
0x1a: {  	_ =	swait.ge [sflag:s22], $0x2800  }
0x1b: {  	[sflag:s22] =	ssyncset.done $0x0  }
0x1c: {  	s13 =	rddreg [dreg:$0x6];
	[sflag:s22] =	ssyncadd.s32 $0xFFFFD800  }
0x1d: {  	[tilespmem:s23], [sflag:$0x4] =	stream.linear.gather [hbm4b:s13+s5], $0x2800, $0x38;
	[tilespmem:$0x1D700] =	vst v63  }
0x1e: {  	_ =	swait.ge [sflag:s22], $0x2800  }
0x1f: {  	[sflag:s22] =	ssyncset.done $0x0  }
0x20: {  	s8 =	simm.s32 $0x19280;
	s14 =	rddreg [dreg:$0x7];
	[sflag:s22] =	ssyncadd.s32 $0xFFFFD800  }
0x21: {  	[tilespmem:s8], [sflag:$0x4] =	stream.linear.gather [hbm4b:s14+s5], $0x80, $0x38;
	[tilespmem:$0x1D700] =	vst v63  }
0x22: {  	_ =	swait.ge [sflag:s22], $0x80  }
0x23: {  	[sflag:s22] =	ssyncset.done $0x0  }
0x24: {  	s7 =	simm.s32 $0x0;
	s8 =	simm.s32 $0x200;
	[sflag:s22] =	ssyncadd.s32 $0xFFFFFF80  }
.LBB2_2:
0x25: {  	p0 =	sne.s32 s8, $0xFE00;
	[tilespmem:s7+$0x194F0] =	vst v0  }
0x26: {  	[tilespmem:s7+$0x19480] =	vst v0  }
0x27: {  	[tilespmem:s7+$0x19490] =	vst v0  }
.Ltmp0:
0x28: {  	[tilespmem:s7+$0x194A0] =	vst v0;
	(pc) =	sbr.rel @p0 .LBB2_2-.Ltmp0, $4  }
0x29: {  	[tilespmem:s7+$0x194B0] =	vst v0  }
0x2a: {  	[tilespmem:s7+$0x194C0] =	vst v0  }
0x2b: {  	[tilespmem:s7+$0x194D0] =	vst v0  }
0x2c: {  	[tilespmem:s7+$0x194E0] =	vst v0;
	s7 =	sshra.s32 s8, $0x2;
	s8 =	sadd.s32 $0x200, s8  }
0x2d: {  	[tilespmem:s7+$0x194F0] =	vst v0  }
0x2e: {  	[tilespmem:s7+$0x19480] =	vst v0  }
0x2f: {  	[tilespmem:s7+$0x19490] =	vst v0  }
0x30: {  	[tilespmem:s7+$0x194A0] =	vst v0  }
0x31: {  	[tilespmem:s7+$0x194B0] =	vst v0  }
0x32: {  	[tilespmem:s7+$0x194C0] =	vst v0  }
0x33: {  	[tilespmem:s7+$0x194D0] =	vst v0  }
0x34: {  	[tilespmem:s7+$0x194E0] =	vst v0  }
0x35: {  	[tilespmem:$0x1D480] =	vst v0  }
0x36: {  	[tilespmem:$0x1D490] =	vst v0  }
0x37: {  	[tilespmem:$0x1D4A0] =	vst v0  }
0x38: {  	[tilespmem:$0x1D4B0] =	vst v0  }
0x39: {  	[tilespmem:$0x1D4C0] =	vst v0  }
0x3a: {  	[tilespmem:$0x1D4D0] =	vst v0  }
0x3b: {  	[tilespmem:$0x1D4E0] =	vst v0  }
0x3c: {  	[tilespmem:$0x1D4F0] =	vst v0  }
0x3d: {  	[tilespmem:$0x1D500] =	vst v0  }
0x3e: {  	[tilespmem:$0x1D510] =	vst v0  }
0x3f: {  	[tilespmem:$0x1D520] =	vst v0  }
0x40: {  	[tilespmem:$0x1D530] =	vst v0  }
0x41: {  	[tilespmem:$0x1D540] =	vst v0  }
0x42: {  	[tilespmem:$0x1D550] =	vst v0  }
0x43: {  	[tilespmem:$0x1D560] =	vst v0  }
0x44: {  	[tilespmem:$0x1D570] =	vst v0  }
0x45: {  	[tilespmem:$0x1D580] =	vst v0  }
0x46: {  	[tilespmem:$0x1D590] =	vst v0  }
0x47: {  	[tilespmem:$0x1D5A0] =	vst v0  }
0x48: {  	[tilespmem:$0x1D5B0] =	vst v0  }
0x49: {  	[tilespmem:$0x1D5C0] =	vst v0  }
0x4a: {  	[tilespmem:$0x1D5D0] =	vst v0  }
0x4b: {  	[tilespmem:$0x1D5E0] =	vst v0  }
0x4c: {  	[tilespmem:$0x1D5F0] =	vst v0  }
0x4d: {  	[tilespmem:$0x1D600] =	vst v0  }
0x4e: {  	[tilespmem:$0x1D610] =	vst v0  }
0x4f: {  	[tilespmem:$0x1D620] =	vst v0  }
0x50: {  	[tilespmem:$0x1D630] =	vst v0  }
0x51: {  	[tilespmem:$0x1D640] =	vst v0  }
0x52: {  	[tilespmem:$0x1D650] =	vst v0  }
0x53: {  	[tilespmem:$0x1D660] =	vst v0  }
0x54: {  	[tilespmem:$0x1D670] =	vst v0  }
0x55: {  	[tilespmem:$0x1D680] =	vst v0  }
0x56: {  	[tilespmem:$0x1D690] =	vst v0  }
0x57: {  	[tilespmem:$0x1D6A0] =	vst v0  }
0x58: {  	[tilespmem:$0x1D6B0] =	vst v0  }
0x59: {  	[tilespmem:$0x1D6C0] =	vst v0  }
0x5a: {  	[tilespmem:$0x1D6D0] =	vst v0  }
0x5b: {  	[tilespmem:$0x1D6E0] =	vst v0  }
0x5c: {  	[tilespmem:$0x1D6F0] =	vst v0  }
0x5d: {  	[spmem:s11] =	stream.linear.scatter [tilespmem:s25], [sflag:$0x4], $0x4000, $0x38;
	[tilespmem:$0x1D700] =	vst v63  }
0x5e: {  	_ =	swait.ge [sflag:s22], $0x4000  }
0x5f: {  	[sflag:s22] =	ssyncset.done $0x0  }
0x60: {  	s9 =	rddreg [dreg:$0x8];
	[sflag:s22] =	ssyncadd.s32 $0xFFFFC000  }
0x61: {  	[spmem:s9] =	stream.linear.scatter [tilespmem:s25], [sflag:$0x4], $0x4000, $0x38;
	[tilespmem:$0x1D700] =	vst v63  }
0x62: {  	_ =	swait.ge [sflag:s22], $0x4000  }
0x63: {  	[sflag:s22] =	ssyncset.done $0x0  }
0x64: {  	s12 =	rddreg [dreg:$0x9];
	[sflag:s22] =	ssyncadd.s32 $0xFFFFC000  }
0x65: {  	[spmem:s12] =	stream.linear.scatter [tilespmem:s25], [sflag:$0x4], $0x4000, $0x38;
	[tilespmem:$0x1D700] =	vst v63  }
0x66: {  	_ =	swait.ge [sflag:s22], $0x4000  }
0x67: {  	[sflag:s22] =	ssyncset.done $0x0  }
0x68: {  	s13 =	rddreg [dreg:$0xa];
	[sflag:s22] =	ssyncadd.s32 $0xFFFFC000  }
0x69: {  	[spmem:s13] =	stream.linear.scatter [tilespmem:s25], [sflag:$0x4], $0x4000, $0x38;
	[tilespmem:$0x1D700] =	vst v63  }
0x6a: {  	_ =	swait.ge [sflag:s22], $0x4000  }
0x6b: {  	[sflag:s22] =	ssyncset.done $0x0  }
0x6c: {  	[sflag:s22] =	ssyncadd.s32 $0xFFFFC000  }
0x6d: {  	[spmem:s15] =	stream.linear.scatter [tilespmem:s25], [sflag:$0x4], $0x4000, $0x38;
	[tilespmem:$0x1D700] =	vst v63  }
0x6e: {  	_ =	swait.ge [sflag:s22], $0x4000  }
0x6f: {  	[sflag:s22] =	ssyncset.done $0x0  }
0x70: {  	s14 =	simm.s32 $0x1D480;
	[sflag:s22] =	ssyncadd.s32 $0xFFFFC000  }
0x71: {  	[spmem:s16] =	stream.linear.scatter [tilespmem:s14], [sflag:$0x4], $0x280, $0x38;
	[tilespmem:$0x1D700] =	vst v63  }
0x72: {  	_ =	swait.ge [sflag:s22], $0x280  }
0x73: {  	[sflag:s22] =	ssyncset.done $0x0  }
0x74: {  	[sflag:s22] =	ssyncadd.s32 $0xFFFFFD80  }
0x75: {  	s7 =	simm.s32 $0x0;
	s8 =	simm.s32 $0x0;
	v1 =	vld [tilespmem:$0x19280];
	[bflag:$0x0] =	sbarrier.arrive $0xFFFF  }
.LBB2_4:
0x76: {  	s9 =	sshll.u32 s8, $0x7  }
0x77: {  	s12 =	sand.u32 $0x3C00, s9  }
0x78: {  	s9 =	sand.u32 $0x380, s9;
	s12 =	sadd.s32 s17, s12  }
0x79: {  	s9 =	sor.u32 s9, s12  }
0x7a: {  	s9 =	sshrl.u32 s9, $0x3  }
0x7b: {  	s14 =	sadd.s32 s1, s9  }
0x7c: {  	[tilespmem:s28], [sflag:$0x4] =	stream.linear.gather [hbm4b:s14+s7], $0x80, $0x38;
	[tilespmem:$0x1D700] =	vst v63  }
0x7d: {  	_ =	swait.ge [sflag:s22], $0x80  }
0x7e: {  	[sflag:s22] =	ssyncset.done $0x0  }
0x7f: {  	s9 =	sadd.s32 s10, s9;
	[sflag:s22] =	ssyncadd.s32 $0xFFFFFF80  }
0x80: {  	[tilespmem:s29], [sflag:$0x4] =	stream.linear.gather [hbm4b:s9+s7], $0x80, $0x38;
	[tilespmem:$0x1D700] =	vst v63  }
0x81: {  	_ =	swait.ge [sflag:s22], $0x80  }
0x82: {  	[sflag:s22] =	ssyncset.done $0x0  }
0x83: {  	[sflag:s22] =	ssyncadd.s32 $0xFFFFFF80  }
0x84: {  	[tilespmem:s25], [sflag:$0x1] =	stream.indirect.gather [hbm4b:s6+s30], $0x80, s28, s30, $0xb8;
	[tilespmem:$0x1D700] =	vst v63  }
0x85: {  	v2 =	vld [tilespmem:$0x19300]  }
0x86: {  	v3 =	vld [tilespmem:$0x19380];
	_ =	sdelay $0x6  }
0x87: {  	v2 =	vld.idx.msk [tilespmem:v2+s21+$0x0], $0xffff  }
0x88: {  	v3 =	vld.idx.msk [tilespmem:v3+s23+$0x0], $0xffff;
	_ =	sdelay $0x4  }
0x89: {  	v2 =	vadd.f32 v3, v2;
	_ =	sdelay $0x1  }
0x8a: {  	v3 =	vadd.f32 v3, v1;
	v4 =	vmul.f32 $2.000000030e-01, v2  }
0x8b: {  	vm0 =	vge.f32 v2, $0.0e+00  }
0x8c: {  	v3 =	vmax.f32 v3, $0.0e+00;
	v2 =	vsel vm0, v2, v4  }
0x8d: {  	v2 =	vsub.f32 v2, v3;
	_ =	sdelay $0x1  }
0x8e: {  	v2 =	vmul.f32 $1.442695020e+00, v2;
	_ =	sdelay $0x1  }
0x8f: {  	(erf) = vpow2.f32 v2;
	_ =	sdelay $0x2  }
0x90: {  	v2 =	vld [tilespmem:$0x19310]  }
0x91: {  	v3 =	vld [tilespmem:$0x19390];
	_ =	sdelay $0x4  }
0x92: {  	v4 =	vpop (erf)  }
0x93: {  	[tilespmem:$0x19400] =	vst v4  }
0x94: {  	v2 =	vld.idx.msk [tilespmem:v2+s21+$0x0], $0xffff  }
0x95: {  	v3 =	vld.idx.msk [tilespmem:v3+s23+$0x0], $0xffff;
	_ =	sdelay $0x4  }
0x96: {  	v2 =	vadd.f32 v3, v2;
	_ =	sdelay $0x1  }
0x97: {  	v3 =	vadd.f32 v3, v1;
	v4 =	vmul.f32 $2.000000030e-01, v2  }
0x98: {  	vm9 =	vge.f32 v2, $0.0e+00  }
0x99: {  	v3 =	vmax.f32 v3, $0.0e+00;
	v2 =	vsel vm9, v2, v4  }
0x9a: {  	v2 =	vsub.f32 v2, v3;
	_ =	sdelay $0x1  }
0x9b: {  	v2 =	vmul.f32 $1.442695020e+00, v2;
	_ =	sdelay $0x1  }
0x9c: {  	(erf) = vpow2.f32 v2;
	_ =	sdelay $0x2  }
0x9d: {  	v2 =	vld [tilespmem:$0x19320]  }
0x9e: {  	v3 =	vld [tilespmem:$0x193A0];
	_ =	sdelay $0x4  }
0x9f: {  	v4 =	vpop (erf)  }
0xa0: {  	[tilespmem:$0x19410] =	vst v4  }
0xa1: {  	v2 =	vld.idx.msk [tilespmem:v2+s21+$0x0], $0xffff  }
0xa2: {  	v3 =	vld.idx.msk [tilespmem:v3+s23+$0x0], $0xffff;
	_ =	sdelay $0x4  }
0xa3: {  	v2 =	vadd.f32 v3, v2;
	_ =	sdelay $0x1  }
0xa4: {  	v3 =	vadd.f32 v3, v1;
	v4 =	vmul.f32 $2.000000030e-01, v2  }
0xa5: {  	vm10 =	vge.f32 v2, $0.0e+00  }
0xa6: {  	v3 =	vmax.f32 v3, $0.0e+00;
	v2 =	vsel vm10, v2, v4  }
0xa7: {  	v2 =	vsub.f32 v2, v3;
	_ =	sdelay $0x1  }
0xa8: {  	v2 =	vmul.f32 $1.442695020e+00, v2;
	_ =	sdelay $0x1  }
0xa9: {  	(erf) = vpow2.f32 v2;
	_ =	sdelay $0x2  }
0xaa: {  	v2 =	vld [tilespmem:$0x19330]  }
0xab: {  	v3 =	vld [tilespmem:$0x193B0];
	_ =	sdelay $0x4  }
0xac: {  	v4 =	vpop (erf)  }
0xad: {  	[tilespmem:$0x19420] =	vst v4  }
0xae: {  	v2 =	vld.idx.msk [tilespmem:v2+s21+$0x0], $0xffff  }
0xaf: {  	v3 =	vld.idx.msk [tilespmem:v3+s23+$0x0], $0xffff;
	_ =	sdelay $0x4  }
0xb0: {  	v2 =	vadd.f32 v3, v2;
	_ =	sdelay $0x1  }
0xb1: {  	v3 =	vadd.f32 v3, v1;
	v4 =	vmul.f32 $2.000000030e-01, v2  }
0xb2: {  	vm11 =	vge.f32 v2, $0.0e+00  }
0xb3: {  	v3 =	vmax.f32 v3, $0.0e+00;
	v2 =	vsel vm11, v2, v4  }
0xb4: {  	v2 =	vsub.f32 v2, v3;
	_ =	sdelay $0x1  }
0xb5: {  	v2 =	vmul.f32 $1.442695020e+00, v2;
	_ =	sdelay $0x1  }
0xb6: {  	(erf) = vpow2.f32 v2;
	_ =	sdelay $0x2  }
0xb7: {  	v2 =	vld [tilespmem:$0x19340]  }
0xb8: {  	v3 =	vld [tilespmem:$0x193C0];
	_ =	sdelay $0x4  }
0xb9: {  	v4 =	vpop (erf)  }
0xba: {  	[tilespmem:$0x19430] =	vst v4  }
0xbb: {  	v2 =	vld.idx.msk [tilespmem:v2+s21+$0x0], $0xffff  }
0xbc: {  	v3 =	vld.idx.msk [tilespmem:v3+s23+$0x0], $0xffff;
	_ =	sdelay $0x4  }
0xbd: {  	v2 =	vadd.f32 v3, v2;
	_ =	sdelay $0x1  }
0xbe: {  	v3 =	vadd.f32 v3, v1;
	v4 =	vmul.f32 $2.000000030e-01, v2  }
0xbf: {  	vm12 =	vge.f32 v2, $0.0e+00  }
0xc0: {  	v3 =	vmax.f32 v3, $0.0e+00;
	v2 =	vsel vm12, v2, v4  }
0xc1: {  	v2 =	vsub.f32 v2, v3;
	_ =	sdelay $0x1  }
0xc2: {  	v2 =	vmul.f32 $1.442695020e+00, v2;
	_ =	sdelay $0x1  }
0xc3: {  	(erf) = vpow2.f32 v2;
	_ =	sdelay $0x2  }
0xc4: {  	v2 =	vld [tilespmem:$0x19350]  }
0xc5: {  	v3 =	vld [tilespmem:$0x193D0];
	_ =	sdelay $0x4  }
0xc6: {  	v4 =	vpop (erf)  }
0xc7: {  	[tilespmem:$0x19440] =	vst v4  }
0xc8: {  	v2 =	vld.idx.msk [tilespmem:v2+s21+$0x0], $0xffff  }
0xc9: {  	v3 =	vld.idx.msk [tilespmem:v3+s23+$0x0], $0xffff;
	_ =	sdelay $0x4  }
0xca: {  	v2 =	vadd.f32 v3, v2;
	_ =	sdelay $0x1  }
0xcb: {  	v3 =	vadd.f32 v3, v1;
	v4 =	vmul.f32 $2.000000030e-01, v2  }
0xcc: {  	vm13 =	vge.f32 v2, $0.0e+00  }
0xcd: {  	v3 =	vmax.f32 v3, $0.0e+00;
	v2 =	vsel vm13, v2, v4  }
0xce: {  	v2 =	vsub.f32 v2, v3;
	_ =	sdelay $0x1  }
0xcf: {  	v2 =	vmul.f32 $1.442695020e+00, v2;
	_ =	sdelay $0x1  }
0xd0: {  	(erf) = vpow2.f32 v2;
	_ =	sdelay $0x2  }
0xd1: {  	v2 =	vld [tilespmem:$0x19360]  }
0xd2: {  	v3 =	vld [tilespmem:$0x193E0];
	_ =	sdelay $0x4  }
0xd3: {  	v4 =	vpop (erf)  }
0xd4: {  	[tilespmem:$0x19450] =	vst v4  }
0xd5: {  	v2 =	vld.idx.msk [tilespmem:v2+s21+$0x0], $0xffff  }
0xd6: {  	v3 =	vld.idx.msk [tilespmem:v3+s23+$0x0], $0xffff;
	_ =	sdelay $0x4  }
0xd7: {  	v2 =	vadd.f32 v3, v2;
	_ =	sdelay $0x1  }
0xd8: {  	v3 =	vadd.f32 v3, v1;
	v4 =	vmul.f32 $2.000000030e-01, v2  }
0xd9: {  	vm14 =	vge.f32 v2, $0.0e+00  }
0xda: {  	v3 =	vmax.f32 v3, $0.0e+00;
	v2 =	vsel vm14, v2, v4  }
0xdb: {  	v2 =	vsub.f32 v2, v3;
	_ =	sdelay $0x1  }
0xdc: {  	v2 =	vmul.f32 $1.442695020e+00, v2;
	_ =	sdelay $0x1  }
0xdd: {  	(erf) = vpow2.f32 v2;
	_ =	sdelay $0x2  }
0xde: {  	v2 =	vld [tilespmem:$0x19370]  }
0xdf: {  	v3 =	vld [tilespmem:$0x193F0];
	_ =	sdelay $0x4  }
0xe0: {  	v4 =	vpop (erf)  }
0xe1: {  	[tilespmem:$0x19460] =	vst v4  }
0xe2: {  	v2 =	vld.idx.msk [tilespmem:v2+s21+$0x0], $0xffff  }
0xe3: {  	v3 =	vld.idx.msk [tilespmem:v3+s23+$0x0], $0xffff;
	_ =	sdelay $0x4  }
0xe4: {  	v2 =	vadd.f32 v3, v2;
	_ =	sdelay $0x1  }
0xe5: {  	v3 =	vadd.f32 v3, v1;
	v4 =	vmul.f32 $2.000000030e-01, v2  }
0xe6: {  	vm15 =	vge.f32 v2, $0.0e+00  }
0xe7: {  	v3 =	vmax.f32 v3, $0.0e+00;
	v2 =	vsel vm15, v2, v4  }
0xe8: {  	v2 =	vsub.f32 v2, v3;
	_ =	sdelay $0x1  }
0xe9: {  	v2 =	vmul.f32 $1.442695020e+00, v2;
	_ =	sdelay $0x1  }
0xea: {  	(erf) = vpow2.f32 v2;
	_ =	sdelay $0x8  }
0xeb: {  	v2 =	vpop (erf)  }
0xec: {  	[tilespmem:$0x19470] =	vst v2  }
0xed: {  	[spmem:s3] =	stream.indirect.scatter.add.f32 [tilespmem:s31], [sflag:$0x3], $0x1, s29, s30, $0xb8;
	[tilespmem:$0x1D700] =	vst v63  }
0xee: {  	_ =	swait.ge [sflag:s0], $0x4000  }
0xef: {  	v2 =	vmov s7;
	[sflag:s0] =	ssyncset.done $0x0  }
0xf0: {  	s9 =	simm.s32 $0x194C0;
	[sflag:s0] =	ssyncadd.s32 $0xFFFFC000  }
0xf1: {  	v6 =	vld [tilespmem:s9+$0x30]  }
0xf2: {  	v9 =	vld [tilespmem:s9+$0x10]  }
0xf3: {  	v7 =	vld [tilespmem:s9+$0xFFFFFFC0]  }
0xf4: {  	v3 =	vld.idx.msk [tilespmem:v2+s31+$0x0], $0xffff  }
0xf5: {  	v11 =	vld [tilespmem:s9+$0xFFFFFFE0]  }
0xf6: {  	v2 =	vld [tilespmem:s9+$0xFFFFFFF0]  }
0xf7: {  	v4 =	vld [tilespmem:s9+$0x20]  }
0xf8: {  	v5 =	vld [tilespmem:s9+$0xFFFFFFD0]  }
0xf9: {  	v10 =	vmul.f32 v6, v3;
	v6 =	vld [tilespmem:s9+$0x0]  }
0xfa: {  	v8 =	vmul.f32 v7, v3  }
0xfb: {  	s13 =	simm.s32 $0x194C0;
	s12 =	simm.s32 $0x1;
	v7 =	vmul.f32 v11, v3;
	v9 =	vmul.f32 v9, v3  }
.LBB2_5:
0xfc: {  	p0 =	sne.s32 s12, $0x7F  }
0xfd: {  	v5 =	vmul.f32 v5, v3;
	v4 =	vmul.f32 v4, v3;
	[tilespmem:s9+$0x30] =	vst v10;
	s13 =	sadd.s32 $0x80, s13;
	s14 =	smov.u32 s12;
	s12 =	sadd.s32 $0x1, s12  }
0xfe: {  	[tilespmem:s9+$0xFFFFFFC0] =	vst v8;
	v8 =	vmul.f32 v2, v3;
	v3 =	vmul.f32 v6, v3  }
0xff: {  	[tilespmem:s9+$0x10] =	vst v9  }
0x100: {  	v6 =	vmov s14;
	[tilespmem:s9+$0xFFFFFFE0] =	vst v7  }
0x101: {  	v2 =	vld [tilespmem:s13+$0xFFFFFFF0];
	[tilespmem:s9+$0xFFFFFFF0] =	vst v8  }
0x102: {  	v7 =	vld [tilespmem:s13+$0x30];
	[tilespmem:s9+$0x0] =	vst v3  }
0x103: {  	v9 =	vld [tilespmem:s13+$0x10];
	[tilespmem:s9+$0x20] =	vst v4  }
0x104: {  	v8 =	vld [tilespmem:s13+$0xFFFFFFC0];
	[tilespmem:s9+$0xFFFFFFD0] =	vst v5;
	s9 =	smov.u32 s13  }
0x105: {  	v3 =	vld.idx.msk [tilespmem:v6+s31+$0x0], $0xffff  }
0x106: {  	v11 =	vld [tilespmem:s13+$0xFFFFFFE0]  }
0x107: {  	v4 =	vld [tilespmem:s13+$0x20]  }
.Ltmp1:
0x108: {  	v5 =	vld [tilespmem:s13+$0xFFFFFFD0];
	(pc) =	sbr.rel @p0 .LBB2_5-.Ltmp1, $3  }
0x109: {  	v6 =	vld [tilespmem:s13+$0x0];
	_ =	sdelay $0x1  }
0x10a: {  	v8 =	vmul.f32 v8, v3;
	v10 =	vmul.f32 v7, v3  }
0x10b: {  	v9 =	vmul.f32 v9, v3;
	v7 =	vmul.f32 v11, v3  }
0x10c: {  	[tilespmem:s9+$0x30] =	vst v10  }
0x10d: {  	[tilespmem:s9+$0xFFFFFFC0] =	vst v8  }
0x10e: {  	v2 =	vmul.f32 v2, v3;
	[tilespmem:s9+$0x10] =	vst v9  }
0x10f: {  	v4 =	vmul.f32 v4, v3;
	[tilespmem:s9+$0xFFFFFFE0] =	vst v7  }
0x110: {  	v6 =	vmul.f32 v6, v3;
	[tilespmem:s9+$0xFFFFFFF0] =	vst v2  }
0x111: {  	v2 =	vmul.f32 v5, v3;
	[tilespmem:s9+$0x20] =	vst v4  }
0x112: {  	[tilespmem:s9+$0x0] =	vst v6  }
0x113: {  	s8 =	sadd.s32 $0x1, s8;
	[tilespmem:s9+$0xFFFFFFD0] =	vst v2  }
0x114: {  	[spmem:s2] =	stream.indirect.scatter.add.f32 [tilespmem:s25], [sflag:$0x2], $0x80, s29, s30, $0xb8;
	[tilespmem:$0x1D700] =	vst v63  }
0x115: {  	p0 =	sne.s32 s8, $0x4F;
	_ =	swait.ge [sflag:s24], $0x4000  }
.Ltmp2:
0x116: {  	[sflag:s24] =	ssyncset.done $0x0;
	(pc) =	sbr.rel @p0 .LBB2_4-.Ltmp2, $4  }
0x117: {  	[sflag:s24] =	ssyncadd.s32 $0xFFFFC000  }
0x118: {  	_ =	swait.ge [sflag:s26], $0x80  }
0x119: {  	[sflag:s26] =	ssyncset.done $0x0  }
0x11a: {  	[sflag:s26] =	ssyncadd.s32 $0xFFFFFF80  }
0x11b: {  	s7 =	stileid.u32  }
0x11c: {  	s7 =	sshll.u32 s7, $0x6  }
0x11d: {  	[bflag:$0x0] =	sbarrier.arrive $0xFFFF;
	s8 =	sshrl.u32 s11, $0x3;
	s7 =	sor.u32 $0x1C04, s7  }
0x11e: {  	[hbm:s18], [sflag:s7] =	dma.local [spmem:s8], $0x2800  }
0x11f: {  	s14 =	sshrl.u32 s16, $0x3;
	s4 =	sadd.s32 $0x1, s4;
	_ =	swait.ge [sflag:s22], $0x2800  }
0x120: {  	s9 =	simm.s32 $0x20;
	p0 =	sne.s32 s4, s20;
	[sflag:s22] =	ssyncset.done $0x0  }
.Ltmp3:
0x121: {  	s12 =	simm.s32 $0x10;
	[sflag:s22] =	ssyncadd.s32 $0xFFFFD800;
	(pc) =	sbr.rel @p0 .LBB2_1-.Ltmp3, $4  }
0x122: {  	[hbm:s19@s9], [sflag:s7] =	dma.strided [spmem:s14@s12], $0x50, s0, $0x10   }
0x123: {  	_ =	swait.ge [sflag:s22], $0x50  }
0x124: {  	[sflag:s22] =	ssyncset.done $0x0  }
0x125: {  	[sflag:s22] =	ssyncadd.s32 $0xFFFFFFB0  }
0x126: {  	_ =	sfence.sel $0x180000  }
0x127: {  	[bflag:$0x0] =	sbarrier.arrive $0xFFFF  }
0x128: {  	_ =	strace $0x9000004A  }
0x129: {  	s0 =	stileid.u32;
	[bflag:$0x2] =	sbarrier.arrive $0xFFFF  }
0x12a: {  	p0 =	sne.s32 s0, $0x0;
	s0 =	rddreg [dreg:$0x4]  }
0x12b: {  	s0 =	sadd.s32 @!p0 $0x100000, s0  }
0x12c: {  	[sflag:s0] =	ssyncadd.tile.s32 @!p0 $0x1;
	_ =	shalt  }
.Lfunc_end2:
_tile_overlayer_lowered:
.L_overlay_start_2:
0x12d: {  	(tag) =	ssettag $0x2  }
0x12e: {  	s0 =	rddreg [dreg:$0x0];
	s2 =	stileid.u32  }
0x12f: {  	s1 =	rddreg [dreg:$0x1];
	p0 =	sne.s32 s2, $0x0  }
0x130: {  	s3 =	rddreg [dreg:$0x2];
	[bflag:$0x3] =	sbarrier.arrive $0xFFFF;
	s2 =	simm.s32 @!p0 $0x1C04  }
0x131: {  	[timem:s3], [sflag:s2] =	dma.local @!p0 [hbm:s0], s1  }
0x132: {  	s0 =	simm.s32 @!p0 $0x4  }
0x133: {  	_ =	swait.ge @!p0 [sflag:s0], s1  }
0x134: {  	s1 =	ssub.s32 @!p0 $0x0, s1;
	[sflag:s0] =	ssyncset.done @!p0 $0x0  }
0x135: {  	[sflag:s0] =	ssyncadd.s32 @!p0 s1  }
0x136: {  	[bflag:$0x3] =	sbarrier.arrive $0xFFFF  }
0x137: {  	_ =	shalt  }

// kernel: kernel.21.cloned.1.call-start
scs
__scs_entry_jumppad:
0x0: {  	(pc) =	sbr.rel $0x88, $3  }
0x1: {  	(tag) =	ssettag $0x0;
	lr =	simm.s32 $0x1  }
0x2: {  	[smem:$0x3F99] =	sst lr;
	_ =	strace $0xD0000000  }
0x3: {  	_ = 	snop  }
0x4: {  	_ = 	snop  }
0x5: {  	_ = 	snop  }
0x6: {  	_ = 	snop  }
0x7: {  	_ = 	snop  }
__scs_overlays_trampoline_lowered:
0x8: {  	[smem:$0x3FA8] =	sst s0  }
0x9: {  	[smem:$0x3FA9] =	sst s1  }
0xa: {  	[smem:$0x3FAA] =	sst s2  }
0xb: {  	[smem:$0x3FAB] =	sst s3  }
0xc: {  	[smem:$0x3FAC] =	sst s4  }
0xd: {  	[smem:$0x3FAD] =	sst s5  }
0xe: {  	[smem:$0x3FAE] =	sst s6  }
0xf: {  	[smem:$0x3FAF] =	sst s7  }
0x10: {  	[smem:$0x3FB0] =	sst s8  }
0x11: {  	[smem:$0x3FB1] =	sst s9;
	s0 =	simm.s32 @!p0 $0x0  }
0x12: {  	s1 =	sld [smem:$0x3F97];
	s0 =	simm.s32 @p0 $0x1  }
0x13: {  	[smem:$0x3FB2] =	sst s0;
	s0 =	simm.s32 @!p1 $0x0  }
0x14: {  	s2 =	sld [smem:$0x3F96];
	s0 =	simm.s32 @p1 $0x1  }
0x15: {  	[smem:$0x3FB3] =	sst s0;
	s0 =	simm.s32 @!p2 $0x0  }
0x16: {  	s3 =	sld [smem:$0x3FDB];
	s0 =	simm.s32 @p2 $0x1  }
0x17: {  	s4 =	simm.s32 $0x1BF5;
	[smem:$0x3FB5] =	sst s0  }
0x18: {  	s0 =	sld [smem:$0x3F98];
	_ =	swait.ge [sflag:s4], $0x0  }
0x19: {  	s7 =	sld [smem:$0x3F99]  }
0x1a: {  	s8 =	sadd.s32 $0xFFFFE003, lr  }
0x1b: {  	s9 =	sadd.s32 $0xFFFFFEF7, lr;
	s5 =	simm.s32 $0xFFFFFFFF;
	p2 =	slt.u32 s8, $0xFFFFF086  }
0x1c: {  	p1 =	slt.u32 s9, $0xF7A;
	s5 =	simm.s32 @!p2 $0x0  }
0x1d: {  	s5 =	simm.s32 @p1 $0x1;
	p0 =	seq.s32 s7, s2  }
0x1e: {  	s7 =	smul.u32 @!p0 $0xF7A, s2;
	p2 =	seq.s32 @!p0 s5, $0x0  }
0x1f: {  	s9 =	smul.u32 $0xF7A, s1;
	s8 =	simm.s32 @!p0 $0x1BF5;
	p2 =	por !p2, p0  }
0x20: {  	[sflag:s8] =	ssyncset.s32 @!p0 $0xFFFFF086;
	s6 =	sadd.s32 @!p0 s3, s7;
	s7 =	simm.s32 @!p0 $0x108  }
0x21: {  	s3 =	sadd.s32 s3, s9;
	s6 =	sadd.s32 @!p0 $0x88, s6;
	s7 =	simm.s32 @p2 $0x1082  }
0x22: {  	[simem:s7], [sflag:s8] =	dma.local @!p0 [hbm:s6], $0xF7A  }
0x23: {  	s9 =	sor.u32 $0xD0000000, s2;
	s6 =	simm.s32 $0x108;
	_ =	swait.ge @!p0 [sflag:s8], $0x0  }
0x24: {  	s3 =	sadd.s32 $0x88, s3;
	s6 =	simm.s32 @!p1 $0x1082;
	[sflag:s4] =	ssyncset.s32 $0xFFFFF086  }
0x25: {  	[simem:s6], [sflag:s4] =	dma.local [hbm:s3], $0xF7A  }
0x26: {  	[smem:$0x3F99] =	sst s1;
	(tag) =	ssettag s2;
	_ =	strace s9  }
0x27: {  	s1 =	sld [smem:$0x3FA9]  }
0x28: {  	s2 =	sld [smem:$0x3FAA]  }
0x29: {  	s4 =	sld [smem:$0x3FAC]  }
0x2a: {  	p0 =	seq.s32 s5, $0x0;
	s5 =	sld [smem:$0x3FAD]  }
0x2b: {  	s6 =	sld [smem:$0x3FAE]  }
0x2c: {  	s7 =	sld [smem:$0x3FAF]  }
0x2d: {  	s3 =	simm.s32 $0x108;
	s8 =	sld [smem:$0x3FB0]  }
0x2e: {  	s3 =	simm.s32 @!p0 $0x1082;
	s9 =	sld [smem:$0x3FB1]  }
0x2f: {  	lr =	sadd.s32 s0, s3;
	s0 =	sld [smem:$0x3FA8]  }
0x30: {  	s3 =	sld [smem:$0x3FAB]  }
0x31: {  	[smem:$0x3FB4] =	sst s10  }
0x32: {  	s10 =	sld [smem:$0x3FB2];
	_ =	sdelay $0x3  }
0x33: {  	p0 =	seq.s32 s10, $0x1;
	s10 =	sld [smem:$0x3FB4];
	_ =	sdelay $0x3  }
0x34: {  	[smem:$0x3FB4] =	sst s10  }
0x35: {  	s10 =	sld [smem:$0x3FB3];
	_ =	sdelay $0x3  }
0x36: {  	p1 =	seq.s32 s10, $0x1;
	s10 =	sld [smem:$0x3FB4];
	_ =	sdelay $0x3  }
0x37: {  	[smem:$0x3FB4] =	sst s10  }
0x38: {  	s10 =	sld [smem:$0x3FB5]  }
0x39: {  	_ = 	snop;
	(pc) =	sbr.ind lr, $3  }
0x3a: {  	_ = 	snop  }
0x3b: {  	_ = 	snop  }
0x3c: {  	p2 =	seq.s32 s10, $0x1;
	s10 =	sld [smem:$0x3FB4]  }
0x3d: {  	_ =	shalt  }
0x3e: {  	_ =	shalt  }
0x3f: {  	_ =	shalt  }
0x40: {  	_ =	shalt  }
0x41: {  	_ =	shalt  }
0x42: {  	_ =	shalt  }
0x43: {  	_ =	shalt  }
0x44: {  	_ =	shalt  }
0x45: {  	_ =	shalt  }
0x46: {  	_ =	shalt  }
0x47: {  	_ =	shalt  }
0x48: {  	_ =	shalt  }
0x49: {  	_ =	shalt  }
0x4a: {  	_ =	shalt  }
0x4b: {  	_ =	shalt  }
0x4c: {  	_ =	shalt  }
0x4d: {  	_ =	shalt  }
0x4e: {  	_ =	shalt  }
0x4f: {  	_ =	shalt  }
0x50: {  	_ =	shalt  }
0x51: {  	_ =	shalt  }
0x52: {  	_ =	shalt  }
0x53: {  	_ =	shalt  }
0x54: {  	_ =	shalt  }
0x55: {  	_ =	shalt  }
0x56: {  	_ =	shalt  }
0x57: {  	_ =	shalt  }
0x58: {  	_ =	shalt  }
0x59: {  	_ =	shalt  }
0x5a: {  	_ =	shalt  }
0x5b: {  	_ =	shalt  }
0x5c: {  	_ =	shalt  }
0x5d: {  	_ =	shalt  }
0x5e: {  	_ =	shalt  }
0x5f: {  	_ =	shalt  }
0x60: {  	_ =	shalt  }
0x61: {  	_ =	shalt  }
0x62: {  	_ =	shalt  }
0x63: {  	_ =	shalt  }
0x64: {  	_ =	shalt  }
0x65: {  	_ =	shalt  }
0x66: {  	_ =	shalt  }
0x67: {  	_ =	shalt  }
0x68: {  	_ =	shalt  }
0x69: {  	_ =	shalt  }
0x6a: {  	_ =	shalt  }
0x6b: {  	_ =	shalt  }
0x6c: {  	_ =	shalt  }
0x6d: {  	_ =	shalt  }
0x6e: {  	_ =	shalt  }
0x6f: {  	_ =	shalt  }
0x70: {  	_ =	shalt  }
0x71: {  	_ =	shalt  }
0x72: {  	_ =	shalt  }
0x73: {  	_ =	shalt  }
0x74: {  	_ =	shalt  }
0x75: {  	_ =	shalt  }
0x76: {  	_ =	shalt  }
0x77: {  	_ =	shalt  }
0x78: {  	_ =	shalt  }
0x79: {  	_ =	shalt  }
0x7a: {  	_ =	shalt  }
0x7b: {  	_ =	shalt  }
0x7c: {  	_ =	shalt  }
0x7d: {  	_ =	shalt  }
0x7e: {  	_ =	shalt  }
0x7f: {  	_ =	shalt  }
0x80: {  	_ =	shalt  }
0x81: {  	_ =	shalt  }
0x82: {  	_ =	shalt  }
0x83: {  	_ =	shalt  }
0x84: {  	_ =	shalt  }
0x85: {  	_ =	shalt  }
0x86: {  	_ =	shalt  }
0x87: {  	_ =	shalt  }
.Lfunc_end0:
.L_simem_size_0:
called_computation.2_lowered:
.L_overlay_start_0:
0x88: {  	s2 =	sld [smem:$0x3FD9]  }
0x89: {  	s3 =	sld [smem:$0x3FFE];
	_ =	sdelay $0x1  }
0x8a: {  	s1 =	srdreg.scid  }
0x8b: {  	s0 =	sand.u32 $0x1, s1  }
0x8c: {  	s17 =	sshll.u32 s0, $0xA;
	s2 =	sadd.s32 s3, s2  }
0x8d: {  	s2 =	sadd.s32 s2, s17  }
0x8e: {  	[smem:$0x3FC0] =	sst s2  }
0x8f: {  	_ = 	snop  }
0x90: {  	s2 =	sld [smem:$0x3FD0];
	(tm) =	ssettm $0x1  }
0x91: {  	s18 =	sld [smem:$0x3FFB];
	_ =	sdelay $0x3  }
0x92: {  	_ =	strace s18  }
0x93: {  	s3 =	sld [smem:$0x3FFC];
	_ =	sdelay $0x3  }
0x94: {  	_ =	strace s3  }
0x95: {  	s3 =	sld [smem:$0x3FFD];
	_ =	sdelay $0x3  }
0x96: {  	_ =	strace s3  }
0x97: {  	_ =	strace $0x8FFFFFFF  }
0x98: {  	s19 =	sld [smem:$0x3FDB];
	_ =	sdelay $0x1  }
0x99: {  	s4 =	simm.s32 $_scs_section_size  }
0x9a: {  	s5 =	simm.s32 $_size__tile_overlayer_lowered;
	s6 =	simm.s32 $_tile_overlayer_lowered  }
0x9b: {  	s22 =	simm.s32 $0x1BFF;
	s21 =	sshll.u32 s6, $0x1;
	s3 =	sadd.s32 s4, s19  }
0x9c: {  	s7 =	simm.s32 $0x0;
	s20 =	sshll.u32 s5, $0x1;
	s5 =	sadd.s32 s21, s3  }
0x9d: {  	[timem:s7], [sflag:s22] =	dma.local [hbm:s5], s20  }
0x9e: {  	_ =	swait.ge [sflag:s22], s20  }
0x9f: {  	s4 =	ssub.s32 $0x0, s20;
	[sflag:s22] =	ssyncset.done $0x0  }
0xa0: {  	[sflag:s22] =	ssyncadd.s32 s4;
	_ =	sdelay $0x1  }
0xa1: {  	s23 =	simm.s32 $0x1B8B  }
0xa2: {  	_ =	swait.ge [sflag:s23], $0x1  }
0xa3: {  	[sflag:s23] =	ssyncset.done $0x0  }
0xa4: {  	s25 =	simm.s32 $0x1B8E;
	s24 =	sld [smem:$0x3FFE];
	[sflag:s23] =	ssyncadd.s32 $0xFFFFFFFF  }
0xa5: {  	s26 =	simm.s32 $execute0_lowered;
	[smem:$0x3FD2] =	sst s25  }
0xa6: {  	s5 =	sshll.u32 s26, $0x1;
	_ =	strace $0x8000004C;
	[dreg:$0x1] =	wrdreg $0xFFFFFFFF  }
0xa7: {  	s28 =	simm.s32 $_size_execute0_lowered;
	s3 =	sadd.s32 s3, s5;
	[dreg:$0x0] =	wrdreg $0x0  }
0xa8: {  	s5 =	sshll.u32 s28, $0x1;
	[dreg:$0x2] =	wrdreg s3  }
0xa9: {  	[dreg:$0x3] =	wrdreg s5  }
0xaa: {  	[dreg:$0x4] =	wrdreg $0xC0  }
0xab: {  	_ =	task [dreg:s7], $0x5FFFF  }
0xac: {  	[dreg:$0x1] =	wrdreg $0xFFFFFFFF  }
0xad: {  	[dreg:$0x0] =	wrdreg $0x60  }
0xae: {  	[dreg:$0x2] =	wrdreg s24  }
0xaf: {  	[dreg:$0x3] =	wrdreg s2  }
0xb0: {  	[dreg:$0x4] =	wrdreg $0x0  }
0xb1: {  	[dreg:$0x5] =	wrdreg $0x140000  }
0xb2: {  	[dreg:$0x6] =	wrdreg $0x9  }
0xb3: {  	_ =	task.clear_ibuf [dreg:s7], $0x7FFFF;
	_ =	strace $0x9000004C  }
0xb4: {  	s29 =	simm.s32 $0x9;
	_ =	strace $0x8000004E  }
0xb5: {  	_ =	swait.ge [sflag:s29], $0x1  }
0xb6: {  	[sflag:s29] =	ssyncadd.s32 $0xFFFFFFFF  }
0xb7: {  	_ =	strace $0x9000004E  }
0xb8: {  	_ =	sfence  }
0xb9: {  	s30 =	sld [smem:$0x0];
	_ =	sdelay $0x2  }
0xba: {  	s31 =	sshll.u32 s1, $0xD;
	s1 =	sshrl.u32 s1, $0x2  }
0xbb: {  	s3 =	sand.u32 $0x4000, s31;
	s1 =	sadd.s32 s1, s30  }
0xbc: {  	s0 =	sor.u32 s3, s0;
	s1 =	sshll.u32 s1, $0x11  }
0xbd: {  	s0 =	sor.u32 s1, s0  }
0xbe: {  	s0 =	sadd.s32 $0x8F2B, s0  }
0xbf: {  	[sflag:s0] =	ssyncadd.remote.s32 $0x1  }
0xc0: {  	_ =	sfence.sel $0xFFFF  }
0xc1: {  	[dreg:$0x0] =	wrdreg $0xFFFFFFFF;
	(pc) =	sbr.abs _section_cstart, $3  }
0xc2: {  	[dreg:$0x1] =	wrdreg $0xFFFFFFFF  }
0xc3: {  	_ =	task.clear_ibuf [dreg:s7], $0x2FFFF;
	_ =	strace $0x9FFFFFFF  }
0xc4: {  	(tm) =	ssettm $0x7FFFFFFF  }
0xc5: {  	_ =	shalt  }
tec
execute0_lowered:
.L_overlay_start_1:
0x0: {  	(tag) =	ssettag $0x1  }
0x1: {  	s0 =	rddreg [dreg:$0x0]  }
0x2: {  	s1 =	rddreg [dreg:$0x1]  }
0x3: {  	s2 =	rddreg [dreg:$0x2]  }
0x4: {  	s3 =	rddreg [dreg:$0x3];
	s5 =	simm.s32 $0x0  }
0x5: {  	s4 =	srdreg.scid;
	s13 =	stileid.u32;
	s28 =	simm.s32 $0x19300  }
0x6: {  	s29 =	simm.s32 $0x19380;
	s30 =	simm.s32 $0x80;
	s31 =	simm.s32 $0x19400  }
0x7: {  	[smem:$0x7FF] =	sst s5;
	s4 =	sand.u32 $0x1, s4;
	s8 =	smul.u32 $0x14000, s13  }
0x8: {  	s6 =	sadd.s32 $0xC00, s0;
	s9 =	sadd.s32 $0x29400, s0;
	s18 =	smul.u32 $0x500, s13  }
0x9: {  	s16 =	sadd.s32 $0x28E00, s0;
	s17 =	sadd.s32 $0x28C00, s0;
	s11 =	smul.u32 $0x50000, s13  }
0xa: {  	s23 =	smul.u32 $0xA00, s13;
	_ =	strace $0x8000004D;
	[dreg:$0x5] =	wrdreg s9  }
0xb: {  	s10 =	sadd.s32 $0x29A00, s0;
	s7 =	smul.u32 $0x140000, s4;
	[dreg:$0x6] =	wrdreg s16  }
0xc: {  	[dreg:$0x7] =	wrdreg s17;
	s19 =	sshll.u32 s4, $0x7;
	s20 =	ssub.s32 $0x2, s4  }
0xd: {  	s4 =	sshll.u32 s4, $0x4;
	s12 =	sshrl.u32 s20, $0x1;
	s22 =	sshrl.u32 s11, $0x2  }
0xe: {  	s4 =	sor.u32 s13, s4;
	s9 =	sshrl.u32 s23, $0x2;
	s23 =	simm.s32 $0x16A80  }
0xf: {  	s7 =	sadd.s32 s8, s7;
	s8 =	sor.u32 s19, s18;
	s21 =	ssub.s32 s20, s12  }
0x10: {  	s11 =	sadd.s32 s22, s2;
	s16 =	sadd.s32 s9, s3;
	s17 =	smul.u32 $0x2800, s4  }
0x11: {  	s22 =	simm.s32 $0x4;
	s4 =	simm.s32 $0x0;
	s7 =	sshrl.u32 s7, $0x3  }
0x12: {  	s8 =	sshrl.u32 s8, $0x3;
	s24 =	sadd.s32 $0x4000, s11;
	s25 =	sadd.s32 $0x8000, s11  }
0x13: {  	s26 =	sadd.s32 $0xC000, s11;
	s15 =	sadd.s32 $0x10000, s11;
	[dreg:$0x8] =	wrdreg s24  }
0x14: {  	s20 =	smax.u32 s21, $0x1;
	s21 =	simm.s32 $0x14280;
	[dreg:$0x9] =	wrdreg s25  }
0x15: {  	s7 =	sadd.s32 s7, s0;
	s0 =	sadd.s32 s8, s0;
	[dreg:$0xa] =	wrdreg s26  }
0x16: {  	s25 =	simm.s32 $0x19480;
	s24 =	simm.s32 $0x2;
	s26 =	simm.s32 $0x3  }
0x17: {  	v0 =	vimm.f32 $0.0e+00;
	s18 =	sadd.s32 $0x5C400, s7;
	s19 =	sadd.s32 $0x5BA00, s0;
	s0 =	simm.s32 $0x1  }
.LBB2_1:
0x18: {  	s7 =	rddreg [dreg:$0x5]  }
0x19: {  	[tilespmem:s21], [sflag:$0x4] =	stream.linear.gather [hbm4b:s7+s5], $0x2800, $0x38;
	[tilespmem:$0x1D700] =	vst v63  }
0x1a: {  	_ =	swait.ge [sflag:s22], $0x2800  }
0x1b: {  	[sflag:s22] =	ssyncset.done $0x0  }
0x1c: {  	s13 =	rddreg [dreg:$0x6];
	[sflag:s22] =	ssyncadd.s32 $0xFFFFD800  }
0x1d: {  	[tilespmem:s23], [sflag:$0x4] =	stream.linear.gather [hbm4b:s13+s5], $0x2800, $0x38;
	[tilespmem:$0x1D700] =	vst v63  }
0x1e: {  	_ =	swait.ge [sflag:s22], $0x2800  }
0x1f: {  	[sflag:s22] =	ssyncset.done $0x0  }
0x20: {  	s8 =	simm.s32 $0x19280;
	s14 =	rddreg [dreg:$0x7];
	[sflag:s22] =	ssyncadd.s32 $0xFFFFD800  }
0x21: {  	[tilespmem:s8], [sflag:$0x4] =	stream.linear.gather [hbm4b:s14+s5], $0x80, $0x38;
	[tilespmem:$0x1D700] =	vst v63  }
0x22: {  	_ =	swait.ge [sflag:s22], $0x80  }
0x23: {  	[sflag:s22] =	ssyncset.done $0x0  }
0x24: {  	s7 =	simm.s32 $0x0;
	s8 =	simm.s32 $0x200;
	[sflag:s22] =	ssyncadd.s32 $0xFFFFFF80  }
.LBB2_2:
0x25: {  	p0 =	sne.s32 s8, $0xFE00;
	[tilespmem:s7+$0x194F0] =	vst v0  }
0x26: {  	[tilespmem:s7+$0x19480] =	vst v0  }
0x27: {  	[tilespmem:s7+$0x19490] =	vst v0  }
.Ltmp0:
0x28: {  	[tilespmem:s7+$0x194A0] =	vst v0;
	(pc) =	sbr.rel @p0 .LBB2_2-.Ltmp0, $4  }
0x29: {  	[tilespmem:s7+$0x194B0] =	vst v0  }
0x2a: {  	[tilespmem:s7+$0x194C0] =	vst v0  }
0x2b: {  	[tilespmem:s7+$0x194D0] =	vst v0  }
0x2c: {  	[tilespmem:s7+$0x194E0] =	vst v0;
	s7 =	sshra.s32 s8, $0x2;
	s8 =	sadd.s32 $0x200, s8  }
0x2d: {  	[tilespmem:s7+$0x194F0] =	vst v0  }
0x2e: {  	[tilespmem:s7+$0x19480] =	vst v0  }
0x2f: {  	[tilespmem:s7+$0x19490] =	vst v0  }
0x30: {  	[tilespmem:s7+$0x194A0] =	vst v0  }
0x31: {  	[tilespmem:s7+$0x194B0] =	vst v0  }
0x32: {  	[tilespmem:s7+$0x194C0] =	vst v0  }
0x33: {  	[tilespmem:s7+$0x194D0] =	vst v0  }
0x34: {  	[tilespmem:s7+$0x194E0] =	vst v0  }
0x35: {  	[tilespmem:$0x1D480] =	vst v0  }
0x36: {  	[tilespmem:$0x1D490] =	vst v0  }
0x37: {  	[tilespmem:$0x1D4A0] =	vst v0  }
0x38: {  	[tilespmem:$0x1D4B0] =	vst v0  }
0x39: {  	[tilespmem:$0x1D4C0] =	vst v0  }
0x3a: {  	[tilespmem:$0x1D4D0] =	vst v0  }
0x3b: {  	[tilespmem:$0x1D4E0] =	vst v0  }
0x3c: {  	[tilespmem:$0x1D4F0] =	vst v0  }
0x3d: {  	[tilespmem:$0x1D500] =	vst v0  }
0x3e: {  	[tilespmem:$0x1D510] =	vst v0  }
0x3f: {  	[tilespmem:$0x1D520] =	vst v0  }
0x40: {  	[tilespmem:$0x1D530] =	vst v0  }
0x41: {  	[tilespmem:$0x1D540] =	vst v0  }
0x42: {  	[tilespmem:$0x1D550] =	vst v0  }
0x43: {  	[tilespmem:$0x1D560] =	vst v0  }
0x44: {  	[tilespmem:$0x1D570] =	vst v0  }
0x45: {  	[tilespmem:$0x1D580] =	vst v0  }
0x46: {  	[tilespmem:$0x1D590] =	vst v0  }
0x47: {  	[tilespmem:$0x1D5A0] =	vst v0  }
0x48: {  	[tilespmem:$0x1D5B0] =	vst v0  }
0x49: {  	[tilespmem:$0x1D5C0] =	vst v0  }
0x4a: {  	[tilespmem:$0x1D5D0] =	vst v0  }
0x4b: {  	[tilespmem:$0x1D5E0] =	vst v0  }
0x4c: {  	[tilespmem:$0x1D5F0] =	vst v0  }
0x4d: {  	[tilespmem:$0x1D600] =	vst v0  }
0x4e: {  	[tilespmem:$0x1D610] =	vst v0  }
0x4f: {  	[tilespmem:$0x1D620] =	vst v0  }
0x50: {  	[tilespmem:$0x1D630] =	vst v0  }
0x51: {  	[tilespmem:$0x1D640] =	vst v0  }
0x52: {  	[tilespmem:$0x1D650] =	vst v0  }
0x53: {  	[tilespmem:$0x1D660] =	vst v0  }
0x54: {  	[tilespmem:$0x1D670] =	vst v0  }
0x55: {  	[tilespmem:$0x1D680] =	vst v0  }
0x56: {  	[tilespmem:$0x1D690] =	vst v0  }
0x57: {  	[tilespmem:$0x1D6A0] =	vst v0  }
0x58: {  	[tilespmem:$0x1D6B0] =	vst v0  }
0x59: {  	[tilespmem:$0x1D6C0] =	vst v0  }
0x5a: {  	[tilespmem:$0x1D6D0] =	vst v0  }
0x5b: {  	[tilespmem:$0x1D6E0] =	vst v0  }
0x5c: {  	[tilespmem:$0x1D6F0] =	vst v0  }
0x5d: {  	[spmem:s11] =	stream.linear.scatter [tilespmem:s25], [sflag:$0x4], $0x4000, $0x38;
	[tilespmem:$0x1D700] =	vst v63  }
0x5e: {  	_ =	swait.ge [sflag:s22], $0x4000  }
0x5f: {  	[sflag:s22] =	ssyncset.done $0x0  }
0x60: {  	s9 =	rddreg [dreg:$0x8];
	[sflag:s22] =	ssyncadd.s32 $0xFFFFC000  }
0x61: {  	[spmem:s9] =	stream.linear.scatter [tilespmem:s25], [sflag:$0x4], $0x4000, $0x38;
	[tilespmem:$0x1D700] =	vst v63  }
0x62: {  	_ =	swait.ge [sflag:s22], $0x4000  }
0x63: {  	[sflag:s22] =	ssyncset.done $0x0  }
0x64: {  	s12 =	rddreg [dreg:$0x9];
	[sflag:s22] =	ssyncadd.s32 $0xFFFFC000  }
0x65: {  	[spmem:s12] =	stream.linear.scatter [tilespmem:s25], [sflag:$0x4], $0x4000, $0x38;
	[tilespmem:$0x1D700] =	vst v63  }
0x66: {  	_ =	swait.ge [sflag:s22], $0x4000  }
0x67: {  	[sflag:s22] =	ssyncset.done $0x0  }
0x68: {  	s13 =	rddreg [dreg:$0xa];
	[sflag:s22] =	ssyncadd.s32 $0xFFFFC000  }
0x69: {  	[spmem:s13] =	stream.linear.scatter [tilespmem:s25], [sflag:$0x4], $0x4000, $0x38;
	[tilespmem:$0x1D700] =	vst v63  }
0x6a: {  	_ =	swait.ge [sflag:s22], $0x4000  }
0x6b: {  	[sflag:s22] =	ssyncset.done $0x0  }
0x6c: {  	[sflag:s22] =	ssyncadd.s32 $0xFFFFC000  }
0x6d: {  	[spmem:s15] =	stream.linear.scatter [tilespmem:s25], [sflag:$0x4], $0x4000, $0x38;
	[tilespmem:$0x1D700] =	vst v63  }
0x6e: {  	_ =	swait.ge [sflag:s22], $0x4000  }
0x6f: {  	[sflag:s22] =	ssyncset.done $0x0  }
0x70: {  	s14 =	simm.s32 $0x1D480;
	[sflag:s22] =	ssyncadd.s32 $0xFFFFC000  }
0x71: {  	[spmem:s16] =	stream.linear.scatter [tilespmem:s14], [sflag:$0x4], $0x280, $0x38;
	[tilespmem:$0x1D700] =	vst v63  }
0x72: {  	_ =	swait.ge [sflag:s22], $0x280  }
0x73: {  	[sflag:s22] =	ssyncset.done $0x0  }
0x74: {  	[sflag:s22] =	ssyncadd.s32 $0xFFFFFD80  }
0x75: {  	s7 =	simm.s32 $0x0;
	s8 =	simm.s32 $0x0;
	v1 =	vld [tilespmem:$0x19280];
	[bflag:$0x0] =	sbarrier.arrive $0xFFFF  }
.LBB2_4:
0x76: {  	s9 =	sshll.u32 s8, $0x7  }
0x77: {  	s12 =	sand.u32 $0x3C00, s9  }
0x78: {  	s9 =	sand.u32 $0x380, s9;
	s12 =	sadd.s32 s17, s12  }
0x79: {  	s9 =	sor.u32 s9, s12  }
0x7a: {  	s9 =	sshrl.u32 s9, $0x3  }
0x7b: {  	s14 =	sadd.s32 s1, s9  }
0x7c: {  	[tilespmem:s28], [sflag:$0x4] =	stream.linear.gather [hbm4b:s14+s7], $0x80, $0x38;
	[tilespmem:$0x1D700] =	vst v63  }
0x7d: {  	_ =	swait.ge [sflag:s22], $0x80  }
0x7e: {  	[sflag:s22] =	ssyncset.done $0x0  }
0x7f: {  	s9 =	sadd.s32 s10, s9;
	[sflag:s22] =	ssyncadd.s32 $0xFFFFFF80  }
0x80: {  	[tilespmem:s29], [sflag:$0x4] =	stream.linear.gather [hbm4b:s9+s7], $0x80, $0x38;
	[tilespmem:$0x1D700] =	vst v63  }
0x81: {  	_ =	swait.ge [sflag:s22], $0x80  }
0x82: {  	[sflag:s22] =	ssyncset.done $0x0  }
0x83: {  	[sflag:s22] =	ssyncadd.s32 $0xFFFFFF80  }
0x84: {  	[tilespmem:s25], [sflag:$0x1] =	stream.indirect.gather [hbm4b:s6+s30], $0x80, s28, s30, $0xb8;
	[tilespmem:$0x1D700] =	vst v63  }
0x85: {  	v2 =	vld [tilespmem:$0x19300]  }
0x86: {  	v3 =	vld [tilespmem:$0x19380];
	_ =	sdelay $0x6  }
0x87: {  	v2 =	vld.idx.msk [tilespmem:v2+s21+$0x0], $0xffff  }
0x88: {  	v3 =	vld.idx.msk [tilespmem:v3+s23+$0x0], $0xffff;
	_ =	sdelay $0x4  }
0x89: {  	v2 =	vadd.f32 v3, v2;
	_ =	sdelay $0x1  }
0x8a: {  	v3 =	vadd.f32 v3, v1;
	v4 =	vmul.f32 $2.000000030e-01, v2  }
0x8b: {  	vm0 =	vge.f32 v2, $0.0e+00  }
0x8c: {  	v3 =	vmax.f32 v3, $0.0e+00;
	v2 =	vsel vm0, v2, v4  }
0x8d: {  	v2 =	vsub.f32 v2, v3;
	_ =	sdelay $0x1  }
0x8e: {  	v2 =	vmul.f32 $1.442695020e+00, v2;
	_ =	sdelay $0x1  }
0x8f: {  	(erf) = vpow2.f32 v2;
	_ =	sdelay $0x2  }
0x90: {  	v2 =	vld [tilespmem:$0x19310]  }
0x91: {  	v3 =	vld [tilespmem:$0x19390];
	_ =	sdelay $0x4  }
0x92: {  	v4 =	vpop (erf)  }
0x93: {  	[tilespmem:$0x19400] =	vst v4  }
0x94: {  	v2 =	vld.idx.msk [tilespmem:v2+s21+$0x0], $0xffff  }
0x95: {  	v3 =	vld.idx.msk [tilespmem:v3+s23+$0x0], $0xffff;
	_ =	sdelay $0x4  }
0x96: {  	v2 =	vadd.f32 v3, v2;
	_ =	sdelay $0x1  }
0x97: {  	v3 =	vadd.f32 v3, v1;
	v4 =	vmul.f32 $2.000000030e-01, v2  }
0x98: {  	vm9 =	vge.f32 v2, $0.0e+00  }
0x99: {  	v3 =	vmax.f32 v3, $0.0e+00;
	v2 =	vsel vm9, v2, v4  }
0x9a: {  	v2 =	vsub.f32 v2, v3;
	_ =	sdelay $0x1  }
0x9b: {  	v2 =	vmul.f32 $1.442695020e+00, v2;
	_ =	sdelay $0x1  }
0x9c: {  	(erf) = vpow2.f32 v2;
	_ =	sdelay $0x2  }
0x9d: {  	v2 =	vld [tilespmem:$0x19320]  }
0x9e: {  	v3 =	vld [tilespmem:$0x193A0];
	_ =	sdelay $0x4  }
0x9f: {  	v4 =	vpop (erf)  }
0xa0: {  	[tilespmem:$0x19410] =	vst v4  }
0xa1: {  	v2 =	vld.idx.msk [tilespmem:v2+s21+$0x0], $0xffff  }
0xa2: {  	v3 =	vld.idx.msk [tilespmem:v3+s23+$0x0], $0xffff;
	_ =	sdelay $0x4  }
0xa3: {  	v2 =	vadd.f32 v3, v2;
	_ =	sdelay $0x1  }
0xa4: {  	v3 =	vadd.f32 v3, v1;
	v4 =	vmul.f32 $2.000000030e-01, v2  }
0xa5: {  	vm10 =	vge.f32 v2, $0.0e+00  }
0xa6: {  	v3 =	vmax.f32 v3, $0.0e+00;
	v2 =	vsel vm10, v2, v4  }
0xa7: {  	v2 =	vsub.f32 v2, v3;
	_ =	sdelay $0x1  }
0xa8: {  	v2 =	vmul.f32 $1.442695020e+00, v2;
	_ =	sdelay $0x1  }
0xa9: {  	(erf) = vpow2.f32 v2;
	_ =	sdelay $0x2  }
0xaa: {  	v2 =	vld [tilespmem:$0x19330]  }
0xab: {  	v3 =	vld [tilespmem:$0x193B0];
	_ =	sdelay $0x4  }
0xac: {  	v4 =	vpop (erf)  }
0xad: {  	[tilespmem:$0x19420] =	vst v4  }
0xae: {  	v2 =	vld.idx.msk [tilespmem:v2+s21+$0x0], $0xffff  }
0xaf: {  	v3 =	vld.idx.msk [tilespmem:v3+s23+$0x0], $0xffff;
	_ =	sdelay $0x4  }
0xb0: {  	v2 =	vadd.f32 v3, v2;
	_ =	sdelay $0x1  }
0xb1: {  	v3 =	vadd.f32 v3, v1;
	v4 =	vmul.f32 $2.000000030e-01, v2  }
0xb2: {  	vm11 =	vge.f32 v2, $0.0e+00  }
0xb3: {  	v3 =	vmax.f32 v3, $0.0e+00;
	v2 =	vsel vm11, v2, v4  }
0xb4: {  	v2 =	vsub.f32 v2, v3;
	_ =	sdelay $0x1  }
0xb5: {  	v2 =	vmul.f32 $1.442695020e+00, v2;
	_ =	sdelay $0x1  }
0xb6: {  	(erf) = vpow2.f32 v2;
	_ =	sdelay $0x2  }
0xb7: {  	v2 =	vld [tilespmem:$0x19340]  }
0xb8: {  	v3 =	vld [tilespmem:$0x193C0];
	_ =	sdelay $0x4  }
0xb9: {  	v4 =	vpop (erf)  }
0xba: {  	[tilespmem:$0x19430] =	vst v4  }
0xbb: {  	v2 =	vld.idx.msk [tilespmem:v2+s21+$0x0], $0xffff  }
0xbc: {  	v3 =	vld.idx.msk [tilespmem:v3+s23+$0x0], $0xffff;
	_ =	sdelay $0x4  }
0xbd: {  	v2 =	vadd.f32 v3, v2;
	_ =	sdelay $0x1  }
0xbe: {  	v3 =	vadd.f32 v3, v1;
	v4 =	vmul.f32 $2.000000030e-01, v2  }
0xbf: {  	vm12 =	vge.f32 v2, $0.0e+00  }
0xc0: {  	v3 =	vmax.f32 v3, $0.0e+00;
	v2 =	vsel vm12, v2, v4  }
0xc1: {  	v2 =	vsub.f32 v2, v3;
	_ =	sdelay $0x1  }
0xc2: {  	v2 =	vmul.f32 $1.442695020e+00, v2;
	_ =	sdelay $0x1  }
0xc3: {  	(erf) = vpow2.f32 v2;
	_ =	sdelay $0x2  }
0xc4: {  	v2 =	vld [tilespmem:$0x19350]  }
0xc5: {  	v3 =	vld [tilespmem:$0x193D0];
	_ =	sdelay $0x4  }
0xc6: {  	v4 =	vpop (erf)  }
0xc7: {  	[tilespmem:$0x19440] =	vst v4  }
0xc8: {  	v2 =	vld.idx.msk [tilespmem:v2+s21+$0x0], $0xffff  }
0xc9: {  	v3 =	vld.idx.msk [tilespmem:v3+s23+$0x0], $0xffff;
	_ =	sdelay $0x4  }
0xca: {  	v2 =	vadd.f32 v3, v2;
	_ =	sdelay $0x1  }
0xcb: {  	v3 =	vadd.f32 v3, v1;
	v4 =	vmul.f32 $2.000000030e-01, v2  }
0xcc: {  	vm13 =	vge.f32 v2, $0.0e+00  }
0xcd: {  	v3 =	vmax.f32 v3, $0.0e+00;
	v2 =	vsel vm13, v2, v4  }
0xce: {  	v2 =	vsub.f32 v2, v3;
	_ =	sdelay $0x1  }
0xcf: {  	v2 =	vmul.f32 $1.442695020e+00, v2;
	_ =	sdelay $0x1  }
0xd0: {  	(erf) = vpow2.f32 v2;
	_ =	sdelay $0x2  }
0xd1: {  	v2 =	vld [tilespmem:$0x19360]  }
0xd2: {  	v3 =	vld [tilespmem:$0x193E0];
	_ =	sdelay $0x4  }
0xd3: {  	v4 =	vpop (erf)  }
0xd4: {  	[tilespmem:$0x19450] =	vst v4  }
0xd5: {  	v2 =	vld.idx.msk [tilespmem:v2+s21+$0x0], $0xffff  }
0xd6: {  	v3 =	vld.idx.msk [tilespmem:v3+s23+$0x0], $0xffff;
	_ =	sdelay $0x4  }
0xd7: {  	v2 =	vadd.f32 v3, v2;
	_ =	sdelay $0x1  }
0xd8: {  	v3 =	vadd.f32 v3, v1;
	v4 =	vmul.f32 $2.000000030e-01, v2  }
0xd9: {  	vm14 =	vge.f32 v2, $0.0e+00  }
0xda: {  	v3 =	vmax.f32 v3, $0.0e+00;
	v2 =	vsel vm14, v2, v4  }
0xdb: {  	v2 =	vsub.f32 v2, v3;
	_ =	sdelay $0x1  }
0xdc: {  	v2 =	vmul.f32 $1.442695020e+00, v2;
	_ =	sdelay $0x1  }
0xdd: {  	(erf) = vpow2.f32 v2;
	_ =	sdelay $0x2  }
0xde: {  	v2 =	vld [tilespmem:$0x19370]  }
0xdf: {  	v3 =	vld [tilespmem:$0x193F0];
	_ =	sdelay $0x4  }
0xe0: {  	v4 =	vpop (erf)  }
0xe1: {  	[tilespmem:$0x19460] =	vst v4  }
0xe2: {  	v2 =	vld.idx.msk [tilespmem:v2+s21+$0x0], $0xffff  }
0xe3: {  	v3 =	vld.idx.msk [tilespmem:v3+s23+$0x0], $0xffff;
	_ =	sdelay $0x4  }
0xe4: {  	v2 =	vadd.f32 v3, v2;
	_ =	sdelay $0x1  }
0xe5: {  	v3 =	vadd.f32 v3, v1;
	v4 =	vmul.f32 $2.000000030e-01, v2  }
0xe6: {  	vm15 =	vge.f32 v2, $0.0e+00  }
0xe7: {  	v3 =	vmax.f32 v3, $0.0e+00;
	v2 =	vsel vm15, v2, v4  }
0xe8: {  	v2 =	vsub.f32 v2, v3;
	_ =	sdelay $0x1  }
0xe9: {  	v2 =	vmul.f32 $1.442695020e+00, v2;
	_ =	sdelay $0x1  }
0xea: {  	(erf) = vpow2.f32 v2;
	_ =	sdelay $0x8  }
0xeb: {  	v2 =	vpop (erf)  }
0xec: {  	[tilespmem:$0x19470] =	vst v2  }
0xed: {  	[spmem:s3] =	stream.indirect.scatter.add.f32 [tilespmem:s31], [sflag:$0x3], $0x1, s29, s30, $0xb8;
	[tilespmem:$0x1D700] =	vst v63  }
0xee: {  	_ =	swait.ge [sflag:s0], $0x4000  }
0xef: {  	v2 =	vmov s7;
	[sflag:s0] =	ssyncset.done $0x0  }
0xf0: {  	s9 =	simm.s32 $0x194C0;
	[sflag:s0] =	ssyncadd.s32 $0xFFFFC000  }
0xf1: {  	v6 =	vld [tilespmem:s9+$0x30]  }
0xf2: {  	v9 =	vld [tilespmem:s9+$0x10]  }
0xf3: {  	v7 =	vld [tilespmem:s9+$0xFFFFFFC0]  }
0xf4: {  	v3 =	vld.idx.msk [tilespmem:v2+s31+$0x0], $0xffff  }
0xf5: {  	v11 =	vld [tilespmem:s9+$0xFFFFFFE0]  }
0xf6: {  	v2 =	vld [tilespmem:s9+$0xFFFFFFF0]  }
0xf7: {  	v4 =	vld [tilespmem:s9+$0x20]  }
0xf8: {  	v5 =	vld [tilespmem:s9+$0xFFFFFFD0]  }
0xf9: {  	v10 =	vmul.f32 v6, v3;
	v6 =	vld [tilespmem:s9+$0x0]  }
0xfa: {  	v8 =	vmul.f32 v7, v3  }
0xfb: {  	s13 =	simm.s32 $0x194C0;
	s12 =	simm.s32 $0x1;
	v7 =	vmul.f32 v11, v3;
	v9 =	vmul.f32 v9, v3  }
.LBB2_5:
0xfc: {  	p0 =	sne.s32 s12, $0x7F  }
0xfd: {  	v5 =	vmul.f32 v5, v3;
	v4 =	vmul.f32 v4, v3;
	[tilespmem:s9+$0x30] =	vst v10;
	s13 =	sadd.s32 $0x80, s13;
	s14 =	smov.u32 s12;
	s12 =	sadd.s32 $0x1, s12  }
0xfe: {  	[tilespmem:s9+$0xFFFFFFC0] =	vst v8;
	v8 =	vmul.f32 v2, v3;
	v3 =	vmul.f32 v6, v3  }
0xff: {  	[tilespmem:s9+$0x10] =	vst v9  }
0x100: {  	v6 =	vmov s14;
	[tilespmem:s9+$0xFFFFFFE0] =	vst v7  }
0x101: {  	v2 =	vld [tilespmem:s13+$0xFFFFFFF0];
	[tilespmem:s9+$0xFFFFFFF0] =	vst v8  }
0x102: {  	v7 =	vld [tilespmem:s13+$0x30];
	[tilespmem:s9+$0x0] =	vst v3  }
0x103: {  	v9 =	vld [tilespmem:s13+$0x10];
	[tilespmem:s9+$0x20] =	vst v4  }
0x104: {  	v8 =	vld [tilespmem:s13+$0xFFFFFFC0];
	[tilespmem:s9+$0xFFFFFFD0] =	vst v5;
	s9 =	smov.u32 s13  }
0x105: {  	v3 =	vld.idx.msk [tilespmem:v6+s31+$0x0], $0xffff  }
0x106: {  	v11 =	vld [tilespmem:s13+$0xFFFFFFE0]  }
0x107: {  	v4 =	vld [tilespmem:s13+$0x20]  }
.Ltmp1:
0x108: {  	v5 =	vld [tilespmem:s13+$0xFFFFFFD0];
	(pc) =	sbr.rel @p0 .LBB2_5-.Ltmp1, $3  }
0x109: {  	v6 =	vld [tilespmem:s13+$0x0];
	_ =	sdelay $0x1  }
0x10a: {  	v8 =	vmul.f32 v8, v3;
	v10 =	vmul.f32 v7, v3  }
0x10b: {  	v9 =	vmul.f32 v9, v3;
	v7 =	vmul.f32 v11, v3  }
0x10c: {  	[tilespmem:s9+$0x30] =	vst v10  }
0x10d: {  	[tilespmem:s9+$0xFFFFFFC0] =	vst v8  }
0x10e: {  	v2 =	vmul.f32 v2, v3;
	[tilespmem:s9+$0x10] =	vst v9  }
0x10f: {  	v4 =	vmul.f32 v4, v3;
	[tilespmem:s9+$0xFFFFFFE0] =	vst v7  }
0x110: {  	v6 =	vmul.f32 v6, v3;
	[tilespmem:s9+$0xFFFFFFF0] =	vst v2  }
0x111: {  	v2 =	vmul.f32 v5, v3;
	[tilespmem:s9+$0x20] =	vst v4  }
0x112: {  	[tilespmem:s9+$0x0] =	vst v6  }
0x113: {  	s8 =	sadd.s32 $0x1, s8;
	[tilespmem:s9+$0xFFFFFFD0] =	vst v2  }
0x114: {  	[spmem:s2] =	stream.indirect.scatter.add.f32 [tilespmem:s25], [sflag:$0x2], $0x80, s29, s30, $0xb8;
	[tilespmem:$0x1D700] =	vst v63  }
0x115: {  	p0 =	sne.s32 s8, $0x4F;
	_ =	swait.ge [sflag:s24], $0x4000  }
.Ltmp2:
0x116: {  	[sflag:s24] =	ssyncset.done $0x0;
	(pc) =	sbr.rel @p0 .LBB2_4-.Ltmp2, $4  }
0x117: {  	[sflag:s24] =	ssyncadd.s32 $0xFFFFC000  }
0x118: {  	_ =	swait.ge [sflag:s26], $0x80  }
0x119: {  	[sflag:s26] =	ssyncset.done $0x0  }
0x11a: {  	[sflag:s26] =	ssyncadd.s32 $0xFFFFFF80  }
0x11b: {  	s7 =	stileid.u32  }
0x11c: {  	s7 =	sshll.u32 s7, $0x6  }
0x11d: {  	[bflag:$0x0] =	sbarrier.arrive $0xFFFF;
	s8 =	sshrl.u32 s11, $0x3;
	s7 =	sor.u32 $0x1C04, s7  }
0x11e: {  	[hbm:s18], [sflag:s7] =	dma.local [spmem:s8], $0x2800  }
0x11f: {  	s14 =	sshrl.u32 s16, $0x3;
	s4 =	sadd.s32 $0x1, s4;
	_ =	swait.ge [sflag:s22], $0x2800  }
0x120: {  	s9 =	simm.s32 $0x20;
	p0 =	sne.s32 s4, s20;
	[sflag:s22] =	ssyncset.done $0x0  }
.Ltmp3:
0x121: {  	s12 =	simm.s32 $0x10;
	[sflag:s22] =	ssyncadd.s32 $0xFFFFD800;
	(pc) =	sbr.rel @p0 .LBB2_1-.Ltmp3, $4  }
0x122: {  	[hbm:s19@s9], [sflag:s7] =	dma.strided [spmem:s14@s12], $0x50, s0, $0x10   }
0x123: {  	_ =	swait.ge [sflag:s22], $0x50  }
0x124: {  	[sflag:s22] =	ssyncset.done $0x0  }
0x125: {  	[sflag:s22] =	ssyncadd.s32 $0xFFFFFFB0  }
0x126: {  	_ =	sfence.sel $0x180000  }
0x127: {  	[bflag:$0x0] =	sbarrier.arrive $0xFFFF  }
0x128: {  	_ =	strace $0x9000004D  }
0x129: {  	s0 =	stileid.u32;
	[bflag:$0x2] =	sbarrier.arrive $0xFFFF  }
0x12a: {  	p0 =	sne.s32 s0, $0x0;
	s0 =	rddreg [dreg:$0x4]  }
0x12b: {  	s0 =	sadd.s32 @!p0 $0x100000, s0  }
0x12c: {  	[sflag:s0] =	ssyncadd.tile.s32 @!p0 $0x1;
	_ =	shalt  }
.Lfunc_end2:
_tile_overlayer_lowered:
.L_overlay_start_2:
0x12d: {  	(tag) =	ssettag $0x2  }
0x12e: {  	s0 =	rddreg [dreg:$0x0];
	s2 =	stileid.u32  }
0x12f: {  	s1 =	rddreg [dreg:$0x1];
	p0 =	sne.s32 s2, $0x0  }
0x130: {  	s3 =	rddreg [dreg:$0x2];
	[bflag:$0x3] =	sbarrier.arrive $0xFFFF;
	s2 =	simm.s32 @!p0 $0x1C04  }
0x131: {  	[timem:s3], [sflag:s2] =	dma.local @!p0 [hbm:s0], s1  }
0x132: {  	s0 =	simm.s32 @!p0 $0x4  }
0x133: {  	_ =	swait.ge @!p0 [sflag:s0], s1  }
0x134: {  	s1 =	ssub.s32 @!p0 $0x0, s1;
	[sflag:s0] =	ssyncset.done @!p0 $0x0  }
0x135: {  	[sflag:s0] =	ssyncadd.s32 @!p0 s1  }
0x136: {  	[bflag:$0x3] =	sbarrier.arrive $0xFFFF  }
0x137: {  	_ =	shalt  }

</sc_bundles>
